<compile_context>
chip_gen: v7x
topology: tpu7x:2x2x1
jax: 0.10.2.dev20260603
libtpu: 0.0.44.dev20260713+nightly
codegen_flags: <defaults>
</compile_context>

<pallas_src>
import functools

import jax
import jax.numpy as jnp
from jax import lax
from jax.experimental import pallas as pl
from jax.experimental.pallas import tpu as pltpu
from jax.experimental.pallas import tpu_sc as plsc

NC = 2
NS = 16
NW = NC * NS
CH = 128


def _sc_degree(dstp, zeros1d):
    E2 = dstp.shape[0]
    N = zeros1d.shape[0]
    per_w = E2 // NW
    n_vec = per_w // 16

    mesh = plsc.VectorSubcoreMesh(
        core_axis_name="c", subcore_axis_name="s", num_cores=NC, num_subcores=NS)

    @functools.partial(
        pl.kernel,
        out_type=jax.ShapeDtypeStruct((NW * N,), jnp.float32),
        mesh=mesh,
        compiler_params=pltpu.CompilerParams(needs_layout_passes=False),
        scratch_types=[
            pltpu.VMEM((per_w,), jnp.int32),
            pltpu.VMEM((N + 128,), jnp.float32),
        ],
    )
    def k(dst_hbm, z_hbm, out_hbm, idx_v, hist_v):
        cid = lax.axis_index("c")
        sid = lax.axis_index("s")
        wid = cid * NS + sid
        pltpu.sync_copy(z_hbm, hist_v.at[pl.ds(0, N)])
        for j in range(8):
            hist_v[pl.ds(N + j * 16, 16)] = jnp.zeros((16,), jnp.float32)
        pltpu.sync_copy(dst_hbm.at[pl.ds(wid * per_w, per_w)], idx_v)
        ones = jnp.ones((16,), jnp.float32)

        def body(j, carry):
            iv = idx_v[pl.ds(j * 16, 16)]
            plsc.addupdate_scatter(hist_v, [iv], ones)
            return carry

        lax.fori_loop(0, n_vec, body, 0)
        pltpu.sync_copy(hist_v.at[pl.ds(0, N)], out_hbm.at[pl.ds(wid * N, N)])

    return k(dstp, zeros1d)


def _sc_edge_agg(ms, src1, dst1, zerosN):
    N, H = ms.shape
    E2 = src1.shape[0]
    per_w = E2 // NW
    n_ch = per_w // CH
    rem = per_w - n_ch * CH
    assert n_ch % 2 == 0 and n_ch >= 4
    rps = (N // NS) // 8 * 8
    rtail = N - rps * NS

    mesh = plsc.VectorSubcoreMesh(
        core_axis_name="c", subcore_axis_name="s", num_cores=NC, num_subcores=NS)

    @functools.partial(
        pl.kernel,
        out_type=jax.ShapeDtypeStruct((NC, N, H), jnp.float32),
        mesh=mesh,
        scratch_types=[
            pltpu.VMEM((CH,), jnp.int32),
            pltpu.VMEM((CH,), jnp.int32),
            pltpu.VMEM((CH,), jnp.int32),
            pltpu.VMEM((CH,), jnp.int32),
            pltpu.VMEM((rem if rem else 8,), jnp.int32),
            pltpu.VMEM((rem if rem else 8,), jnp.int32),
            pltpu.VMEM((CH, H), jnp.float32),
            pltpu.VMEM((CH, H), jnp.float32),
            pltpu.VMEM_SHARED((N, H), jnp.float32),
            pltpu.SemaphoreType.DMA,
            pltpu.SemaphoreType.DMA,
            pltpu.SemaphoreType.DMA,
            pltpu.SemaphoreType.DMA,
        ],
    )
    def k(ms_hbm, src_hbm, dst_hbm, z_hbm, out_hbm,
          sidx0, didx0, sidx1, didx1, sidx_r, didx_r, rows0, rows1, acc_sh,
          gsem0, gsem1, isem0, isem1):
        cid = lax.axis_index("c")
        sid = lax.axis_index("s")
        base = (cid * NS + sid) * per_w
        pltpu.sync_copy(z_hbm.at[pl.ds(sid * rps, rps)],
                        acc_sh.at[pl.ds(sid * rps, rps)])
        if rtail:
            @pl.when(sid == 0)
            def _():
                pltpu.sync_copy(z_hbm.at[pl.ds(rps * NS, rtail)],
                                acc_sh.at[pl.ds(rps * NS, rtail)])
        plsc.subcore_barrier()

        pltpu.sync_copy(src_hbm.at[pl.ds(base, CH)], sidx0)
        pltpu.sync_copy(dst_hbm.at[pl.ds(base, CH)], didx0)
        pltpu.async_copy(ms_hbm.at[sidx0], rows0, gsem0)
        pltpu.async_copy(src_hbm.at[pl.ds(base + CH, CH)], sidx1, isem1)
        pltpu.async_copy(dst_hbm.at[pl.ds(base + CH, CH)], didx1, isem1)

        def body(g, carry):
            t0 = 2 * g
            t1 = t0 + 1
            o1 = base + t1 * CH
            pltpu.make_async_copy(src_hbm.at[pl.ds(o1, CH)], sidx1, isem1).wait()
            pltpu.make_async_copy(dst_hbm.at[pl.ds(o1, CH)], didx1, isem1).wait()
            pltpu.async_copy(ms_hbm.at[sidx1], rows1, gsem1)
            pltpu.make_async_copy(ms_hbm.at[sidx0], rows0, gsem0).wait()
            pltpu.sync_copy(rows0, acc_sh.at[didx0], add=True)
            o2 = base + jnp.minimum(t0 + 2, n_ch - 2) * CH
            pltpu.async_copy(src_hbm.at[pl.ds(o2, CH)], sidx0, isem0)
            pltpu.async_copy(dst_hbm.at[pl.ds(o2, CH)], didx0, isem0)
            pltpu.make_async_copy(src_hbm.at[pl.ds(o2, CH)], sidx0, isem0).wait()
            pltpu.make_async_copy(dst_hbm.at[pl.ds(o2, CH)], didx0, isem0).wait()

            @pl.when(t1 + 1 < n_ch)
            def _():
                pltpu.async_copy(ms_hbm.at[sidx0], rows0, gsem0)
            pltpu.make_async_copy(ms_hbm.at[sidx1], rows1, gsem1).wait()
            pltpu.sync_copy(rows1, acc_sh.at[didx1], add=True)
            o3 = base + jnp.minimum(t1 + 2, n_ch - 1) * CH
            pltpu.async_copy(src_hbm.at[pl.ds(o3, CH)], sidx1, isem1)
            pltpu.async_copy(dst_hbm.at[pl.ds(o3, CH)], didx1, isem1)
            return carry

        lax.fori_loop(0, n_ch // 2, body, 0)
        o_last = base + (n_ch - 1) * CH
        pltpu.make_async_copy(src_hbm.at[pl.ds(o_last, CH)], sidx1, isem1).wait()
        pltpu.make_async_copy(dst_hbm.at[pl.ds(o_last, CH)], didx1, isem1).wait()
        if rem:
            off = base + n_ch * CH
            pltpu.sync_copy(src_hbm.at[pl.ds(off, rem)], sidx_r)
            pltpu.sync_copy(dst_hbm.at[pl.ds(off, rem)], didx_r)
            pltpu.async_copy(
                ms_hbm.at[sidx_r], rows0.at[pl.ds(0, rem)], gsem0).wait()
            pltpu.sync_copy(rows0.at[pl.ds(0, rem)], acc_sh.at[didx_r], add=True)
        plsc.subcore_barrier()
        pltpu.sync_copy(acc_sh.at[pl.ds(sid * rps, rps)],
                        out_hbm.at[cid, pl.ds(sid * rps, rps)])
        if rtail:
            @pl.when(sid == 0)
            def _():
                pltpu.sync_copy(acc_sh.at[pl.ds(rps * NS, rtail)],
                                out_hbm.at[cid, pl.ds(rps * NS, rtail)])

    return k(ms, src1, dst1, zerosN)


def _sc_ctx_gather(fv, cidx):
    N, H = fv.shape
    T = cidx.shape[0]
    full = T // CH
    rem = T - full * CH
    n_w = full // NW
    extra = full % NW
    assert n_w >= 2

    mesh = plsc.VectorSubcoreMesh(
        core_axis_name="c", subcore_axis_name="s", num_cores=NC, num_subcores=NS)

    @functools.partial(
        pl.kernel,
        out_type=jax.ShapeDtypeStruct((T, H), jnp.float32),
        mesh=mesh,
        scratch_types=[
            pltpu.VMEM((CH,), jnp.int32),
            pltpu.VMEM((CH,), jnp.int32),
            pltpu.VMEM((rem if rem else 8,), jnp.int32),
            pltpu.VMEM((CH, H), jnp.float32),
            pltpu.VMEM((CH, H), jnp.float32),
            pltpu.SemaphoreType.DMA,
            pltpu.SemaphoreType.DMA,
            pltpu.SemaphoreType.DMA,
            pltpu.SemaphoreType.DMA,
        ],
    )
    def k(fv_hbm, cidx_hbm, out_hbm, idx0, idx1, idx_r, rows0, rows1,
          gsem0, gsem1, isem0, isem1):
        cid = lax.axis_index("c")
        sid = lax.axis_index("s")
        wid = cid * NS + sid
        nt = n_w + jnp.where(wid < extra, 1, 0).astype(jnp.int32)

        def off(t):
            return (t * NW + wid) * CH

        pltpu.sync_copy(cidx_hbm.at[pl.ds(off(0), CH)], idx0)
        pltpu.async_copy(fv_hbm.at[idx0], rows0, gsem0)
        pltpu.async_copy(cidx_hbm.at[pl.ds(off(1), CH)], idx1, isem1)

        def body(g, carry):
            t0 = 2 * g
            t1 = t0 + 1
            pltpu.make_async_copy(
                cidx_hbm.at[pl.ds(off(t1), CH)], idx1, isem1).wait()
            pltpu.async_copy(fv_hbm.at[idx1], rows1, gsem1)
            pltpu.make_async_copy(fv_hbm.at[idx0], rows0, gsem0).wait()
            pltpu.sync_copy(rows0, out_hbm.at[pl.ds(off(t0), CH)])
            o2 = off(jnp.minimum(t0 + 2, nt - 1))
            pltpu.async_copy(cidx_hbm.at[pl.ds(o2, CH)], idx0, isem0)
            pltpu.make_async_copy(cidx_hbm.at[pl.ds(o2, CH)], idx0, isem0).wait()

            @pl.when(t1 + 1 < 2 * (nt // 2))
            def _():
                pltpu.async_copy(fv_hbm.at[idx0], rows0, gsem0)
            pltpu.make_async_copy(fv_hbm.at[idx1], rows1, gsem1).wait()
            pltpu.sync_copy(rows1, out_hbm.at[pl.ds(off(t1), CH)])
            o3 = off(jnp.minimum(t1 + 2, nt - 1))
            pltpu.async_copy(cidx_hbm.at[pl.ds(o3, CH)], idx1, isem1)
            return carry

        lax.fori_loop(0, nt // 2, body, 0)
        pltpu.make_async_copy(
            cidx_hbm.at[pl.ds(off(nt - 1), CH)], idx1, isem1).wait()

        @pl.when(nt % 2 == 1)
        def _():
            t = nt - 1
            pltpu.sync_copy(cidx_hbm.at[pl.ds(off(t), CH)], idx0)
            pltpu.async_copy(fv_hbm.at[idx0], rows0, gsem0).wait()
            pltpu.sync_copy(rows0, out_hbm.at[pl.ds(off(t), CH)])

        if rem:
            @pl.when(wid == NW - 1)
            def _():
                o = full * CH
                pltpu.sync_copy(cidx_hbm.at[pl.ds(o, rem)], idx_r)
                pltpu.async_copy(
                    fv_hbm.at[idx_r], rows0.at[pl.ds(0, rem)], gsem0).wait()
                pltpu.sync_copy(rows0.at[pl.ds(0, rem)],
                                out_hbm.at[pl.ds(o, rem)])

    return k(fv, cidx)


def _dinv_from_degp(degp_blk):
    deg = jnp.sum(degp_blk, axis=0)[0, 0] + 1.0
    return lax.rsqrt(deg)


def _tc_scale_matmul(x, W, degp, blk=1000):
    N, H = x.shape

    def body(x_ref, w_ref, degp_ref, out_ref):
        dinv = _dinv_from_degp(degp_ref[...])
        m = jnp.dot(x_ref[...], w_ref[...], preferred_element_type=jnp.float32)
        out_ref[...] = m * dinv[:, None]

    return pl.pallas_call(
        body,
        grid=(N // blk,),
        in_specs=[
            pl.BlockSpec((blk, H), lambda i: (i, 0)),
            pl.BlockSpec((H, H), lambda i: (0, 0)),
            pl.BlockSpec((NW, 1, 1, blk), lambda i: (0, i, 0, 0)),
        ],
        out_specs=pl.BlockSpec((blk, H), lambda i: (i, 0)),
        out_shape=jax.ShapeDtypeStruct((N, H), jnp.float32),
    )(x, W, degp)


def _tc_combine_relu_matmul(aggp, ms, degp, W, b2, blk=1000):
    N, H = ms.shape

    def body(aggp_ref, ms_ref, degp_ref, w_ref, b_ref, out_ref):
        dinv = _dinv_from_degp(degp_ref[...])
        agg = aggp_ref[0] + aggp_ref[1] + ms_ref[...]
        h1 = jnp.maximum(agg * dinv[:, None] + b_ref[...], 0.0)
        m = jnp.dot(h1, w_ref[...], preferred_element_type=jnp.float32)
        out_ref[...] = m * dinv[:, None]

    return pl.pallas_call(
        body,
        grid=(N // blk,),
        in_specs=[
            pl.BlockSpec((NC, blk, H), lambda i: (0, i, 0)),
            pl.BlockSpec((blk, H), lambda i: (i, 0)),
            pl.BlockSpec((NW, 1, 1, blk), lambda i: (0, i, 0, 0)),
            pl.BlockSpec((H, H), lambda i: (0, 0)),
            pl.BlockSpec((1, H), lambda i: (0, 0)),
        ],
        out_specs=pl.BlockSpec((blk, H), lambda i: (i, 0)),
        out_shape=jax.ShapeDtypeStruct((N, H), jnp.float32),
    )(aggp, ms, degp, W, b2)


def _tc_combine_final(aggp, ms2, degp, b2, blk=1000):
    N, H = ms2.shape

    def body(aggp_ref, ms_ref, degp_ref, b_ref, out_ref):
        dinv = _dinv_from_degp(degp_ref[...])
        agg = aggp_ref[0] + aggp_ref[1] + ms_ref[...]
        out_ref[...] = agg * dinv[:, None] + b_ref[...]

    return pl.pallas_call(
        body,
        grid=(N // blk,),
        in_specs=[
            pl.BlockSpec((NC, blk, H), lambda i: (0, i, 0)),
            pl.BlockSpec((blk, H), lambda i: (i, 0)),
            pl.BlockSpec((NW, 1, 1, blk), lambda i: (0, i, 0, 0)),
            pl.BlockSpec((1, H), lambda i: (0, 0)),
        ],
        out_specs=pl.BlockSpec((blk, H), lambda i: (i, 0)),
        out_shape=jax.ShapeDtypeStruct((N, H), jnp.float32),
    )(aggp, ms2, degp, b2)


def _tc_resize_mul(ctx2d, Wr, br2, fv, blk=400):
    N, K = ctx2d.shape
    H = Wr.shape[1]

    def body(ctx_ref, wr_ref, br_ref, fv_ref, out_ref):
        r = jnp.dot(ctx_ref[...], wr_ref[...], preferred_element_type=jnp.float32)
        out_ref[...] = fv_ref[...] * (r + br_ref[...])

    return pl.pallas_call(
        body,
        grid=(N // blk,),
        in_specs=[
            pl.BlockSpec((blk, K), lambda i: (i, 0)),
            pl.BlockSpec((K, H), lambda i: (0, 0)),
            pl.BlockSpec((1, H), lambda i: (0, 0)),
            pl.BlockSpec((blk, H), lambda i: (i, 0)),
        ],
        out_specs=pl.BlockSpec((blk, H), lambda i: (i, 0)),
        out_shape=jax.ShapeDtypeStruct((N, H), jnp.float32),
    )(ctx2d, Wr, br2, fv)


def kernel(x, W, b, Wr, br, edge_index, context_idx):
    N, H = x.shape
    MC = context_idx.shape[1]
    src = edge_index[0]
    dst = edge_index[1]
    zeros1d = jnp.zeros((N,), jnp.float32)
    zerosN = jnp.zeros((N, H), jnp.float32)
    b2 = b.reshape(1, H)
    br2 = br.reshape(1, H)
    blk = 1000

    E = src.shape[0]
    assert E % NW == 0

    degp1d = _sc_degree(dst, zeros1d)
    degp = degp1d.reshape(NW, N // blk, 1, blk)
    ms = _tc_scale_matmul(x, W, degp)
    aggp1 = _sc_edge_agg(ms, src, dst, zerosN)
    ms2 = _tc_combine_relu_matmul(aggp1, ms, degp, W, b2)
    aggp2 = _sc_edge_agg(ms2, src, dst, zerosN)
    fv = _tc_combine_final(aggp2, ms2, degp, b2)
    ctx = _sc_ctx_gather(fv, context_idx.reshape(-1))
    rep = _tc_resize_mul(ctx.reshape(N, MC * H), Wr, br2, fv)
    return rep

# --- scband reference (transcript-rebuilt; emitter-appended) ---
"""Pipeline reference for scband-utango-36885179138382 (READ-ONLY COPY).

The authoritative reference and input builder live on the scoring server;
editing this copy changes nothing except your own understanding.
"""

import jax, jax.numpy as jnp
import numpy as np

H = 128
MAX_CONTEXT = 10
GCN_LAYERS = 3
N_NODES = 10000
N_EDGES = 320000

def setup_inputs(seed: int = 0) -> dict:
    key = jax.random.key(seed)
    ks = jax.random.split(key, 8)
    x = jax.random.normal(ks[0], (N_NODES, H), dtype=jnp.float32)
    edge_index = jax.random.randint(ks[1], (2, N_EDGES), 0, N_NODES, dtype=jnp.int32)
    context_idx = jax.random.randint(ks[2], (N_NODES, MAX_CONTEXT), 0, N_NODES, dtype=jnp.int32)
    # GCNConv learned params (shared across layers, as in the original module)
    W = jax.random.normal(ks[3], (H, H), dtype=jnp.float32) * 0.05
    b = jnp.zeros((H,), dtype=jnp.float32)
    # resize Linear: h_size*max_context -> h_size
    Wr = jax.random.normal(ks[4], (H * MAX_CONTEXT, H), dtype=jnp.float32) * 0.02
    br = jnp.zeros((H,), dtype=jnp.float32)
    return {"x": x, "W": W, "b": b, "Wr": Wr, "br": br,
            "edge_index": edge_index, "context_idx": context_idx}

def reference(x, W, b, Wr, br, edge_index, context_idx):
    N = x.shape[0]
    loops = jnp.arange(N, dtype=edge_index.dtype)
    src = jnp.concatenate([edge_index[0], loops])
    dst = jnp.concatenate([edge_index[1], loops])
    # symmetric GCN normalization with self-loops
    deg = jnp.zeros((N,), x.dtype).at[dst].add(1.0)
    dinv = jnp.where(deg > 0, 1.0 / jnp.sqrt(deg), 0.0)
    norm = dinv[src] * dinv[dst]

    def gcn(h):
        m = h @ W
        msg = jnp.take(m, src, axis=0) * norm[:, None]
        agg = jnp.zeros((N, W.shape[1]), x.dtype).at[dst].add(msg)
        return agg + b

    fv = x
    for _ in range(GCN_LAYERS - 1):
        # faithful to original: each iteration recomputes from node_features (x)
        fv = jax.nn.relu(gcn(x))
        # dropout is identity at inference
    fv = gcn(fv)

    # per-node context gather (node_label indices), zero-padded to max_context,
    # concat -> resize Linear -> elementwise product with node's own feature
    ctx = jnp.take(fv, context_idx, axis=0).reshape(N, MAX_CONTEXT * H)
    resized = ctx @ Wr + br
    rep = fv * resized
    # the sklearn AgglomerativeClustering post-processing is a CPU-side, non-tensor
    # step; the tensor computation ends at the representation vectors
    return rep

if __name__ == "__main__":
    import jax
    _d = setup_inputs()
    print(jax.jit(kernel)(*tuple(_d.values())))

</pallas_src>

<mosaic_0001>
#map = affine_map<(d0, d1) -> (0, 0)>
#map1 = affine_map<(d0, d1) -> (0)>
#map2 = affine_map<(d0, d1) -> (0, 0, 0)>
module attributes {stable_mosaic.version = 14 : i64} {
  func.func @k(%arg0: i32, %arg1: i32, %arg2: memref<10000x128xf32, #tpu.memory_space<hbm>>, %arg3: memref<320000xi32, #tpu.memory_space<hbm>>, %arg4: memref<320000xi32, #tpu.memory_space<hbm>>, %arg5: memref<10000x128xf32, #tpu.memory_space<hbm>>, %arg6: memref<2x10000x128xf32, #tpu.memory_space<hbm>>, %arg7: memref<128xi32, #tpu.memory_space<vmem>>, %arg8: memref<128xi32, #tpu.memory_space<vmem>>, %arg9: memref<128xi32, #tpu.memory_space<vmem>>, %arg10: memref<128xi32, #tpu.memory_space<vmem>>, %arg11: memref<16xi32, #tpu.memory_space<vmem>>, %arg12: memref<16xi32, #tpu.memory_space<vmem>>, %arg13: memref<128x128xf32, #tpu.memory_space<vmem>>, %arg14: memref<128x128xf32, #tpu.memory_space<vmem>>, %arg15: memref<10000x128xf32, #tpu.memory_space<vmem_shared>>, %arg16: memref<!tpu.dma_semaphore, #tpu.memory_space<semaphore_mem>>, %arg17: memref<!tpu.dma_semaphore, #tpu.memory_space<semaphore_mem>>, %arg18: memref<!tpu.dma_semaphore, #tpu.memory_space<semaphore_mem>>, %arg19: memref<!tpu.dma_semaphore, #tpu.memory_space<semaphore_mem>>) attributes {dimension_semantics = [#tpu.dimension_semantics<core_parallel>, #tpu.dimension_semantics<subcore_parallel>], iteration_bounds = array<i64: 2, 16>, scalar_prefetch = 0 : i64, scratch_operands = 13 : i64, tpu.core_type = #tpu.core_type<sc_vector_subcore>, window_params = [{transform_indices = #map}, {transform_indices = #map1}, {transform_indices = #map1}, {transform_indices = #map}, {transform_indices = #map2}]} {
    %mul3A = arith.constant 16 : i32
    %mul3A_0 = arith.muli %arg0, %mul3A : i32
    %add3A = arith.addi %mul3A_0, %arg1 : i32
    %mul3A_1 = arith.constant 10000 : i32
    %mul3A_2 = arith.muli %add3A, %mul3A_1 : i32
    %mul3A_3 = arith.constant 624 : i32
    %mul3A_4 = arith.muli %arg1, %mul3A_3 : i32
    %mul3A_5 = arith.constant 624 : i32
    %mul3A_6 = arith.muli %arg1, %mul3A_5 : i32
    "tpu.region"() ({
      %run_scoped3A = tpu.sem_alloc : memref<!tpu.dma_semaphore, #tpu.memory_space<semaphore_mem>>
      %dma_start3A_53 = arith.constant 0 : i32
      %dma_start3A_54 = tpu.memref_slice %arg15[%mul3A_6, %dma_start3A_53] : memref<10000x128xf32, #tpu.memory_space<vmem_shared>> -> memref<624x128xf32, #tpu.memory_space<vmem_shared>>
      %dma_start3A_55 = arith.constant 0 : i32
      %dma_start3A_56 = tpu.memref_slice %arg5[%mul3A_4, %dma_start3A_55] : memref<10000x128xf32, #tpu.memory_space<hbm>> -> memref<624x128xf32, #tpu.memory_space<hbm>>
      tpu.enqueue_dma source(%dma_start3A_56 : memref<624x128xf32, #tpu.memory_space<hbm>>) target(%dma_start3A_54 : memref<624x128xf32, #tpu.memory_space<vmem_shared>>) target_semaphore(%run_scoped3A : memref<!tpu.dma_semaphore, #tpu.memory_space<semaphore_mem>>)
      %dma_wait3A_57 = arith.constant 0 : i32
      %dma_wait3A_58 = tpu.memref_slice %arg15[%mul3A_6, %dma_wait3A_57] : memref<10000x128xf32, #tpu.memory_space<vmem_shared>> -> memref<624x128xf32, #tpu.memory_space<vmem_shared>>
      %dma_wait3A_59 = arith.constant 0 : i32
      %dma_wait3A_60 = tpu.memref_slice %arg5[%mul3A_4, %dma_wait3A_59] : memref<10000x128xf32, #tpu.memory_space<hbm>> -> memref<624x128xf32, #tpu.memory_space<hbm>>
      tpu.wait_dma2 semaphore(%run_scoped3A : memref<!tpu.dma_semaphore, #tpu.memory_space<semaphore_mem>>) src(%dma_wait3A_60 : memref<624x128xf32, #tpu.memory_space<hbm>>) dst(%dma_wait3A_58 : memref<624x128xf32, #tpu.memory_space<vmem_shared>>)
      tpu.yield
    }) : () -> ()
    %eq3A = arith.constant 0 : i32
    %eq3A_7 = arith.cmpi eq, %arg1, %eq3A : i32
    %convert_element_type3A = arith.extui %eq3A_7 : i1 to i32
    %cond3A = arith.constant 0 : i32
    %cond3A_8 = arith.cmpi ne, %convert_element_type3A, %cond3A : i32
    scf.if %cond3A_8 {
      "tpu.region"() ({
        %run_scoped3A = tpu.sem_alloc : memref<!tpu.dma_semaphore, #tpu.memory_space<semaphore_mem>>
        %dma_start3A_53 = arith.constant 9984 : i32
        %dma_start3A_54 = arith.constant 0 : i32
        %dma_start3A_55 = tpu.memref_slice %arg15[%dma_start3A_53, %dma_start3A_54] : memref<10000x128xf32, #tpu.memory_space<vmem_shared>> -> memref<16x128xf32, #tpu.memory_space<vmem_shared>>
        %dma_start3A_56 = arith.constant 9984 : i32
        %dma_start3A_57 = arith.constant 0 : i32
        %dma_start3A_58 = tpu.memref_slice %arg5[%dma_start3A_56, %dma_start3A_57] : memref<10000x128xf32, #tpu.memory_space<hbm>> -> memref<16x128xf32, #tpu.memory_space<hbm>>
        tpu.enqueue_dma source(%dma_start3A_58 : memref<16x128xf32, #tpu.memory_space<hbm>>) target(%dma_start3A_55 : memref<16x128xf32, #tpu.memory_space<vmem_shared>>) target_semaphore(%run_scoped3A : memref<!tpu.dma_semaphore, #tpu.memory_space<semaphore_mem>>)
        %dma_wait3A_59 = arith.constant 9984 : i32
        %dma_wait3A_60 = arith.constant 0 : i32
        %dma_wait3A_61 = tpu.memref_slice %arg15[%dma_wait3A_59, %dma_wait3A_60] : memref<10000x128xf32, #tpu.memory_space<vmem_shared>> -> memref<16x128xf32, #tpu.memory_space<vmem_shared>>
        %dma_wait3A_62 = arith.constant 9984 : i32
        %dma_wait3A_63 = arith.constant 0 : i32
        %dma_wait3A_64 = tpu.memref_slice %arg5[%dma_wait3A_62, %dma_wait3A_63] : memref<10000x128xf32, #tpu.memory_space<hbm>> -> memref<16x128xf32, #tpu.memory_space<hbm>>
        tpu.wait_dma2 semaphore(%run_scoped3A : memref<!tpu.dma_semaphore, #tpu.memory_space<semaphore_mem>>) src(%dma_wait3A_64 : memref<16x128xf32, #tpu.memory_space<hbm>>) dst(%dma_wait3A_61 : memref<16x128xf32, #tpu.memory_space<vmem_shared>>)
        tpu.yield
      }) : () -> ()
    } else {
    }
    %barrier3A = arith.constant 0 : index
    tpu.barrier barrier_id(%barrier3A)
    "tpu.region"() ({
      %run_scoped3A = tpu.sem_alloc : memref<!tpu.dma_semaphore, #tpu.memory_space<semaphore_mem>>
      %dma_start3A_53 = tpu.memref_slice %arg3[%mul3A_2] : memref<320000xi32, #tpu.memory_space<hbm>> -> memref<128xi32, #tpu.memory_space<hbm>>
      %dma_start3A_54 = tpu.memref_slice %arg3[%mul3A_2] : memref<320000xi32, #tpu.memory_space<hbm>> -> memref<128xi32, #tpu.memory_space<hbm>>
      tpu.enqueue_dma source(%dma_start3A_54 : memref<128xi32, #tpu.memory_space<hbm>>) target(%arg7 : memref<128xi32, #tpu.memory_space<vmem>>) target_semaphore(%run_scoped3A : memref<!tpu.dma_semaphore, #tpu.memory_space<semaphore_mem>>)
      %dma_wait3A_55 = tpu.memref_slice %arg3[%mul3A_2] : memref<320000xi32, #tpu.memory_space<hbm>> -> memref<128xi32, #tpu.memory_space<hbm>>
      %dma_wait3A_56 = tpu.memref_slice %arg3[%mul3A_2] : memref<320000xi32, #tpu.memory_space<hbm>> -> memref<128xi32, #tpu.memory_space<hbm>>
      tpu.wait_dma2 semaphore(%run_scoped3A : memref<!tpu.dma_semaphore, #tpu.memory_space<semaphore_mem>>) src(%dma_wait3A_56 : memref<128xi32, #tpu.memory_space<hbm>>) dst(%arg7 : memref<128xi32, #tpu.memory_space<vmem>>)
      tpu.yield
    }) : () -> ()
    "tpu.region"() ({
      %run_scoped3A = tpu.sem_alloc : memref<!tpu.dma_semaphore, #tpu.memory_space<semaphore_mem>>
      %dma_start3A_53 = tpu.memref_slice %arg4[%mul3A_2] : memref<320000xi32, #tpu.memory_space<hbm>> -> memref<128xi32, #tpu.memory_space<hbm>>
      %dma_start3A_54 = tpu.memref_slice %arg4[%mul3A_2] : memref<320000xi32, #tpu.memory_space<hbm>> -> memref<128xi32, #tpu.memory_space<hbm>>
      tpu.enqueue_dma source(%dma_start3A_54 : memref<128xi32, #tpu.memory_space<hbm>>) target(%arg8 : memref<128xi32, #tpu.memory_space<vmem>>) target_semaphore(%run_scoped3A : memref<!tpu.dma_semaphore, #tpu.memory_space<semaphore_mem>>)
      %dma_wait3A_55 = tpu.memref_slice %arg4[%mul3A_2] : memref<320000xi32, #tpu.memory_space<hbm>> -> memref<128xi32, #tpu.memory_space<hbm>>
      %dma_wait3A_56 = tpu.memref_slice %arg4[%mul3A_2] : memref<320000xi32, #tpu.memory_space<hbm>> -> memref<128xi32, #tpu.memory_space<hbm>>
      tpu.wait_dma2 semaphore(%run_scoped3A : memref<!tpu.dma_semaphore, #tpu.memory_space<semaphore_mem>>) src(%dma_wait3A_56 : memref<128xi32, #tpu.memory_space<hbm>>) dst(%arg8 : memref<128xi32, #tpu.memory_space<vmem>>)
      tpu.yield
    }) : () -> ()
    %dma_start3A = arith.constant 0 : i32
    %dma_start3A_9 = arith.constant 0 : i32
    %dma_start3A_10 = tpu.memref_slice %arg2[%dma_start3A, %dma_start3A_9] : memref<10000x128xf32, #tpu.memory_space<hbm>> -> memref<10000x128xf32, #tpu.memory_space<hbm>>
    tpu.enqueue_indirect_dma source(%dma_start3A_10 : memref<10000x128xf32, #tpu.memory_space<hbm>>) target(%arg13 : memref<128x128xf32, #tpu.memory_space<vmem>>) offsets(%arg7 : memref<128xi32, #tpu.memory_space<vmem>>) semaphore(%arg16 : memref<!tpu.dma_semaphore, #tpu.memory_space<semaphore_mem>>)
    %add3A_11 = arith.constant 128 : i32
    %add3A_12 = arith.addi %mul3A_2, %add3A_11 : i32
    %dma_start3A_13 = tpu.memref_slice %arg3[%add3A_12] : memref<320000xi32, #tpu.memory_space<hbm>> -> memref<128xi32, #tpu.memory_space<hbm>>
    %dma_start3A_14 = tpu.memref_slice %arg3[%add3A_12] : memref<320000xi32, #tpu.memory_space<hbm>> -> memref<128xi32, #tpu.memory_space<hbm>>
    tpu.enqueue_dma source(%dma_start3A_14 : memref<128xi32, #tpu.memory_space<hbm>>) target(%arg9 : memref<128xi32, #tpu.memory_space<vmem>>) target_semaphore(%arg19 : memref<!tpu.dma_semaphore, #tpu.memory_space<semaphore_mem>>)
    %add3A_15 = arith.constant 128 : i32
    %add3A_16 = arith.addi %mul3A_2, %add3A_15 : i32
    %dma_start3A_17 = tpu.memref_slice %arg4[%add3A_16] : memref<320000xi32, #tpu.memory_space<hbm>> -> memref<128xi32, #tpu.memory_space<hbm>>
    %dma_start3A_18 = tpu.memref_slice %arg4[%add3A_16] : memref<320000xi32, #tpu.memory_space<hbm>> -> memref<128xi32, #tpu.memory_space<hbm>>
    tpu.enqueue_dma source(%dma_start3A_18 : memref<128xi32, #tpu.memory_space<hbm>>) target(%arg10 : memref<128xi32, #tpu.memory_space<vmem>>) target_semaphore(%arg19 : memref<!tpu.dma_semaphore, #tpu.memory_space<semaphore_mem>>)
    %scan3A = arith.constant 0 : i32
    %scan3A_19 = arith.constant 0 : i32
    %scan3A_20 = arith.constant 39 : i32
    %scan3A_21 = arith.addi %scan3A_19, %scan3A_20 : i32
    %scan3A_22 = arith.constant 1 : i32
    scf.for %scan3A_53 = %scan3A_19 to %scan3A_21 step %scan3A_22  : i32 {
      %mul3A_54 = arith.constant 2 : i32
      %mul3A_55 = arith.muli %mul3A_54, %scan3A_53 : i32
      %add3A_56 = arith.constant 1 : i32
      %add3A_57 = arith.addi %mul3A_55, %add3A_56 : i32
      %mul3A_58 = arith.constant 128 : i32
      %mul3A_59 = arith.muli %add3A_57, %mul3A_58 : i32
      %add3A_60 = arith.addi %mul3A_2, %mul3A_59 : i32
      %dma_wait3A_61 = tpu.memref_slice %arg3[%add3A_60] : memref<320000xi32, #tpu.memory_space<hbm>> -> memref<128xi32, #tpu.memory_space<hbm>>
      %dma_wait3A_62 = tpu.memref_slice %arg3[%add3A_60] : memref<320000xi32, #tpu.memory_space<hbm>> -> memref<128xi32, #tpu.memory_space<hbm>>
      tpu.wait_dma2 semaphore(%arg19 : memref<!tpu.dma_semaphore, #tpu.memory_space<semaphore_mem>>) src(%dma_wait3A_62 : memref<128xi32, #tpu.memory_space<hbm>>) dst(%arg9 : memref<128xi32, #tpu.memory_space<vmem>>)
      %dma_wait3A_63 = tpu.memref_slice %arg4[%add3A_60] : memref<320000xi32, #tpu.memory_space<hbm>> -> memref<128xi32, #tpu.memory_space<hbm>>
      %dma_wait3A_64 = tpu.memref_slice %arg4[%add3A_60] : memref<320000xi32, #tpu.memory_space<hbm>> -> memref<128xi32, #tpu.memory_space<hbm>>
      tpu.wait_dma2 semaphore(%arg19 : memref<!tpu.dma_semaphore, #tpu.memory_space<semaphore_mem>>) src(%dma_wait3A_64 : memref<128xi32, #tpu.memory_space<hbm>>) dst(%arg10 : memref<128xi32, #tpu.memory_space<vmem>>)
      %dma_start3A_65 = arith.constant 0 : i32
      %dma_start3A_66 = arith.constant 0 : i32
      %dma_start3A_67 = tpu.memref_slice %arg2[%dma_start3A_65, %dma_start3A_66] : memref<10000x128xf32, #tpu.memory_space<hbm>> -> memref<10000x128xf32, #tpu.memory_space<hbm>>
      tpu.enqueue_indirect_dma source(%dma_start3A_67 : memref<10000x128xf32, #tpu.memory_space<hbm>>) target(%arg14 : memref<128x128xf32, #tpu.memory_space<vmem>>) offsets(%arg9 : memref<128xi32, #tpu.memory_space<vmem>>) semaphore(%arg17 : memref<!tpu.dma_semaphore, #tpu.memory_space<semaphore_mem>>)
      %dma_wait3A_68 = arith.constant 0 : i32
      %dma_wait3A_69 = arith.constant 0 : i32
      %dma_wait3A_70 = tpu.memref_slice %arg2[%dma_wait3A_68, %dma_wait3A_69] : memref<10000x128xf32, #tpu.memory_space<hbm>> -> memref<10000x128xf32, #tpu.memory_space<hbm>>
      tpu.wait_indirect_dma semaphore(%arg16 : memref<!tpu.dma_semaphore, #tpu.memory_space<semaphore_mem>>) src(%dma_wait3A_70 : memref<10000x128xf32, #tpu.memory_space<hbm>>) dst(%arg13 : memref<128x128xf32, #tpu.memory_space<vmem>>)
      "tpu.region"() ({
        %run_scoped3A = tpu.sem_alloc : memref<!tpu.dma_semaphore, #tpu.memory_space<semaphore_mem>>
        %dma_start3A_105 = arith.constant 0 : i32
        %dma_start3A_106 = arith.constant 0 : i32
        %dma_start3A_107 = tpu.memref_slice %arg15[%dma_start3A_105, %dma_start3A_106] : memref<10000x128xf32, #tpu.memory_space<vmem_shared>> -> memref<10000x128xf32, #tpu.memory_space<vmem_shared>>
        tpu.enqueue_indirect_dma source(%arg13 : memref<128x128xf32, #tpu.memory_space<vmem>>) target(%dma_start3A_107 : memref<10000x128xf32, #tpu.memory_space<vmem_shared>>) offsets(%arg8 : memref<128xi32, #tpu.memory_space<vmem>>) semaphore(%run_scoped3A : memref<!tpu.dma_semaphore, #tpu.memory_space<semaphore_mem>>) {add = true}
        %dma_wait3A_108 = arith.constant 0 : i32
        %dma_wait3A_109 = arith.constant 0 : i32
        %dma_wait3A_110 = tpu.memref_slice %arg15[%dma_wait3A_108, %dma_wait3A_109] : memref<10000x128xf32, #tpu.memory_space<vmem_shared>> -> memref<10000x128xf32, #tpu.memory_space<vmem_shared>>
        tpu.wait_indirect_dma semaphore(%run_scoped3A : memref<!tpu.dma_semaphore, #tpu.memory_space<semaphore_mem>>) src(%arg13 : memref<128x128xf32, #tpu.memory_space<vmem>>) dst(%dma_wait3A_110 : memref<10000x128xf32, #tpu.memory_space<vmem_shared>>)
        tpu.yield
      }) : () -> ()
      %add3A_71 = arith.constant 2 : i32
      %add3A_72 = arith.addi %mul3A_55, %add3A_71 : i32
      %min3A = arith.constant 76 : i32
      %min3A_73 = arith.minsi %add3A_72, %min3A : i32
      %mul3A_74 = arith.constant 128 : i32
      %mul3A_75 = arith.muli %min3A_73, %mul3A_74 : i32
      %add3A_76 = arith.addi %mul3A_2, %mul3A_75 : i32
      %dma_start3A_77 = tpu.memref_slice %arg3[%add3A_76] : memref<320000xi32, #tpu.memory_space<hbm>> -> memref<128xi32, #tpu.memory_space<hbm>>
      %dma_start3A_78 = tpu.memref_slice %arg3[%add3A_76] : memref<320000xi32, #tpu.memory_space<hbm>> -> memref<128xi32, #tpu.memory_space<hbm>>
      tpu.enqueue_dma source(%dma_start3A_78 : memref<128xi32, #tpu.memory_space<hbm>>) target(%arg7 : memref<128xi32, #tpu.memory_space<vmem>>) target_semaphore(%arg18 : memref<!tpu.dma_semaphore, #tpu.memory_space<semaphore_mem>>)
      %dma_start3A_79 = tpu.memref_slice %arg4[%add3A_76] : memref<320000xi32, #tpu.memory_space<hbm>> -> memref<128xi32, #tpu.memory_space<hbm>>
      %dma_start3A_80 = tpu.memref_slice %arg4[%add3A_76] : memref<320000xi32, #tpu.memory_space<hbm>> -> memref<128xi32, #tpu.memory_space<hbm>>
      tpu.enqueue_dma source(%dma_start3A_80 : memref<128xi32, #tpu.memory_space<hbm>>) target(%arg8 : memref<128xi32, #tpu.memory_space<vmem>>) target_semaphore(%arg18 : memref<!tpu.dma_semaphore, #tpu.memory_space<semaphore_mem>>)
      %dma_wait3A_81 = tpu.memref_slice %arg3[%add3A_76] : memref<320000xi32, #tpu.memory_space<hbm>> -> memref<128xi32, #tpu.memory_space<hbm>>
      %dma_wait3A_82 = tpu.memref_slice %arg3[%add3A_76] : memref<320000xi32, #tpu.memory_space<hbm>> -> memref<128xi32, #tpu.memory_space<hbm>>
      tpu.wait_dma2 semaphore(%arg18 : memref<!tpu.dma_semaphore, #tpu.memory_space<semaphore_mem>>) src(%dma_wait3A_82 : memref<128xi32, #tpu.memory_space<hbm>>) dst(%arg7 : memref<128xi32, #tpu.memory_space<vmem>>)
      %dma_wait3A_83 = tpu.memref_slice %arg4[%add3A_76] : memref<320000xi32, #tpu.memory_space<hbm>> -> memref<128xi32, #tpu.memory_space<hbm>>
      %dma_wait3A_84 = tpu.memref_slice %arg4[%add3A_76] : memref<320000xi32, #tpu.memory_space<hbm>> -> memref<128xi32, #tpu.memory_space<hbm>>
      tpu.wait_dma2 semaphore(%arg18 : memref<!tpu.dma_semaphore, #tpu.memory_space<semaphore_mem>>) src(%dma_wait3A_84 : memref<128xi32, #tpu.memory_space<hbm>>) dst(%arg8 : memref<128xi32, #tpu.memory_space<vmem>>)
      %add3A_85 = arith.constant 1 : i32
      %add3A_86 = arith.addi %add3A_57, %add3A_85 : i32
      %lt3A = arith.constant 78 : i32
      %lt3A_87 = arith.cmpi slt, %add3A_86, %lt3A : i32
      %convert_element_type3A_88 = arith.extui %lt3A_87 : i1 to i32
      %cond3A_89 = arith.constant 0 : i32
      %cond3A_90 = arith.cmpi ne, %convert_element_type3A_88, %cond3A_89 : i32
      scf.if %cond3A_90 {
        %dma_start3A_105 = arith.constant 0 : i32
        %dma_start3A_106 = arith.constant 0 : i32
        %dma_start3A_107 = tpu.memref_slice %arg2[%dma_start3A_105, %dma_start3A_106] : memref<10000x128xf32, #tpu.memory_space<hbm>> -> memref<10000x128xf32, #tpu.memory_space<hbm>>
        tpu.enqueue_indirect_dma source(%dma_start3A_107 : memref<10000x128xf32, #tpu.memory_space<hbm>>) target(%arg13 : memref<128x128xf32, #tpu.memory_space<vmem>>) offsets(%arg7 : memref<128xi32, #tpu.memory_space<vmem>>) semaphore(%arg16 : memref<!tpu.dma_semaphore, #tpu.memory_space<semaphore_mem>>)
      } else {
      }
      %dma_wait3A_91 = arith.constant 0 : i32
      %dma_wait3A_92 = arith.constant 0 : i32
      %dma_wait3A_93 = tpu.memref_slice %arg2[%dma_wait3A_91, %dma_wait3A_92] : memref<10000x128xf32, #tpu.memory_space<hbm>> -> memref<10000x128xf32, #tpu.memory_space<hbm>>
      tpu.wait_indirect_dma semaphore(%arg17 : memref<!tpu.dma_semaphore, #tpu.memory_space<semaphore_mem>>) src(%dma_wait3A_93 : memref<10000x128xf32, #tpu.memory_space<hbm>>) dst(%arg14 : memref<128x128xf32, #tpu.memory_space<vmem>>)
      "tpu.region"() ({
        %run_scoped3A = tpu.sem_alloc : memref<!tpu.dma_semaphore, #tpu.memory_space<semaphore_mem>>
        %dma_start3A_105 = arith.constant 0 : i32
        %dma_start3A_106 = arith.constant 0 : i32
        %dma_start3A_107 = tpu.memref_slice %arg15[%dma_start3A_105, %dma_start3A_106] : memref<10000x128xf32, #tpu.memory_space<vmem_shared>> -> memref<10000x128xf32, #tpu.memory_space<vmem_shared>>
        tpu.enqueue_indirect_dma source(%arg14 : memref<128x128xf32, #tpu.memory_space<vmem>>) target(%dma_start3A_107 : memref<10000x128xf32, #tpu.memory_space<vmem_shared>>) offsets(%arg10 : memref<128xi32, #tpu.memory_space<vmem>>) semaphore(%run_scoped3A : memref<!tpu.dma_semaphore, #tpu.memory_space<semaphore_mem>>) {add = true}
        %dma_wait3A_108 = arith.constant 0 : i32
        %dma_wait3A_109 = arith.constant 0 : i32
        %dma_wait3A_110 = tpu.memref_slice %arg15[%dma_wait3A_108, %dma_wait3A_109] : memref<10000x128xf32, #tpu.memory_space<vmem_shared>> -> memref<10000x128xf32, #tpu.memory_space<vmem_shared>>
        tpu.wait_indirect_dma semaphore(%run_scoped3A : memref<!tpu.dma_semaphore, #tpu.memory_space<semaphore_mem>>) src(%arg14 : memref<128x128xf32, #tpu.memory_space<vmem>>) dst(%dma_wait3A_110 : memref<10000x128xf32, #tpu.memory_space<vmem_shared>>)
        tpu.yield
      }) : () -> ()
      %add3A_94 = arith.constant 2 : i32
      %add3A_95 = arith.addi %add3A_57, %add3A_94 : i32
      %min3A_96 = arith.constant 77 : i32
      %min3A_97 = arith.minsi %add3A_95, %min3A_96 : i32
      %mul3A_98 = arith.constant 128 : i32
      %mul3A_99 = arith.muli %min3A_97, %mul3A_98 : i32
      %add3A_100 = arith.addi %mul3A_2, %mul3A_99 : i32
      %dma_start3A_101 = tpu.memref_slice %arg3[%add3A_100] : memref<320000xi32, #tpu.memory_space<hbm>> -> memref<128xi32, #tpu.memory_space<hbm>>
      %dma_start3A_102 = tpu.memref_slice %arg3[%add3A_100] : memref<320000xi32, #tpu.memory_space<hbm>> -> memref<128xi32, #tpu.memory_space<hbm>>
      tpu.enqueue_dma source(%dma_start3A_102 : memref<128xi32, #tpu.memory_space<hbm>>) target(%arg9 : memref<128xi32, #tpu.memory_space<vmem>>) target_semaphore(%arg19 : memref<!tpu.dma_semaphore, #tpu.memory_space<semaphore_mem>>)
      %dma_start3A_103 = tpu.memref_slice %arg4[%add3A_100] : memref<320000xi32, #tpu.memory_space<hbm>> -> memref<128xi32, #tpu.memory_space<hbm>>
      %dma_start3A_104 = tpu.memref_slice %arg4[%add3A_100] : memref<320000xi32, #tpu.memory_space<hbm>> -> memref<128xi32, #tpu.memory_space<hbm>>
      tpu.enqueue_dma source(%dma_start3A_104 : memref<128xi32, #tpu.memory_space<hbm>>) target(%arg10 : memref<128xi32, #tpu.memory_space<vmem>>) target_semaphore(%arg19 : memref<!tpu.dma_semaphore, #tpu.memory_space<semaphore_mem>>)
    }
    %scan3A_23 = arith.constant 39 : i32
    %add3A_24 = arith.constant 9856 : i32
    %add3A_25 = arith.addi %mul3A_2, %add3A_24 : i32
    %dma_wait3A = tpu.memref_slice %arg3[%add3A_25] : memref<320000xi32, #tpu.memory_space<hbm>> -> memref<128xi32, #tpu.memory_space<hbm>>
    %dma_wait3A_26 = tpu.memref_slice %arg3[%add3A_25] : memref<320000xi32, #tpu.memory_space<hbm>> -> memref<128xi32, #tpu.memory_space<hbm>>
    tpu.wait_dma2 semaphore(%arg19 : memref<!tpu.dma_semaphore, #tpu.memory_space<semaphore_mem>>) src(%dma_wait3A_26 : memref<128xi32, #tpu.memory_space<hbm>>) dst(%arg9 : memref<128xi32, #tpu.memory_space<vmem>>)
    %dma_wait3A_27 = tpu.memref_slice %arg4[%add3A_25] : memref<320000xi32, #tpu.memory_space<hbm>> -> memref<128xi32, #tpu.memory_space<hbm>>
    %dma_wait3A_28 = tpu.memref_slice %arg4[%add3A_25] : memref<320000xi32, #tpu.memory_space<hbm>> -> memref<128xi32, #tpu.memory_space<hbm>>
    tpu.wait_dma2 semaphore(%arg19 : memref<!tpu.dma_semaphore, #tpu.memory_space<semaphore_mem>>) src(%dma_wait3A_28 : memref<128xi32, #tpu.memory_space<hbm>>) dst(%arg10 : memref<128xi32, #tpu.memory_space<vmem>>)
    %add3A_29 = arith.constant 9984 : i32
    %add3A_30 = arith.addi %mul3A_2, %add3A_29 : i32
    "tpu.region"() ({
      %run_scoped3A = tpu.sem_alloc : memref<!tpu.dma_semaphore, #tpu.memory_space<semaphore_mem>>
      %dma_start3A_53 = tpu.memref_slice %arg3[%add3A_30] : memref<320000xi32, #tpu.memory_space<hbm>> -> memref<16xi32, #tpu.memory_space<hbm>>
      %dma_start3A_54 = tpu.memref_slice %arg3[%add3A_30] : memref<320000xi32, #tpu.memory_space<hbm>> -> memref<16xi32, #tpu.memory_space<hbm>>
      tpu.enqueue_dma source(%dma_start3A_54 : memref<16xi32, #tpu.memory_space<hbm>>) target(%arg11 : memref<16xi32, #tpu.memory_space<vmem>>) target_semaphore(%run_scoped3A : memref<!tpu.dma_semaphore, #tpu.memory_space<semaphore_mem>>)
      %dma_wait3A_55 = tpu.memref_slice %arg3[%add3A_30] : memref<320000xi32, #tpu.memory_space<hbm>> -> memref<16xi32, #tpu.memory_space<hbm>>
      %dma_wait3A_56 = tpu.memref_slice %arg3[%add3A_30] : memref<320000xi32, #tpu.memory_space<hbm>> -> memref<16xi32, #tpu.memory_space<hbm>>
      tpu.wait_dma2 semaphore(%run_scoped3A : memref<!tpu.dma_semaphore, #tpu.memory_space<semaphore_mem>>) src(%dma_wait3A_56 : memref<16xi32, #tpu.memory_space<hbm>>) dst(%arg11 : memref<16xi32, #tpu.memory_space<vmem>>)
      tpu.yield
    }) : () -> ()
    "tpu.region"() ({
      %run_scoped3A = tpu.sem_alloc : memref<!tpu.dma_semaphore, #tpu.memory_space<semaphore_mem>>
      %dma_start3A_53 = tpu.memref_slice %arg4[%add3A_30] : memref<320000xi32, #tpu.memory_space<hbm>> -> memref<16xi32, #tpu.memory_space<hbm>>
      %dma_start3A_54 = tpu.memref_slice %arg4[%add3A_30] : memref<320000xi32, #tpu.memory_space<hbm>> -> memref<16xi32, #tpu.memory_space<hbm>>
      tpu.enqueue_dma source(%dma_start3A_54 : memref<16xi32, #tpu.memory_space<hbm>>) target(%arg12 : memref<16xi32, #tpu.memory_space<vmem>>) target_semaphore(%run_scoped3A : memref<!tpu.dma_semaphore, #tpu.memory_space<semaphore_mem>>)
      %dma_wait3A_55 = tpu.memref_slice %arg4[%add3A_30] : memref<320000xi32, #tpu.memory_space<hbm>> -> memref<16xi32, #tpu.memory_space<hbm>>
      %dma_wait3A_56 = tpu.memref_slice %arg4[%add3A_30] : memref<320000xi32, #tpu.memory_space<hbm>> -> memref<16xi32, #tpu.memory_space<hbm>>
      tpu.wait_dma2 semaphore(%run_scoped3A : memref<!tpu.dma_semaphore, #tpu.memory_space<semaphore_mem>>) src(%dma_wait3A_56 : memref<16xi32, #tpu.memory_space<hbm>>) dst(%arg12 : memref<16xi32, #tpu.memory_space<vmem>>)
      tpu.yield
    }) : () -> ()
    %dma_start3A_31 = arith.constant 0 : i32
    %dma_start3A_32 = arith.constant 0 : i32
    %dma_start3A_33 = tpu.memref_slice %arg13[%dma_start3A_31, %dma_start3A_32] : memref<128x128xf32, #tpu.memory_space<vmem>> -> memref<16x128xf32, #tpu.memory_space<vmem>>
    %dma_start3A_34 = arith.constant 0 : i32
    %dma_start3A_35 = arith.constant 0 : i32
    %dma_start3A_36 = tpu.memref_slice %arg2[%dma_start3A_34, %dma_start3A_35] : memref<10000x128xf32, #tpu.memory_space<hbm>> -> memref<10000x128xf32, #tpu.memory_space<hbm>>
    tpu.enqueue_indirect_dma source(%dma_start3A_36 : memref<10000x128xf32, #tpu.memory_space<hbm>>) target(%dma_start3A_33 : memref<16x128xf32, #tpu.memory_space<vmem>>) offsets(%arg11 : memref<16xi32, #tpu.memory_space<vmem>>) semaphore(%arg16 : memref<!tpu.dma_semaphore, #tpu.memory_space<semaphore_mem>>)
    %dma_wait3A_37 = arith.constant 0 : i32
    %dma_wait3A_38 = arith.constant 0 : i32
    %dma_wait3A_39 = tpu.memref_slice %arg13[%dma_wait3A_37, %dma_wait3A_38] : memref<128x128xf32, #tpu.memory_space<vmem>> -> memref<16x128xf32, #tpu.memory_space<vmem>>
    %dma_wait3A_40 = arith.constant 0 : i32
    %dma_wait3A_41 = arith.constant 0 : i32
    %dma_wait3A_42 = tpu.memref_slice %arg2[%dma_wait3A_40, %dma_wait3A_41] : memref<10000x128xf32, #tpu.memory_space<hbm>> -> memref<10000x128xf32, #tpu.memory_space<hbm>>
    tpu.wait_indirect_dma semaphore(%arg16 : memref<!tpu.dma_semaphore, #tpu.memory_space<semaphore_mem>>) src(%dma_wait3A_42 : memref<10000x128xf32, #tpu.memory_space<hbm>>) dst(%dma_wait3A_39 : memref<16x128xf32, #tpu.memory_space<vmem>>)
    "tpu.region"() ({
      %run_scoped3A = tpu.sem_alloc : memref<!tpu.dma_semaphore, #tpu.memory_space<semaphore_mem>>
      %dma_start3A_53 = arith.constant 0 : i32
      %dma_start3A_54 = arith.constant 0 : i32
      %dma_start3A_55 = tpu.memref_slice %arg13[%dma_start3A_53, %dma_start3A_54] : memref<128x128xf32, #tpu.memory_space<vmem>> -> memref<16x128xf32, #tpu.memory_space<vmem>>
      %dma_start3A_56 = arith.constant 0 : i32
      %dma_start3A_57 = arith.constant 0 : i32
      %dma_start3A_58 = tpu.memref_slice %arg15[%dma_start3A_56, %dma_start3A_57] : memref<10000x128xf32, #tpu.memory_space<vmem_shared>> -> memref<10000x128xf32, #tpu.memory_space<vmem_shared>>
      tpu.enqueue_indirect_dma source(%dma_start3A_55 : memref<16x128xf32, #tpu.memory_space<vmem>>) target(%dma_start3A_58 : memref<10000x128xf32, #tpu.memory_space<vmem_shared>>) offsets(%arg12 : memref<16xi32, #tpu.memory_space<vmem>>) semaphore(%run_scoped3A : memref<!tpu.dma_semaphore, #tpu.memory_space<semaphore_mem>>) {add = true}
      %dma_wait3A_59 = arith.constant 0 : i32
      %dma_wait3A_60 = arith.constant 0 : i32
      %dma_wait3A_61 = tpu.memref_slice %arg13[%dma_wait3A_59, %dma_wait3A_60] : memref<128x128xf32, #tpu.memory_space<vmem>> -> memref<16x128xf32, #tpu.memory_space<vmem>>
      %dma_wait3A_62 = arith.constant 0 : i32
      %dma_wait3A_63 = arith.constant 0 : i32
      %dma_wait3A_64 = tpu.memref_slice %arg15[%dma_wait3A_62, %dma_wait3A_63] : memref<10000x128xf32, #tpu.memory_space<vmem_shared>> -> memref<10000x128xf32, #tpu.memory_space<vmem_shared>>
      tpu.wait_indirect_dma semaphore(%run_scoped3A : memref<!tpu.dma_semaphore, #tpu.memory_space<semaphore_mem>>) src(%dma_wait3A_61 : memref<16x128xf32, #tpu.memory_space<vmem>>) dst(%dma_wait3A_64 : memref<10000x128xf32, #tpu.memory_space<vmem_shared>>)
      tpu.yield
    }) : () -> ()
    %barrier3A_43 = arith.constant 0 : index
    tpu.barrier barrier_id(%barrier3A_43)
    %mul3A_44 = arith.constant 624 : i32
    %mul3A_45 = arith.muli %arg1, %mul3A_44 : i32
    %mul3A_46 = arith.constant 624 : i32
    %mul3A_47 = arith.muli %arg1, %mul3A_46 : i32
    "tpu.region"() ({
      %run_scoped3A = tpu.sem_alloc : memref<!tpu.dma_semaphore, #tpu.memory_space<semaphore_mem>>
      %dma_start3A_53 = arith.constant 0 : i32
      %dma_start3A_54 = tpu.memref_slice %arg6[%arg0, %mul3A_47, %dma_start3A_53] : memref<2x10000x128xf32, #tpu.memory_space<hbm>> -> memref<1x624x128xf32, #tpu.memory_space<hbm>>
      %dma_start3A_55 = tpu.memref_squeeze %dma_start3A_54 : memref<1x624x128xf32, #tpu.memory_space<hbm>> -> memref<624x128xf32, #tpu.memory_space<hbm>>
      %dma_start3A_56 = arith.constant 0 : i32
      %dma_start3A_57 = tpu.memref_slice %arg15[%mul3A_45, %dma_start3A_56] : memref<10000x128xf32, #tpu.memory_space<vmem_shared>> -> memref<624x128xf32, #tpu.memory_space<vmem_shared>>
      tpu.enqueue_dma source(%dma_start3A_57 : memref<624x128xf32, #tpu.memory_space<vmem_shared>>) target(%dma_start3A_55 : memref<624x128xf32, #tpu.memory_space<hbm>>) target_semaphore(%run_scoped3A : memref<!tpu.dma_semaphore, #tpu.memory_space<semaphore_mem>>)
      %dma_wait3A_58 = arith.constant 0 : i32
      %dma_wait3A_59 = tpu.memref_slice %arg6[%arg0, %mul3A_47, %dma_wait3A_58] : memref<2x10000x128xf32, #tpu.memory_space<hbm>> -> memref<1x624x128xf32, #tpu.memory_space<hbm>>
      %dma_wait3A_60 = tpu.memref_squeeze %dma_wait3A_59 : memref<1x624x128xf32, #tpu.memory_space<hbm>> -> memref<624x128xf32, #tpu.memory_space<hbm>>
      %dma_wait3A_61 = arith.constant 0 : i32
      %dma_wait3A_62 = tpu.memref_slice %arg15[%mul3A_45, %dma_wait3A_61] : memref<10000x128xf32, #tpu.memory_space<vmem_shared>> -> memref<624x128xf32, #tpu.memory_space<vmem_shared>>
      tpu.wait_dma2 semaphore(%run_scoped3A : memref<!tpu.dma_semaphore, #tpu.memory_space<semaphore_mem>>) src(%dma_wait3A_62 : memref<624x128xf32, #tpu.memory_space<vmem_shared>>) dst(%dma_wait3A_60 : memref<624x128xf32, #tpu.memory_space<hbm>>)
      tpu.yield
    }) : () -> ()
    %eq3A_48 = arith.constant 0 : i32
    %eq3A_49 = arith.cmpi eq, %arg1, %eq3A_48 : i32
    %convert_element_type3A_50 = arith.extui %eq3A_49 : i1 to i32
    %cond3A_51 = arith.constant 0 : i32
    %cond3A_52 = arith.cmpi ne, %convert_element_type3A_50, %cond3A_51 : i32
    scf.if %cond3A_52 {
      "tpu.region"() ({
        %run_scoped3A = tpu.sem_alloc : memref<!tpu.dma_semaphore, #tpu.memory_space<semaphore_mem>>
        %dma_start3A_53 = arith.constant 9984 : i32
        %dma_start3A_54 = arith.constant 0 : i32
        %dma_start3A_55 = tpu.memref_slice %arg6[%arg0, %dma_start3A_53, %dma_start3A_54] : memref<2x10000x128xf32, #tpu.memory_space<hbm>> -> memref<1x16x128xf32, #tpu.memory_space<hbm>>
        %dma_start3A_56 = tpu.memref_squeeze %dma_start3A_55 : memref<1x16x128xf32, #tpu.memory_space<hbm>> -> memref<16x128xf32, #tpu.memory_space<hbm>>
        %dma_start3A_57 = arith.constant 9984 : i32
        %dma_start3A_58 = arith.constant 0 : i32
        %dma_start3A_59 = tpu.memref_slice %arg15[%dma_start3A_57, %dma_start3A_58] : memref<10000x128xf32, #tpu.memory_space<vmem_shared>> -> memref<16x128xf32, #tpu.memory_space<vmem_shared>>
        tpu.enqueue_dma source(%dma_start3A_59 : memref<16x128xf32, #tpu.memory_space<vmem_shared>>) target(%dma_start3A_56 : memref<16x128xf32, #tpu.memory_space<hbm>>) target_semaphore(%run_scoped3A : memref<!tpu.dma_semaphore, #tpu.memory_space<semaphore_mem>>)
        %dma_wait3A_60 = arith.constant 9984 : i32
        %dma_wait3A_61 = arith.constant 0 : i32
        %dma_wait3A_62 = tpu.memref_slice %arg6[%arg0, %dma_wait3A_60, %dma_wait3A_61] : memref<2x10000x128xf32, #tpu.memory_space<hbm>> -> memref<1x16x128xf32, #tpu.memory_space<hbm>>
        %dma_wait3A_63 = tpu.memref_squeeze %dma_wait3A_62 : memref<1x16x128xf32, #tpu.memory_space<hbm>> -> memref<16x128xf32, #tpu.memory_space<hbm>>
        %dma_wait3A_64 = arith.constant 9984 : i32
        %dma_wait3A_65 = arith.constant 0 : i32
        %dma_wait3A_66 = tpu.memref_slice %arg15[%dma_wait3A_64, %dma_wait3A_65] : memref<10000x128xf32, #tpu.memory_space<vmem_shared>> -> memref<16x128xf32, #tpu.memory_space<vmem_shared>>
        tpu.wait_dma2 semaphore(%run_scoped3A : memref<!tpu.dma_semaphore, #tpu.memory_space<semaphore_mem>>) src(%dma_wait3A_66 : memref<16x128xf32, #tpu.memory_space<vmem_shared>>) dst(%dma_wait3A_63 : memref<16x128xf32, #tpu.memory_space<hbm>>)
        tpu.yield
      }) : () -> ()
    } else {
    }
    return
  }
}

#map = affine_map<(d0, d1) -> (0, 0)>
#map1 = affine_map<(d0, d1) -> (0)>
#map2 = affine_map<(d0, d1) -> (0, 0, 0)>
module attributes {stable_mosaic.version = 14 : i64} {
  func.func @k(%arg0: i32, %arg1: i32, %arg2: memref<10000x128xf32, #tpu.memory_space<hbm>>, %arg3: memref<320000xi32, #tpu.memory_space<hbm>>, %arg4: memref<320000xi32, #tpu.memory_space<hbm>>, %arg5: memref<10000x128xf32, #tpu.memory_space<hbm>>, %arg6: memref<2x10000x128xf32, #tpu.memory_space<hbm>>, %arg7: memref<128xi32, #tpu.memory_space<vmem>>, %arg8: memref<128xi32, #tpu.memory_space<vmem>>, %arg9: memref<128xi32, #tpu.memory_space<vmem>>, %arg10: memref<128xi32, #tpu.memory_space<vmem>>, %arg11: memref<16xi32, #tpu.memory_space<vmem>>, %arg12: memref<16xi32, #tpu.memory_space<vmem>>, %arg13: memref<128x128xf32, #tpu.memory_space<vmem>>, %arg14: memref<128x128xf32, #tpu.memory_space<vmem>>, %arg15: memref<10000x128xf32, #tpu.memory_space<vmem_shared>>, %arg16: memref<!tpu.dma_semaphore, #tpu.memory_space<semaphore_mem>>, %arg17: memref<!tpu.dma_semaphore, #tpu.memory_space<semaphore_mem>>, %arg18: memref<!tpu.dma_semaphore, #tpu.memory_space<semaphore_mem>>, %arg19: memref<!tpu.dma_semaphore, #tpu.memory_space<semaphore_mem>>) attributes {dimension_semantics = [#tpu.dimension_semantics<core_parallel>, #tpu.dimension_semantics<subcore_parallel>], iteration_bounds = array<i64: 2, 16>, scalar_prefetch = 0 : i64, scratch_operands = 13 : i64, tpu.core_type = #tpu.core_type<sc_vector_subcore>, window_params = [{transform_indices = #map}, {transform_indices = #map1}, {transform_indices = #map1}, {transform_indices = #map}, {transform_indices = #map2}]} {
    %mul3A = arith.constant 16 : i32
    %mul3A_0 = arith.muli %arg0, %mul3A : i32
    %add3A = arith.addi %mul3A_0, %arg1 : i32
    %mul3A_1 = arith.constant 10000 : i32
    %mul3A_2 = arith.muli %add3A, %mul3A_1 : i32
    %mul3A_3 = arith.constant 624 : i32
    %mul3A_4 = arith.muli %arg1, %mul3A_3 : i32
    %mul3A_5 = arith.constant 624 : i32
    %mul3A_6 = arith.muli %arg1, %mul3A_5 : i32
    "tpu.region"() ({
      %run_scoped3A = tpu.sem_alloc : memref<!tpu.dma_semaphore, #tpu.memory_space<semaphore_mem>>
      %dma_start3A_53 = arith.constant 0 : i32
      %dma_start3A_54 = tpu.memref_slice %arg15[%mul3A_6, %dma_start3A_53] : memref<10000x128xf32, #tpu.memory_space<vmem_shared>> -> memref<624x128xf32, #tpu.memory_space<vmem_shared>>
      %dma_start3A_55 = arith.constant 0 : i32
      %dma_start3A_56 = tpu.memref_slice %arg5[%mul3A_4, %dma_start3A_55] : memref<10000x128xf32, #tpu.memory_space<hbm>> -> memref<624x128xf32, #tpu.memory_space<hbm>>
      tpu.enqueue_dma source(%dma_start3A_56 : memref<624x128xf32, #tpu.memory_space<hbm>>) target(%dma_start3A_54 : memref<624x128xf32, #tpu.memory_space<vmem_shared>>) target_semaphore(%run_scoped3A : memref<!tpu.dma_semaphore, #tpu.memory_space<semaphore_mem>>)
      %dma_wait3A_57 = arith.constant 0 : i32
      %dma_wait3A_58 = tpu.memref_slice %arg15[%mul3A_6, %dma_wait3A_57] : memref<10000x128xf32, #tpu.memory_space<vmem_shared>> -> memref<624x128xf32, #tpu.memory_space<vmem_shared>>
      %dma_wait3A_59 = arith.constant 0 : i32
      %dma_wait3A_60 = tpu.memref_slice %arg5[%mul3A_4, %dma_wait3A_59] : memref<10000x128xf32, #tpu.memory_space<hbm>> -> memref<624x128xf32, #tpu.memory_space<hbm>>
      tpu.wait_dma2 semaphore(%run_scoped3A : memref<!tpu.dma_semaphore, #tpu.memory_space<semaphore_mem>>) src(%dma_wait3A_60 : memref<624x128xf32, #tpu.memory_space<hbm>>) dst(%dma_wait3A_58 : memref<624x128xf32, #tpu.memory_space<vmem_shared>>)
      tpu.yield
    }) : () -> ()
    %eq3A = arith.constant 0 : i32
    %eq3A_7 = arith.cmpi eq, %arg1, %eq3A : i32
    %convert_element_type3A = arith.extui %eq3A_7 : i1 to i32
    %cond3A = arith.constant 0 : i32
    %cond3A_8 = arith.cmpi ne, %convert_element_type3A, %cond3A : i32
    scf.if %cond3A_8 {
      "tpu.region"() ({
        %run_scoped3A = tpu.sem_alloc : memref<!tpu.dma_semaphore, #tpu.memory_space<semaphore_mem>>
        %dma_start3A_53 = arith.constant 9984 : i32
        %dma_start3A_54 = arith.constant 0 : i32
        %dma_start3A_55 = tpu.memref_slice %arg15[%dma_start3A_53, %dma_start3A_54] : memref<10000x128xf32, #tpu.memory_space<vmem_shared>> -> memref<16x128xf32, #tpu.memory_space<vmem_shared>>
        %dma_start3A_56 = arith.constant 9984 : i32
        %dma_start3A_57 = arith.constant 0 : i32
        %dma_start3A_58 = tpu.memref_slice %arg5[%dma_start3A_56, %dma_start3A_57] : memref<10000x128xf32, #tpu.memory_space<hbm>> -> memref<16x128xf32, #tpu.memory_space<hbm>>
        tpu.enqueue_dma source(%dma_start3A_58 : memref<16x128xf32, #tpu.memory_space<hbm>>) target(%dma_start3A_55 : memref<16x128xf32, #tpu.memory_space<vmem_shared>>) target_semaphore(%run_scoped3A : memref<!tpu.dma_semaphore, #tpu.memory_space<semaphore_mem>>)
        %dma_wait3A_59 = arith.constant 9984 : i32
        %dma_wait3A_60 = arith.constant 0 : i32
        %dma_wait3A_61 = tpu.memref_slice %arg15[%dma_wait3A_59, %dma_wait3A_60] : memref<10000x128xf32, #tpu.memory_space<vmem_shared>> -> memref<16x128xf32, #tpu.memory_space<vmem_shared>>
        %dma_wait3A_62 = arith.constant 9984 : i32
        %dma_wait3A_63 = arith.constant 0 : i32
        %dma_wait3A_64 = tpu.memref_slice %arg5[%dma_wait3A_62, %dma_wait3A_63] : memref<10000x128xf32, #tpu.memory_space<hbm>> -> memref<16x128xf32, #tpu.memory_space<hbm>>
        tpu.wait_dma2 semaphore(%run_scoped3A : memref<!tpu.dma_semaphore, #tpu.memory_space<semaphore_mem>>) src(%dma_wait3A_64 : memref<16x128xf32, #tpu.memory_space<hbm>>) dst(%dma_wait3A_61 : memref<16x128xf32, #tpu.memory_space<vmem_shared>>)
        tpu.yield
      }) : () -> ()
    } else {
    }
    %barrier3A = arith.constant 0 : index
    tpu.barrier barrier_id(%barrier3A)
    "tpu.region"() ({
      %run_scoped3A = tpu.sem_alloc : memref<!tpu.dma_semaphore, #tpu.memory_space<semaphore_mem>>
      %dma_start3A_53 = tpu.memref_slice %arg3[%mul3A_2] : memref<320000xi32, #tpu.memory_space<hbm>> -> memref<128xi32, #tpu.memory_space<hbm>>
      %dma_start3A_54 = tpu.memref_slice %arg3[%mul3A_2] : memref<320000xi32, #tpu.memory_space<hbm>> -> memref<128xi32, #tpu.memory_space<hbm>>
      tpu.enqueue_dma source(%dma_start3A_54 : memref<128xi32, #tpu.memory_space<hbm>>) target(%arg7 : memref<128xi32, #tpu.memory_space<vmem>>) target_semaphore(%run_scoped3A : memref<!tpu.dma_semaphore, #tpu.memory_space<semaphore_mem>>)
      %dma_wait3A_55 = tpu.memref_slice %arg3[%mul3A_2] : memref<320000xi32, #tpu.memory_space<hbm>> -> memref<128xi32, #tpu.memory_space<hbm>>
      %dma_wait3A_56 = tpu.memref_slice %arg3[%mul3A_2] : memref<320000xi32, #tpu.memory_space<hbm>> -> memref<128xi32, #tpu.memory_space<hbm>>
      tpu.wait_dma2 semaphore(%run_scoped3A : memref<!tpu.dma_semaphore, #tpu.memory_space<semaphore_mem>>) src(%dma_wait3A_56 : memref<128xi32, #tpu.memory_space<hbm>>) dst(%arg7 : memref<128xi32, #tpu.memory_space<vmem>>)
      tpu.yield
    }) : () -> ()
    "tpu.region"() ({
      %run_scoped3A = tpu.sem_alloc : memref<!tpu.dma_semaphore, #tpu.memory_space<semaphore_mem>>
      %dma_start3A_53 = tpu.memref_slice %arg4[%mul3A_2] : memref<320000xi32, #tpu.memory_space<hbm>> -> memref<128xi32, #tpu.memory_space<hbm>>
      %dma_start3A_54 = tpu.memref_slice %arg4[%mul3A_2] : memref<320000xi32, #tpu.memory_space<hbm>> -> memref<128xi32, #tpu.memory_space<hbm>>
      tpu.enqueue_dma source(%dma_start3A_54 : memref<128xi32, #tpu.memory_space<hbm>>) target(%arg8 : memref<128xi32, #tpu.memory_space<vmem>>) target_semaphore(%run_scoped3A : memref<!tpu.dma_semaphore, #tpu.memory_space<semaphore_mem>>)
      %dma_wait3A_55 = tpu.memref_slice %arg4[%mul3A_2] : memref<320000xi32, #tpu.memory_space<hbm>> -> memref<128xi32, #tpu.memory_space<hbm>>
      %dma_wait3A_56 = tpu.memref_slice %arg4[%mul3A_2] : memref<320000xi32, #tpu.memory_space<hbm>> -> memref<128xi32, #tpu.memory_space<hbm>>
      tpu.wait_dma2 semaphore(%run_scoped3A : memref<!tpu.dma_semaphore, #tpu.memory_space<semaphore_mem>>) src(%dma_wait3A_56 : memref<128xi32, #tpu.memory_space<hbm>>) dst(%arg8 : memref<128xi32, #tpu.memory_space<vmem>>)
      tpu.yield
    }) : () -> ()
    %dma_start3A = arith.constant 0 : i32
    %dma_start3A_9 = arith.constant 0 : i32
    %dma_start3A_10 = tpu.memref_slice %arg2[%dma_start3A, %dma_start3A_9] : memref<10000x128xf32, #tpu.memory_space<hbm>> -> memref<10000x128xf32, #tpu.memory_space<hbm>>
    tpu.enqueue_indirect_dma source(%dma_start3A_10 : memref<10000x128xf32, #tpu.memory_space<hbm>>) target(%arg13 : memref<128x128xf32, #tpu.memory_space<vmem>>) offsets(%arg7 : memref<128xi32, #tpu.memory_space<vmem>>) semaphore(%arg16 : memref<!tpu.dma_semaphore, #tpu.memory_space<semaphore_mem>>)
    %add3A_11 = arith.constant 128 : i32
    %add3A_12 = arith.addi %mul3A_2, %add3A_11 : i32
    %dma_start3A_13 = tpu.memref_slice %arg3[%add3A_12] : memref<320000xi32, #tpu.memory_space<hbm>> -> memref<128xi32, #tpu.memory_space<hbm>>
    %dma_start3A_14 = tpu.memref_slice %arg3[%add3A_12] : memref<320000xi32, #tpu.memory_space<hbm>> -> memref<128xi32, #tpu.memory_space<hbm>>
    tpu.enqueue_dma source(%dma_start3A_14 : memref<128xi32, #tpu.memory_space<hbm>>) target(%arg9 : memref<128xi32, #tpu.memory_space<vmem>>) target_semaphore(%arg19 : memref<!tpu.dma_semaphore, #tpu.memory_space<semaphore_mem>>)
    %add3A_15 = arith.constant 128 : i32
    %add3A_16 = arith.addi %mul3A_2, %add3A_15 : i32
    %dma_start3A_17 = tpu.memref_slice %arg4[%add3A_16] : memref<320000xi32, #tpu.memory_space<hbm>> -> memref<128xi32, #tpu.memory_space<hbm>>
    %dma_start3A_18 = tpu.memref_slice %arg4[%add3A_16] : memref<320000xi32, #tpu.memory_space<hbm>> -> memref<128xi32, #tpu.memory_space<hbm>>
    tpu.enqueue_dma source(%dma_start3A_18 : memref<128xi32, #tpu.memory_space<hbm>>) target(%arg10 : memref<128xi32, #tpu.memory_space<vmem>>) target_semaphore(%arg19 : memref<!tpu.dma_semaphore, #tpu.memory_space<semaphore_mem>>)
    %scan3A = arith.constant 0 : i32
    %scan3A_19 = arith.constant 0 : i32
    %scan3A_20 = arith.constant 39 : i32
    %scan3A_21 = arith.addi %scan3A_19, %scan3A_20 : i32
    %scan3A_22 = arith.constant 1 : i32
    scf.for %scan3A_53 = %scan3A_19 to %scan3A_21 step %scan3A_22  : i32 {
      %mul3A_54 = arith.constant 2 : i32
      %mul3A_55 = arith.muli %mul3A_54, %scan3A_53 : i32
      %add3A_56 = arith.constant 1 : i32
      %add3A_57 = arith.addi %mul3A_55, %add3A_56 : i32
      %mul3A_58 = arith.constant 128 : i32
      %mul3A_59 = arith.muli %add3A_57, %mul3A_58 : i32
      %add3A_60 = arith.addi %mul3A_2, %mul3A_59 : i32
      %dma_wait3A_61 = tpu.memref_slice %arg3[%add3A_60] : memref<320000xi32, #tpu.memory_space<hbm>> -> memref<128xi32, #tpu.memory_space<hbm>>
      %dma_wait3A_62 = tpu.memref_slice %arg3[%add3A_60] : memref<320000xi32, #tpu.memory_space<hbm>> -> memref<128xi32, #tpu.memory_space<hbm>>
      tpu.wait_dma2 semaphore(%arg19 : memref<!tpu.dma_semaphore, #tpu.memory_space<semaphore_mem>>) src(%dma_wait3A_62 : memref<128xi32, #tpu.memory_space<hbm>>) dst(%arg9 : memref<128xi32, #tpu.memory_space<vmem>>)
      %dma_wait3A_63 = tpu.memref_slice %arg4[%add3A_60] : memref<320000xi32, #tpu.memory_space<hbm>> -> memref<128xi32, #tpu.memory_space<hbm>>
      %dma_wait3A_64 = tpu.memref_slice %arg4[%add3A_60] : memref<320000xi32, #tpu.memory_space<hbm>> -> memref<128xi32, #tpu.memory_space<hbm>>
      tpu.wait_dma2 semaphore(%arg19 : memref<!tpu.dma_semaphore, #tpu.memory_space<semaphore_mem>>) src(%dma_wait3A_64 : memref<128xi32, #tpu.memory_space<hbm>>) dst(%arg10 : memref<128xi32, #tpu.memory_space<vmem>>)
      %dma_start3A_65 = arith.constant 0 : i32
      %dma_start3A_66 = arith.constant 0 : i32
      %dma_start3A_67 = tpu.memref_slice %arg2[%dma_start3A_65, %dma_start3A_66] : memref<10000x128xf32, #tpu.memory_space<hbm>> -> memref<10000x128xf32, #tpu.memory_space<hbm>>
      tpu.enqueue_indirect_dma source(%dma_start3A_67 : memref<10000x128xf32, #tpu.memory_space<hbm>>) target(%arg14 : memref<128x128xf32, #tpu.memory_space<vmem>>) offsets(%arg9 : memref<128xi32, #tpu.memory_space<vmem>>) semaphore(%arg17 : memref<!tpu.dma_semaphore, #tpu.memory_space<semaphore_mem>>)
      %dma_wait3A_68 = arith.constant 0 : i32
      %dma_wait3A_69 = arith.constant 0 : i32
      %dma_wait3A_70 = tpu.memref_slice %arg2[%dma_wait3A_68, %dma_wait3A_69] : memref<10000x128xf32, #tpu.memory_space<hbm>> -> memref<10000x128xf32, #tpu.memory_space<hbm>>
      tpu.wait_indirect_dma semaphore(%arg16 : memref<!tpu.dma_semaphore, #tpu.memory_space<semaphore_mem>>) src(%dma_wait3A_70 : memref<10000x128xf32, #tpu.memory_space<hbm>>) dst(%arg13 : memref<128x128xf32, #tpu.memory_space<vmem>>)
      "tpu.region"() ({
        %run_scoped3A = tpu.sem_alloc : memref<!tpu.dma_semaphore, #tpu.memory_space<semaphore_mem>>
        %dma_start3A_105 = arith.constant 0 : i32
        %dma_start3A_106 = arith.constant 0 : i32
        %dma_start3A_107 = tpu.memref_slice %arg15[%dma_start3A_105, %dma_start3A_106] : memref<10000x128xf32, #tpu.memory_space<vmem_shared>> -> memref<10000x128xf32, #tpu.memory_space<vmem_shared>>
        tpu.enqueue_indirect_dma source(%arg13 : memref<128x128xf32, #tpu.memory_space<vmem>>) target(%dma_start3A_107 : memref<10000x128xf32, #tpu.memory_space<vmem_shared>>) offsets(%arg8 : memref<128xi32, #tpu.memory_space<vmem>>) semaphore(%run_scoped3A : memref<!tpu.dma_semaphore, #tpu.memory_space<semaphore_mem>>) {add = true}
        %dma_wait3A_108 = arith.constant 0 : i32
        %dma_wait3A_109 = arith.constant 0 : i32
        %dma_wait3A_110 = tpu.memref_slice %arg15[%dma_wait3A_108, %dma_wait3A_109] : memref<10000x128xf32, #tpu.memory_space<vmem_shared>> -> memref<10000x128xf32, #tpu.memory_space<vmem_shared>>
        tpu.wait_indirect_dma semaphore(%run_scoped3A : memref<!tpu.dma_semaphore, #tpu.memory_space<semaphore_mem>>) src(%arg13 : memref<128x128xf32, #tpu.memory_space<vmem>>) dst(%dma_wait3A_110 : memref<10000x128xf32, #tpu.memory_space<vmem_shared>>)
        tpu.yield
      }) : () -> ()
      %add3A_71 = arith.constant 2 : i32
      %add3A_72 = arith.addi %mul3A_55, %add3A_71 : i32
      %min3A = arith.constant 76 : i32
      %min3A_73 = arith.minsi %add3A_72, %min3A : i32
      %mul3A_74 = arith.constant 128 : i32
      %mul3A_75 = arith.muli %min3A_73, %mul3A_74 : i32
      %add3A_76 = arith.addi %mul3A_2, %mul3A_75 : i32
      %dma_start3A_77 = tpu.memref_slice %arg3[%add3A_76] : memref<320000xi32, #tpu.memory_space<hbm>> -> memref<128xi32, #tpu.memory_space<hbm>>
      %dma_start3A_78 = tpu.memref_slice %arg3[%add3A_76] : memref<320000xi32, #tpu.memory_space<hbm>> -> memref<128xi32, #tpu.memory_space<hbm>>
      tpu.enqueue_dma source(%dma_start3A_78 : memref<128xi32, #tpu.memory_space<hbm>>) target(%arg7 : memref<128xi32, #tpu.memory_space<vmem>>) target_semaphore(%arg18 : memref<!tpu.dma_semaphore, #tpu.memory_space<semaphore_mem>>)
      %dma_start3A_79 = tpu.memref_slice %arg4[%add3A_76] : memref<320000xi32, #tpu.memory_space<hbm>> -> memref<128xi32, #tpu.memory_space<hbm>>
      %dma_start3A_80 = tpu.memref_slice %arg4[%add3A_76] : memref<320000xi32, #tpu.memory_space<hbm>> -> memref<128xi32, #tpu.memory_space<hbm>>
      tpu.enqueue_dma source(%dma_start3A_80 : memref<128xi32, #tpu.memory_space<hbm>>) target(%arg8 : memref<128xi32, #tpu.memory_space<vmem>>) target_semaphore(%arg18 : memref<!tpu.dma_semaphore, #tpu.memory_space<semaphore_mem>>)
      %dma_wait3A_81 = tpu.memref_slice %arg3[%add3A_76] : memref<320000xi32, #tpu.memory_space<hbm>> -> memref<128xi32, #tpu.memory_space<hbm>>
      %dma_wait3A_82 = tpu.memref_slice %arg3[%add3A_76] : memref<320000xi32, #tpu.memory_space<hbm>> -> memref<128xi32, #tpu.memory_space<hbm>>
      tpu.wait_dma2 semaphore(%arg18 : memref<!tpu.dma_semaphore, #tpu.memory_space<semaphore_mem>>) src(%dma_wait3A_82 : memref<128xi32, #tpu.memory_space<hbm>>) dst(%arg7 : memref<128xi32, #tpu.memory_space<vmem>>)
      %dma_wait3A_83 = tpu.memref_slice %arg4[%add3A_76] : memref<320000xi32, #tpu.memory_space<hbm>> -> memref<128xi32, #tpu.memory_space<hbm>>
      %dma_wait3A_84 = tpu.memref_slice %arg4[%add3A_76] : memref<320000xi32, #tpu.memory_space<hbm>> -> memref<128xi32, #tpu.memory_space<hbm>>
      tpu.wait_dma2 semaphore(%arg18 : memref<!tpu.dma_semaphore, #tpu.memory_space<semaphore_mem>>) src(%dma_wait3A_84 : memref<128xi32, #tpu.memory_space<hbm>>) dst(%arg8 : memref<128xi32, #tpu.memory_space<vmem>>)
      %add3A_85 = arith.constant 1 : i32
      %add3A_86 = arith.addi %add3A_57, %add3A_85 : i32
      %lt3A = arith.constant 78 : i32
      %lt3A_87 = arith.cmpi slt, %add3A_86, %lt3A : i32
      %convert_element_type3A_88 = arith.extui %lt3A_87 : i1 to i32
      %cond3A_89 = arith.constant 0 : i32
      %cond3A_90 = arith.cmpi ne, %convert_element_type3A_88, %cond3A_89 : i32
      scf.if %cond3A_90 {
        %dma_start3A_105 = arith.constant 0 : i32
        %dma_start3A_106 = arith.constant 0 : i32
        %dma_start3A_107 = tpu.memref_slice %arg2[%dma_start3A_105, %dma_start3A_106] : memref<10000x128xf32, #tpu.memory_space<hbm>> -> memref<10000x128xf32, #tpu.memory_space<hbm>>
        tpu.enqueue_indirect_dma source(%dma_start3A_107 : memref<10000x128xf32, #tpu.memory_space<hbm>>) target(%arg13 : memref<128x128xf32, #tpu.memory_space<vmem>>) offsets(%arg7 : memref<128xi32, #tpu.memory_space<vmem>>) semaphore(%arg16 : memref<!tpu.dma_semaphore, #tpu.memory_space<semaphore_mem>>)
      } else {
      }
      %dma_wait3A_91 = arith.constant 0 : i32
      %dma_wait3A_92 = arith.constant 0 : i32
      %dma_wait3A_93 = tpu.memref_slice %arg2[%dma_wait3A_91, %dma_wait3A_92] : memref<10000x128xf32, #tpu.memory_space<hbm>> -> memref<10000x128xf32, #tpu.memory_space<hbm>>
      tpu.wait_indirect_dma semaphore(%arg17 : memref<!tpu.dma_semaphore, #tpu.memory_space<semaphore_mem>>) src(%dma_wait3A_93 : memref<10000x128xf32, #tpu.memory_space<hbm>>) dst(%arg14 : memref<128x128xf32, #tpu.memory_space<vmem>>)
      "tpu.region"() ({
        %run_scoped3A = tpu.sem_alloc : memref<!tpu.dma_semaphore, #tpu.memory_space<semaphore_mem>>
        %dma_start3A_105 = arith.constant 0 : i32
        %dma_start3A_106 = arith.constant 0 : i32
        %dma_start3A_107 = tpu.memref_slice %arg15[%dma_start3A_105, %dma_start3A_106] : memref<10000x128xf32, #tpu.memory_space<vmem_shared>> -> memref<10000x128xf32, #tpu.memory_space<vmem_shared>>
        tpu.enqueue_indirect_dma source(%arg14 : memref<128x128xf32, #tpu.memory_space<vmem>>) target(%dma_start3A_107 : memref<10000x128xf32, #tpu.memory_space<vmem_shared>>) offsets(%arg10 : memref<128xi32, #tpu.memory_space<vmem>>) semaphore(%run_scoped3A : memref<!tpu.dma_semaphore, #tpu.memory_space<semaphore_mem>>) {add = true}
        %dma_wait3A_108 = arith.constant 0 : i32
        %dma_wait3A_109 = arith.constant 0 : i32
        %dma_wait3A_110 = tpu.memref_slice %arg15[%dma_wait3A_108, %dma_wait3A_109] : memref<10000x128xf32, #tpu.memory_space<vmem_shared>> -> memref<10000x128xf32, #tpu.memory_space<vmem_shared>>
        tpu.wait_indirect_dma semaphore(%run_scoped3A : memref<!tpu.dma_semaphore, #tpu.memory_space<semaphore_mem>>) src(%arg14 : memref<128x128xf32, #tpu.memory_space<vmem>>) dst(%dma_wait3A_110 : memref<10000x128xf32, #tpu.memory_space<vmem_shared>>)
        tpu.yield
      }) : () -> ()
      %add3A_94 = arith.constant 2 : i32
      %add3A_95 = arith.addi %add3A_57, %add3A_94 : i32
      %min3A_96 = arith.constant 77 : i32
      %min3A_97 = arith.minsi %add3A_95, %min3A_96 : i32
      %mul3A_98 = arith.constant 128 : i32
      %mul3A_99 = arith.muli %min3A_97, %mul3A_98 : i32
      %add3A_100 = arith.addi %mul3A_2, %mul3A_99 : i32
      %dma_start3A_101 = tpu.memref_slice %arg3[%add3A_100] : memref<320000xi32, #tpu.memory_space<hbm>> -> memref<128xi32, #tpu.memory_space<hbm>>
      %dma_start3A_102 = tpu.memref_slice %arg3[%add3A_100] : memref<320000xi32, #tpu.memory_space<hbm>> -> memref<128xi32, #tpu.memory_space<hbm>>
      tpu.enqueue_dma source(%dma_start3A_102 : memref<128xi32, #tpu.memory_space<hbm>>) target(%arg9 : memref<128xi32, #tpu.memory_space<vmem>>) target_semaphore(%arg19 : memref<!tpu.dma_semaphore, #tpu.memory_space<semaphore_mem>>)
      %dma_start3A_103 = tpu.memref_slice %arg4[%add3A_100] : memref<320000xi32, #tpu.memory_space<hbm>> -> memref<128xi32, #tpu.memory_space<hbm>>
      %dma_start3A_104 = tpu.memref_slice %arg4[%add3A_100] : memref<320000xi32, #tpu.memory_space<hbm>> -> memref<128xi32, #tpu.memory_space<hbm>>
      tpu.enqueue_dma source(%dma_start3A_104 : memref<128xi32, #tpu.memory_space<hbm>>) target(%arg10 : memref<128xi32, #tpu.memory_space<vmem>>) target_semaphore(%arg19 : memref<!tpu.dma_semaphore, #tpu.memory_space<semaphore_mem>>)
    }
    %scan3A_23 = arith.constant 39 : i32
    %add3A_24 = arith.constant 9856 : i32
    %add3A_25 = arith.addi %mul3A_2, %add3A_24 : i32
    %dma_wait3A = tpu.memref_slice %arg3[%add3A_25] : memref<320000xi32, #tpu.memory_space<hbm>> -> memref<128xi32, #tpu.memory_space<hbm>>
    %dma_wait3A_26 = tpu.memref_slice %arg3[%add3A_25] : memref<320000xi32, #tpu.memory_space<hbm>> -> memref<128xi32, #tpu.memory_space<hbm>>
    tpu.wait_dma2 semaphore(%arg19 : memref<!tpu.dma_semaphore, #tpu.memory_space<semaphore_mem>>) src(%dma_wait3A_26 : memref<128xi32, #tpu.memory_space<hbm>>) dst(%arg9 : memref<128xi32, #tpu.memory_space<vmem>>)
    %dma_wait3A_27 = tpu.memref_slice %arg4[%add3A_25] : memref<320000xi32, #tpu.memory_space<hbm>> -> memref<128xi32, #tpu.memory_space<hbm>>
    %dma_wait3A_28 = tpu.memref_slice %arg4[%add3A_25] : memref<320000xi32, #tpu.memory_space<hbm>> -> memref<128xi32, #tpu.memory_space<hbm>>
    tpu.wait_dma2 semaphore(%arg19 : memref<!tpu.dma_semaphore, #tpu.memory_space<semaphore_mem>>) src(%dma_wait3A_28 : memref<128xi32, #tpu.memory_space<hbm>>) dst(%arg10 : memref<128xi32, #tpu.memory_space<vmem>>)
    %add3A_29 = arith.constant 9984 : i32
    %add3A_30 = arith.addi %mul3A_2, %add3A_29 : i32
    "tpu.region"() ({
      %run_scoped3A = tpu.sem_alloc : memref<!tpu.dma_semaphore, #tpu.memory_space<semaphore_mem>>
      %dma_start3A_53 = tpu.memref_slice %arg3[%add3A_30] : memref<320000xi32, #tpu.memory_space<hbm>> -> memref<16xi32, #tpu.memory_space<hbm>>
      %dma_start3A_54 = tpu.memref_slice %arg3[%add3A_30] : memref<320000xi32, #tpu.memory_space<hbm>> -> memref<16xi32, #tpu.memory_space<hbm>>
      tpu.enqueue_dma source(%dma_start3A_54 : memref<16xi32, #tpu.memory_space<hbm>>) target(%arg11 : memref<16xi32, #tpu.memory_space<vmem>>) target_semaphore(%run_scoped3A : memref<!tpu.dma_semaphore, #tpu.memory_space<semaphore_mem>>)
      %dma_wait3A_55 = tpu.memref_slice %arg3[%add3A_30] : memref<320000xi32, #tpu.memory_space<hbm>> -> memref<16xi32, #tpu.memory_space<hbm>>
      %dma_wait3A_56 = tpu.memref_slice %arg3[%add3A_30] : memref<320000xi32, #tpu.memory_space<hbm>> -> memref<16xi32, #tpu.memory_space<hbm>>
      tpu.wait_dma2 semaphore(%run_scoped3A : memref<!tpu.dma_semaphore, #tpu.memory_space<semaphore_mem>>) src(%dma_wait3A_56 : memref<16xi32, #tpu.memory_space<hbm>>) dst(%arg11 : memref<16xi32, #tpu.memory_space<vmem>>)
      tpu.yield
    }) : () -> ()
    "tpu.region"() ({
      %run_scoped3A = tpu.sem_alloc : memref<!tpu.dma_semaphore, #tpu.memory_space<semaphore_mem>>
      %dma_start3A_53 = tpu.memref_slice %arg4[%add3A_30] : memref<320000xi32, #tpu.memory_space<hbm>> -> memref<16xi32, #tpu.memory_space<hbm>>
      %dma_start3A_54 = tpu.memref_slice %arg4[%add3A_30] : memref<320000xi32, #tpu.memory_space<hbm>> -> memref<16xi32, #tpu.memory_space<hbm>>
      tpu.enqueue_dma source(%dma_start3A_54 : memref<16xi32, #tpu.memory_space<hbm>>) target(%arg12 : memref<16xi32, #tpu.memory_space<vmem>>) target_semaphore(%run_scoped3A : memref<!tpu.dma_semaphore, #tpu.memory_space<semaphore_mem>>)
      %dma_wait3A_55 = tpu.memref_slice %arg4[%add3A_30] : memref<320000xi32, #tpu.memory_space<hbm>> -> memref<16xi32, #tpu.memory_space<hbm>>
      %dma_wait3A_56 = tpu.memref_slice %arg4[%add3A_30] : memref<320000xi32, #tpu.memory_space<hbm>> -> memref<16xi32, #tpu.memory_space<hbm>>
      tpu.wait_dma2 semaphore(%run_scoped3A : memref<!tpu.dma_semaphore, #tpu.memory_space<semaphore_mem>>) src(%dma_wait3A_56 : memref<16xi32, #tpu.memory_space<hbm>>) dst(%arg12 : memref<16xi32, #tpu.memory_space<vmem>>)
      tpu.yield
    }) : () -> ()
    %dma_start3A_31 = arith.constant 0 : i32
    %dma_start3A_32 = arith.constant 0 : i32
    %dma_start3A_33 = tpu.memref_slice %arg13[%dma_start3A_31, %dma_start3A_32] : memref<128x128xf32, #tpu.memory_space<vmem>> -> memref<16x128xf32, #tpu.memory_space<vmem>>
    %dma_start3A_34 = arith.constant 0 : i32
    %dma_start3A_35 = arith.constant 0 : i32
    %dma_start3A_36 = tpu.memref_slice %arg2[%dma_start3A_34, %dma_start3A_35] : memref<10000x128xf32, #tpu.memory_space<hbm>> -> memref<10000x128xf32, #tpu.memory_space<hbm>>
    tpu.enqueue_indirect_dma source(%dma_start3A_36 : memref<10000x128xf32, #tpu.memory_space<hbm>>) target(%dma_start3A_33 : memref<16x128xf32, #tpu.memory_space<vmem>>) offsets(%arg11 : memref<16xi32, #tpu.memory_space<vmem>>) semaphore(%arg16 : memref<!tpu.dma_semaphore, #tpu.memory_space<semaphore_mem>>)
    %dma_wait3A_37 = arith.constant 0 : i32
    %dma_wait3A_38 = arith.constant 0 : i32
    %dma_wait3A_39 = tpu.memref_slice %arg13[%dma_wait3A_37, %dma_wait3A_38] : memref<128x128xf32, #tpu.memory_space<vmem>> -> memref<16x128xf32, #tpu.memory_space<vmem>>
    %dma_wait3A_40 = arith.constant 0 : i32
    %dma_wait3A_41 = arith.constant 0 : i32
    %dma_wait3A_42 = tpu.memref_slice %arg2[%dma_wait3A_40, %dma_wait3A_41] : memref<10000x128xf32, #tpu.memory_space<hbm>> -> memref<10000x128xf32, #tpu.memory_space<hbm>>
    tpu.wait_indirect_dma semaphore(%arg16 : memref<!tpu.dma_semaphore, #tpu.memory_space<semaphore_mem>>) src(%dma_wait3A_42 : memref<10000x128xf32, #tpu.memory_space<hbm>>) dst(%dma_wait3A_39 : memref<16x128xf32, #tpu.memory_space<vmem>>)
    "tpu.region"() ({
      %run_scoped3A = tpu.sem_alloc : memref<!tpu.dma_semaphore, #tpu.memory_space<semaphore_mem>>
      %dma_start3A_53 = arith.constant 0 : i32
      %dma_start3A_54 = arith.constant 0 : i32
      %dma_start3A_55 = tpu.memref_slice %arg13[%dma_start3A_53, %dma_start3A_54] : memref<128x128xf32, #tpu.memory_space<vmem>> -> memref<16x128xf32, #tpu.memory_space<vmem>>
      %dma_start3A_56 = arith.constant 0 : i32
      %dma_start3A_57 = arith.constant 0 : i32
      %dma_start3A_58 = tpu.memref_slice %arg15[%dma_start3A_56, %dma_start3A_57] : memref<10000x128xf32, #tpu.memory_space<vmem_shared>> -> memref<10000x128xf32, #tpu.memory_space<vmem_shared>>
      tpu.enqueue_indirect_dma source(%dma_start3A_55 : memref<16x128xf32, #tpu.memory_space<vmem>>) target(%dma_start3A_58 : memref<10000x128xf32, #tpu.memory_space<vmem_shared>>) offsets(%arg12 : memref<16xi32, #tpu.memory_space<vmem>>) semaphore(%run_scoped3A : memref<!tpu.dma_semaphore, #tpu.memory_space<semaphore_mem>>) {add = true}
      %dma_wait3A_59 = arith.constant 0 : i32
      %dma_wait3A_60 = arith.constant 0 : i32
      %dma_wait3A_61 = tpu.memref_slice %arg13[%dma_wait3A_59, %dma_wait3A_60] : memref<128x128xf32, #tpu.memory_space<vmem>> -> memref<16x128xf32, #tpu.memory_space<vmem>>
      %dma_wait3A_62 = arith.constant 0 : i32
      %dma_wait3A_63 = arith.constant 0 : i32
      %dma_wait3A_64 = tpu.memref_slice %arg15[%dma_wait3A_62, %dma_wait3A_63] : memref<10000x128xf32, #tpu.memory_space<vmem_shared>> -> memref<10000x128xf32, #tpu.memory_space<vmem_shared>>
      tpu.wait_indirect_dma semaphore(%run_scoped3A : memref<!tpu.dma_semaphore, #tpu.memory_space<semaphore_mem>>) src(%dma_wait3A_61 : memref<16x128xf32, #tpu.memory_space<vmem>>) dst(%dma_wait3A_64 : memref<10000x128xf32, #tpu.memory_space<vmem_shared>>)
      tpu.yield
    }) : () -> ()
    %barrier3A_43 = arith.constant 0 : index
    tpu.barrier barrier_id(%barrier3A_43)
    %mul3A_44 = arith.constant 624 : i32
    %mul3A_45 = arith.muli %arg1, %mul3A_44 : i32
    %mul3A_46 = arith.constant 624 : i32
    %mul3A_47 = arith.muli %arg1, %mul3A_46 : i32
    "tpu.region"() ({
      %run_scoped3A = tpu.sem_alloc : memref<!tpu.dma_semaphore, #tpu.memory_space<semaphore_mem>>
      %dma_start3A_53 = arith.constant 0 : i32
      %dma_start3A_54 = tpu.memref_slice %arg6[%arg0, %mul3A_47, %dma_start3A_53] : memref<2x10000x128xf32, #tpu.memory_space<hbm>> -> memref<1x624x128xf32, #tpu.memory_space<hbm>>
      %dma_start3A_55 = tpu.memref_squeeze %dma_start3A_54 : memref<1x624x128xf32, #tpu.memory_space<hbm>> -> memref<624x128xf32, #tpu.memory_space<hbm>>
      %dma_start3A_56 = arith.constant 0 : i32
      %dma_start3A_57 = tpu.memref_slice %arg15[%mul3A_45, %dma_start3A_56] : memref<10000x128xf32, #tpu.memory_space<vmem_shared>> -> memref<624x128xf32, #tpu.memory_space<vmem_shared>>
      tpu.enqueue_dma source(%dma_start3A_57 : memref<624x128xf32, #tpu.memory_space<vmem_shared>>) target(%dma_start3A_55 : memref<624x128xf32, #tpu.memory_space<hbm>>) target_semaphore(%run_scoped3A : memref<!tpu.dma_semaphore, #tpu.memory_space<semaphore_mem>>)
      %dma_wait3A_58 = arith.constant 0 : i32
      %dma_wait3A_59 = tpu.memref_slice %arg6[%arg0, %mul3A_47, %dma_wait3A_58] : memref<2x10000x128xf32, #tpu.memory_space<hbm>> -> memref<1x624x128xf32, #tpu.memory_space<hbm>>
      %dma_wait3A_60 = tpu.memref_squeeze %dma_wait3A_59 : memref<1x624x128xf32, #tpu.memory_space<hbm>> -> memref<624x128xf32, #tpu.memory_space<hbm>>
      %dma_wait3A_61 = arith.constant 0 : i32
      %dma_wait3A_62 = tpu.memref_slice %arg15[%mul3A_45, %dma_wait3A_61] : memref<10000x128xf32, #tpu.memory_space<vmem_shared>> -> memref<624x128xf32, #tpu.memory_space<vmem_shared>>
      tpu.wait_dma2 semaphore(%run_scoped3A : memref<!tpu.dma_semaphore, #tpu.memory_space<semaphore_mem>>) src(%dma_wait3A_62 : memref<624x128xf32, #tpu.memory_space<vmem_shared>>) dst(%dma_wait3A_60 : memref<624x128xf32, #tpu.memory_space<hbm>>)
      tpu.yield
    }) : () -> ()
    %eq3A_48 = arith.constant 0 : i32
    %eq3A_49 = arith.cmpi eq, %arg1, %eq3A_48 : i32
    %convert_element_type3A_50 = arith.extui %eq3A_49 : i1 to i32
    %cond3A_51 = arith.constant 0 : i32
    %cond3A_52 = arith.cmpi ne, %convert_element_type3A_50, %cond3A_51 : i32
    scf.if %cond3A_52 {
      "tpu.region"() ({
        %run_scoped3A = tpu.sem_alloc : memref<!tpu.dma_semaphore, #tpu.memory_space<semaphore_mem>>
        %dma_start3A_53 = arith.constant 9984 : i32
        %dma_start3A_54 = arith.constant 0 : i32
        %dma_start3A_55 = tpu.memref_slice %arg6[%arg0, %dma_start3A_53, %dma_start3A_54] : memref<2x10000x128xf32, #tpu.memory_space<hbm>> -> memref<1x16x128xf32, #tpu.memory_space<hbm>>
        %dma_start3A_56 = tpu.memref_squeeze %dma_start3A_55 : memref<1x16x128xf32, #tpu.memory_space<hbm>> -> memref<16x128xf32, #tpu.memory_space<hbm>>
        %dma_start3A_57 = arith.constant 9984 : i32
        %dma_start3A_58 = arith.constant 0 : i32
        %dma_start3A_59 = tpu.memref_slice %arg15[%dma_start3A_57, %dma_start3A_58] : memref<10000x128xf32, #tpu.memory_space<vmem_shared>> -> memref<16x128xf32, #tpu.memory_space<vmem_shared>>
        tpu.enqueue_dma source(%dma_start3A_59 : memref<16x128xf32, #tpu.memory_space<vmem_shared>>) target(%dma_start3A_56 : memref<16x128xf32, #tpu.memory_space<hbm>>) target_semaphore(%run_scoped3A : memref<!tpu.dma_semaphore, #tpu.memory_space<semaphore_mem>>)
        %dma_wait3A_60 = arith.constant 9984 : i32
        %dma_wait3A_61 = arith.constant 0 : i32
        %dma_wait3A_62 = tpu.memref_slice %arg6[%arg0, %dma_wait3A_60, %dma_wait3A_61] : memref<2x10000x128xf32, #tpu.memory_space<hbm>> -> memref<1x16x128xf32, #tpu.memory_space<hbm>>
        %dma_wait3A_63 = tpu.memref_squeeze %dma_wait3A_62 : memref<1x16x128xf32, #tpu.memory_space<hbm>> -> memref<16x128xf32, #tpu.memory_space<hbm>>
        %dma_wait3A_64 = arith.constant 9984 : i32
        %dma_wait3A_65 = arith.constant 0 : i32
        %dma_wait3A_66 = tpu.memref_slice %arg15[%dma_wait3A_64, %dma_wait3A_65] : memref<10000x128xf32, #tpu.memory_space<vmem_shared>> -> memref<16x128xf32, #tpu.memory_space<vmem_shared>>
        tpu.wait_dma2 semaphore(%run_scoped3A : memref<!tpu.dma_semaphore, #tpu.memory_space<semaphore_mem>>) src(%dma_wait3A_66 : memref<16x128xf32, #tpu.memory_space<vmem_shared>>) dst(%dma_wait3A_63 : memref<16x128xf32, #tpu.memory_space<hbm>>)
        tpu.yield
      }) : () -> ()
    } else {
    }
    return
  }
}

#map = affine_map<(d0, d1) -> (0)>
module attributes {stable_mosaic.version = 14 : i64} {
  func.func @k(%arg0: i32, %arg1: i32, %arg2: memref<320000xi32, #tpu.memory_space<hbm>>, %arg3: memref<10000xf32, #tpu.memory_space<hbm>>, %arg4: memref<320000xf32, #tpu.memory_space<hbm>>, %arg5: memref<10000xi32, #tpu.memory_space<vmem>>, %arg6: memref<10128xf32, #tpu.memory_space<vmem>>) attributes {dimension_semantics = [#tpu.dimension_semantics<core_parallel>, #tpu.dimension_semantics<subcore_parallel>], iteration_bounds = array<i64: 2, 16>, scalar_prefetch = 0 : i64, scratch_operands = 2 : i64, tpu.core_type = #tpu.core_type<sc_vector_subcore>, window_params = [{transform_indices = #map}, {transform_indices = #map}, {transform_indices = #map}]} {
    %mul3A = arith.constant 16 : i32
    %mul3A_0 = arith.muli %arg0, %mul3A : i32
    %add3A = arith.addi %mul3A_0, %arg1 : i32
    "tpu.region"() ({
      %run_scoped3A = tpu.sem_alloc : memref<!tpu.dma_semaphore, #tpu.memory_space<semaphore_mem>>
      %dma_start3A = arith.constant 0 : i32
      %dma_start3A_42 = tpu.memref_slice %arg6[%dma_start3A] : memref<10128xf32, #tpu.memory_space<vmem>> -> memref<10000xf32, #tpu.memory_space<vmem>>
      %dma_start3A_43 = arith.constant 0 : i32
      %dma_start3A_44 = tpu.memref_slice %arg6[%dma_start3A_43] : memref<10128xf32, #tpu.memory_space<vmem>> -> memref<10000xf32, #tpu.memory_space<vmem>>
      tpu.enqueue_dma source(%arg3 : memref<10000xf32, #tpu.memory_space<hbm>>) target(%dma_start3A_44 : memref<10000xf32, #tpu.memory_space<vmem>>) target_semaphore(%run_scoped3A : memref<!tpu.dma_semaphore, #tpu.memory_space<semaphore_mem>>)
      %dma_wait3A = arith.constant 0 : i32
      %dma_wait3A_45 = tpu.memref_slice %arg6[%dma_wait3A] : memref<10128xf32, #tpu.memory_space<vmem>> -> memref<10000xf32, #tpu.memory_space<vmem>>
      %dma_wait3A_46 = arith.constant 0 : i32
      %dma_wait3A_47 = tpu.memref_slice %arg6[%dma_wait3A_46] : memref<10128xf32, #tpu.memory_space<vmem>> -> memref<10000xf32, #tpu.memory_space<vmem>>
      tpu.wait_dma2 semaphore(%run_scoped3A : memref<!tpu.dma_semaphore, #tpu.memory_space<semaphore_mem>>) src(%arg3 : memref<10000xf32, #tpu.memory_space<hbm>>) dst(%dma_wait3A_47 : memref<10000xf32, #tpu.memory_space<vmem>>)
      tpu.yield
    }) : () -> ()
    %broadcast_in_dim3A = arith.constant 0.000000e+00 : f32
    %broadcast_in_dim3A_1 = vector.broadcast %broadcast_in_dim3A : f32 to vector<16xf32>
    %swap3A = arith.constant 10000 : index
    %swap3A_2 = tpu.vector_load %arg6[%swap3A] {strides = array<i32>} : memref<10128xf32, #tpu.memory_space<vmem>>, vector<16xf32>,
    tpu.vector_store %arg6[%swap3A], %broadcast_in_dim3A_1 {strides = array<i32>} : memref<10128xf32, #tpu.memory_space<vmem>>, vector<16xf32>,
    %broadcast_in_dim3A_3 = arith.constant 0.000000e+00 : f32
    %broadcast_in_dim3A_4 = vector.broadcast %broadcast_in_dim3A_3 : f32 to vector<16xf32>
    %swap3A_5 = arith.constant 10016 : index
    %swap3A_6 = tpu.vector_load %arg6[%swap3A_5] {strides = array<i32>} : memref<10128xf32, #tpu.memory_space<vmem>>, vector<16xf32>,
    tpu.vector_store %arg6[%swap3A_5], %broadcast_in_dim3A_4 {strides = array<i32>} : memref<10128xf32, #tpu.memory_space<vmem>>, vector<16xf32>,
    %broadcast_in_dim3A_7 = arith.constant 0.000000e+00 : f32
    %broadcast_in_dim3A_8 = vector.broadcast %broadcast_in_dim3A_7 : f32 to vector<16xf32>
    %swap3A_9 = arith.constant 10032 : index
    %swap3A_10 = tpu.vector_load %arg6[%swap3A_9] {strides = array<i32>} : memref<10128xf32, #tpu.memory_space<vmem>>, vector<16xf32>,
    tpu.vector_store %arg6[%swap3A_9], %broadcast_in_dim3A_8 {strides = array<i32>} : memref<10128xf32, #tpu.memory_space<vmem>>, vector<16xf32>,
    %broadcast_in_dim3A_11 = arith.constant 0.000000e+00 : f32
    %broadcast_in_dim3A_12 = vector.broadcast %broadcast_in_dim3A_11 : f32 to vector<16xf32>
    %swap3A_13 = arith.constant 10048 : index
    %swap3A_14 = tpu.vector_load %arg6[%swap3A_13] {strides = array<i32>} : memref<10128xf32, #tpu.memory_space<vmem>>, vector<16xf32>,
    tpu.vector_store %arg6[%swap3A_13], %broadcast_in_dim3A_12 {strides = array<i32>} : memref<10128xf32, #tpu.memory_space<vmem>>, vector<16xf32>,
    %broadcast_in_dim3A_15 = arith.constant 0.000000e+00 : f32
    %broadcast_in_dim3A_16 = vector.broadcast %broadcast_in_dim3A_15 : f32 to vector<16xf32>
    %swap3A_17 = arith.constant 10064 : index
    %swap3A_18 = tpu.vector_load %arg6[%swap3A_17] {strides = array<i32>} : memref<10128xf32, #tpu.memory_space<vmem>>, vector<16xf32>,
    tpu.vector_store %arg6[%swap3A_17], %broadcast_in_dim3A_16 {strides = array<i32>} : memref<10128xf32, #tpu.memory_space<vmem>>, vector<16xf32>,
    %broadcast_in_dim3A_19 = arith.constant 0.000000e+00 : f32
    %broadcast_in_dim3A_20 = vector.broadcast %broadcast_in_dim3A_19 : f32 to vector<16xf32>
    %swap3A_21 = arith.constant 10080 : index
    %swap3A_22 = tpu.vector_load %arg6[%swap3A_21] {strides = array<i32>} : memref<10128xf32, #tpu.memory_space<vmem>>, vector<16xf32>,
    tpu.vector_store %arg6[%swap3A_21], %broadcast_in_dim3A_20 {strides = array<i32>} : memref<10128xf32, #tpu.memory_space<vmem>>, vector<16xf32>,
    %broadcast_in_dim3A_23 = arith.constant 0.000000e+00 : f32
    %broadcast_in_dim3A_24 = vector.broadcast %broadcast_in_dim3A_23 : f32 to vector<16xf32>
    %swap3A_25 = arith.constant 10096 : index
    %swap3A_26 = tpu.vector_load %arg6[%swap3A_25] {strides = array<i32>} : memref<10128xf32, #tpu.memory_space<vmem>>, vector<16xf32>,
    tpu.vector_store %arg6[%swap3A_25], %broadcast_in_dim3A_24 {strides = array<i32>} : memref<10128xf32, #tpu.memory_space<vmem>>, vector<16xf32>,
    %broadcast_in_dim3A_27 = arith.constant 0.000000e+00 : f32
    %broadcast_in_dim3A_28 = vector.broadcast %broadcast_in_dim3A_27 : f32 to vector<16xf32>
    %swap3A_29 = arith.constant 10112 : index
    %swap3A_30 = tpu.vector_load %arg6[%swap3A_29] {strides = array<i32>} : memref<10128xf32, #tpu.memory_space<vmem>>, vector<16xf32>,
    tpu.vector_store %arg6[%swap3A_29], %broadcast_in_dim3A_28 {strides = array<i32>} : memref<10128xf32, #tpu.memory_space<vmem>>, vector<16xf32>,
    %mul3A_31 = arith.constant 10000 : i32
    %mul3A_32 = arith.muli %add3A, %mul3A_31 : i32
    "tpu.region"() ({
      %run_scoped3A = tpu.sem_alloc : memref<!tpu.dma_semaphore, #tpu.memory_space<semaphore_mem>>
      %dma_start3A = tpu.memref_slice %arg2[%mul3A_32] : memref<320000xi32, #tpu.memory_space<hbm>> -> memref<10000xi32, #tpu.memory_space<hbm>>
      %dma_start3A_42 = tpu.memref_slice %arg2[%mul3A_32] : memref<320000xi32, #tpu.memory_space<hbm>> -> memref<10000xi32, #tpu.memory_space<hbm>>
      tpu.enqueue_dma source(%dma_start3A_42 : memref<10000xi32, #tpu.memory_space<hbm>>) target(%arg5 : memref<10000xi32, #tpu.memory_space<vmem>>) target_semaphore(%run_scoped3A : memref<!tpu.dma_semaphore, #tpu.memory_space<semaphore_mem>>)
      %dma_wait3A = tpu.memref_slice %arg2[%mul3A_32] : memref<320000xi32, #tpu.memory_space<hbm>> -> memref<10000xi32, #tpu.memory_space<hbm>>
      %dma_wait3A_43 = tpu.memref_slice %arg2[%mul3A_32] : memref<320000xi32, #tpu.memory_space<hbm>> -> memref<10000xi32, #tpu.memory_space<hbm>>
      tpu.wait_dma2 semaphore(%run_scoped3A : memref<!tpu.dma_semaphore, #tpu.memory_space<semaphore_mem>>) src(%dma_wait3A_43 : memref<10000xi32, #tpu.memory_space<hbm>>) dst(%arg5 : memref<10000xi32, #tpu.memory_space<vmem>>)
      tpu.yield
    }) : () -> ()
    %broadcast_in_dim3A_33 = arith.constant 1.000000e+00 : f32
    %broadcast_in_dim3A_34 = vector.broadcast %broadcast_in_dim3A_33 : f32 to vector<16xf32>
    %scan3A = arith.constant 0 : i32
    %scan3A_35 = arith.constant 0 : i32
    %scan3A_36 = arith.constant 625 : i32
    %scan3A_37 = arith.addi %scan3A_35, %scan3A_36 : i32
    %scan3A_38 = arith.constant 1 : i32
    scf.for %scan3A_42 = %scan3A_35 to %scan3A_37 step %scan3A_38  : i32 {
      %mul3A_43 = arith.constant 16 : i32
      %mul3A_44 = arith.muli %scan3A_42, %mul3A_43 : i32
      %get3A = arith.index_cast %mul3A_44 : i32 to index
      %get3A_45 = tpu.vector_load %arg5[%get3A] {strides = array<i32>} : memref<10000xi32, #tpu.memory_space<vmem>>, vector<16xi32>,
      tpu.vector_store_idx %arg6[%get3A_45], %broadcast_in_dim3A_34 {add = true} : memref<10128xf32, #tpu.memory_space<vmem>>[vector<16xi32>], vector<16xf32>,
    }
    %scan3A_39 = arith.constant 625 : i32
    %mul3A_40 = arith.constant 10000 : i32
    %mul3A_41 = arith.muli %add3A, %mul3A_40 : i32
    "tpu.region"() ({
      %run_scoped3A = tpu.sem_alloc : memref<!tpu.dma_semaphore, #tpu.memory_space<semaphore_mem>>
      %dma_start3A = arith.constant 0 : i32
      %dma_start3A_42 = tpu.memref_slice %arg6[%dma_start3A] : memref<10128xf32, #tpu.memory_space<vmem>> -> memref<10000xf32, #tpu.memory_space<vmem>>
      %dma_start3A_43 = tpu.memref_slice %arg4[%mul3A_41] : memref<320000xf32, #tpu.memory_space<hbm>> -> memref<10000xf32, #tpu.memory_space<hbm>>
      %dma_start3A_44 = tpu.memref_slice %arg4[%mul3A_41] : memref<320000xf32, #tpu.memory_space<hbm>> -> memref<10000xf32, #tpu.memory_space<hbm>>
      %dma_start3A_45 = arith.constant 0 : i32
      %dma_start3A_46 = tpu.memref_slice %arg6[%dma_start3A_45] : memref<10128xf32, #tpu.memory_space<vmem>> -> memref<10000xf32, #tpu.memory_space<vmem>>
      tpu.enqueue_dma source(%dma_start3A_46 : memref<10000xf32, #tpu.memory_space<vmem>>) target(%dma_start3A_44 : memref<10000xf32, #tpu.memory_space<hbm>>) target_semaphore(%run_scoped3A : memref<!tpu.dma_semaphore, #tpu.memory_space<semaphore_mem>>)
      %dma_wait3A = arith.constant 0 : i32
      %dma_wait3A_47 = tpu.memref_slice %arg6[%dma_wait3A] : memref<10128xf32, #tpu.memory_space<vmem>> -> memref<10000xf32, #tpu.memory_space<vmem>>
      %dma_wait3A_48 = tpu.memref_slice %arg4[%mul3A_41] : memref<320000xf32, #tpu.memory_space<hbm>> -> memref<10000xf32, #tpu.memory_space<hbm>>
      %dma_wait3A_49 = tpu.memref_slice %arg4[%mul3A_41] : memref<320000xf32, #tpu.memory_space<hbm>> -> memref<10000xf32, #tpu.memory_space<hbm>>
      %dma_wait3A_50 = arith.constant 0 : i32
      %dma_wait3A_51 = tpu.memref_slice %arg6[%dma_wait3A_50] : memref<10128xf32, #tpu.memory_space<vmem>> -> memref<10000xf32, #tpu.memory_space<vmem>>
      tpu.wait_dma2 semaphore(%run_scoped3A : memref<!tpu.dma_semaphore, #tpu.memory_space<semaphore_mem>>) src(%dma_wait3A_51 : memref<10000xf32, #tpu.memory_space<vmem>>) dst(%dma_wait3A_49 : memref<10000xf32, #tpu.memory_space<hbm>>)
      tpu.yield
    }) : () -> ()
    return
  }
}

#map = affine_map<(d0, d1) -> (0, 0)>
#map1 = affine_map<(d0, d1) -> (0)>
module attributes {stable_mosaic.version = 14 : i64} {
  func.func @k(%arg0: i32, %arg1: i32, %arg2: memref<10000x128xf32, #tpu.memory_space<hbm>>, %arg3: memref<100000xi32, #tpu.memory_space<hbm>>, %arg4: memref<100000x128xf32, #tpu.memory_space<hbm>>, %arg5: memref<128xi32, #tpu.memory_space<vmem>>, %arg6: memref<128xi32, #tpu.memory_space<vmem>>, %arg7: memref<32xi32, #tpu.memory_space<vmem>>, %arg8: memref<128x128xf32, #tpu.memory_space<vmem>>, %arg9: memref<128x128xf32, #tpu.memory_space<vmem>>, %arg10: memref<!tpu.dma_semaphore, #tpu.memory_space<semaphore_mem>>, %arg11: memref<!tpu.dma_semaphore, #tpu.memory_space<semaphore_mem>>, %arg12: memref<!tpu.dma_semaphore, #tpu.memory_space<semaphore_mem>>, %arg13: memref<!tpu.dma_semaphore, #tpu.memory_space<semaphore_mem>>) attributes {dimension_semantics = [#tpu.dimension_semantics<core_parallel>, #tpu.dimension_semantics<subcore_parallel>], iteration_bounds = array<i64: 2, 16>, scalar_prefetch = 0 : i64, scratch_operands = 9 : i64, tpu.core_type = #tpu.core_type<sc_vector_subcore>, window_params = [{transform_indices = #map}, {transform_indices = #map1}, {transform_indices = #map}]} {
    %mul3A = arith.constant 16 : i32
    %mul3A_0 = arith.muli %arg0, %mul3A : i32
    %add3A = arith.addi %mul3A_0, %arg1 : i32
    %lt3A = arith.constant 13 : i32
    %lt3A_1 = arith.cmpi slt, %add3A, %lt3A : i32
    %jit3A = arith.constant 1 : i32
    %jit3A_2 = arith.constant 0 : i32
    %select_n3A = arith.select %lt3A_1, %jit3A, %jit3A_2 : i32
    %add3A_3 = arith.constant 24 : i32
    %add3A_4 = arith.addi %add3A_3, %select_n3A : i32
    %add3A_5 = arith.constant 0 : i32
    %add3A_6 = arith.addi %add3A_5, %add3A : i32
    %mul3A_7 = arith.constant 128 : i32
    %mul3A_8 = arith.muli %add3A_6, %mul3A_7 : i32
    "tpu.region"() ({
      %run_scoped3A = tpu.sem_alloc : memref<!tpu.dma_semaphore, #tpu.memory_space<semaphore_mem>>
      %dma_start3A_75 = tpu.memref_slice %arg3[%mul3A_8] : memref<100000xi32, #tpu.memory_space<hbm>> -> memref<128xi32, #tpu.memory_space<hbm>>
      %dma_start3A_76 = tpu.memref_slice %arg3[%mul3A_8] : memref<100000xi32, #tpu.memory_space<hbm>> -> memref<128xi32, #tpu.memory_space<hbm>>
      tpu.enqueue_dma source(%dma_start3A_76 : memref<128xi32, #tpu.memory_space<hbm>>) target(%arg5 : memref<128xi32, #tpu.memory_space<vmem>>) target_semaphore(%run_scoped3A : memref<!tpu.dma_semaphore, #tpu.memory_space<semaphore_mem>>)
      %dma_wait3A_77 = tpu.memref_slice %arg3[%mul3A_8] : memref<100000xi32, #tpu.memory_space<hbm>> -> memref<128xi32, #tpu.memory_space<hbm>>
      %dma_wait3A_78 = tpu.memref_slice %arg3[%mul3A_8] : memref<100000xi32, #tpu.memory_space<hbm>> -> memref<128xi32, #tpu.memory_space<hbm>>
      tpu.wait_dma2 semaphore(%run_scoped3A : memref<!tpu.dma_semaphore, #tpu.memory_space<semaphore_mem>>) src(%dma_wait3A_78 : memref<128xi32, #tpu.memory_space<hbm>>) dst(%arg5 : memref<128xi32, #tpu.memory_space<vmem>>)
      tpu.yield
    }) : () -> ()
    %dma_start3A = arith.constant 0 : i32
    %dma_start3A_9 = arith.constant 0 : i32
    %dma_start3A_10 = tpu.memref_slice %arg2[%dma_start3A, %dma_start3A_9] : memref<10000x128xf32, #tpu.memory_space<hbm>> -> memref<10000x128xf32, #tpu.memory_space<hbm>>
    tpu.enqueue_indirect_dma source(%dma_start3A_10 : memref<10000x128xf32, #tpu.memory_space<hbm>>) target(%arg8 : memref<128x128xf32, #tpu.memory_space<vmem>>) offsets(%arg5 : memref<128xi32, #tpu.memory_space<vmem>>) semaphore(%arg10 : memref<!tpu.dma_semaphore, #tpu.memory_space<semaphore_mem>>)
    %add3A_11 = arith.constant 32 : i32
    %add3A_12 = arith.addi %add3A_11, %add3A : i32
    %mul3A_13 = arith.constant 128 : i32
    %mul3A_14 = arith.muli %add3A_12, %mul3A_13 : i32
    %dma_start3A_15 = tpu.memref_slice %arg3[%mul3A_14] : memref<100000xi32, #tpu.memory_space<hbm>> -> memref<128xi32, #tpu.memory_space<hbm>>
    %dma_start3A_16 = tpu.memref_slice %arg3[%mul3A_14] : memref<100000xi32, #tpu.memory_space<hbm>> -> memref<128xi32, #tpu.memory_space<hbm>>
    tpu.enqueue_dma source(%dma_start3A_16 : memref<128xi32, #tpu.memory_space<hbm>>) target(%arg6 : memref<128xi32, #tpu.memory_space<vmem>>) target_semaphore(%arg13 : memref<!tpu.dma_semaphore, #tpu.memory_space<semaphore_mem>>)
    %jit3A_17 = arith.constant 2 : i32
    %div3A = arith.divsi %add3A_4, %jit3A_17 : i32
    %sign3A = arith.constant 0 : i32
    %sign3A_18 = arith.cmpi sgt, %add3A_4, %sign3A : i32
    %sign3A_19 = arith.extui %sign3A_18 : i1 to i32
    %sign3A_20 = arith.constant 0 : i32
    %sign3A_21 = arith.cmpi slt, %add3A_4, %sign3A_20 : i32
    %sign3A_22 = arith.extui %sign3A_21 : i1 to i32
    %sign3A_23 = arith.subi %sign3A_19, %sign3A_22 : i32
    %sign3A_24 = arith.constant 0 : i32
    %sign3A_25 = arith.cmpi sgt, %jit3A_17, %sign3A_24 : i32
    %sign3A_26 = arith.extui %sign3A_25 : i1 to i32
    %sign3A_27 = arith.constant 0 : i32
    %sign3A_28 = arith.cmpi slt, %jit3A_17, %sign3A_27 : i32
    %sign3A_29 = arith.extui %sign3A_28 : i1 to i32
    %sign3A_30 = arith.subi %sign3A_26, %sign3A_29 : i32
    %ne3A = arith.cmpi ne, %sign3A_23, %sign3A_30 : i32
    %rem3A = arith.remsi %add3A_4, %jit3A_17 : i32
    %ne3A_31 = arith.constant 0 : i32
    %ne3A_32 = arith.cmpi ne, %rem3A, %ne3A_31 : i32
    %and3A = arith.andi %ne3A, %ne3A_32 : i1
    %sub3A = arith.constant 1 : i32
    %sub3A_33 = arith.subi %div3A, %sub3A : i32
    %select_n3A_34 = arith.select %and3A, %sub3A_33, %div3A : i32
    %while3A = arith.constant 0 : i32
    %while3A_35 = arith.constant 0 : i32
    %while3A_36 = arith.subi %select_n3A_34, %while3A_35 : i32
    %while3A_37 = arith.addi %while3A_35, %while3A_36 : i32
    %while3A_38 = arith.constant 1 : i32
    %while3A_39 = arith.divsi %while3A_36, %while3A_38 : i32
    %while3A_40 = arith.muli %while3A_39, %while3A_38 : i32
    %while3A_41 = arith.addi %while3A_35, %while3A_40 : i32
    %while3A_42 = arith.constant 1 : i32
    scf.for %while3A_75 = %while3A_35 to %while3A_41 step %while3A_42  : i32 {
      %mul3A_76 = arith.constant 2 : i32
      %mul3A_77 = arith.muli %mul3A_76, %while3A_75 : i32
      %add3A_78 = arith.constant 1 : i32
      %add3A_79 = arith.addi %mul3A_77, %add3A_78 : i32
      %mul3A_80 = arith.constant 32 : i32
      %mul3A_81 = arith.muli %add3A_79, %mul3A_80 : i32
      %add3A_82 = arith.addi %mul3A_81, %add3A : i32
      %mul3A_83 = arith.constant 128 : i32
      %mul3A_84 = arith.muli %add3A_82, %mul3A_83 : i32
      %dma_wait3A_85 = tpu.memref_slice %arg3[%mul3A_84] : memref<100000xi32, #tpu.memory_space<hbm>> -> memref<128xi32, #tpu.memory_space<hbm>>
      %dma_wait3A_86 = tpu.memref_slice %arg3[%mul3A_84] : memref<100000xi32, #tpu.memory_space<hbm>> -> memref<128xi32, #tpu.memory_space<hbm>>
      tpu.wait_dma2 semaphore(%arg13 : memref<!tpu.dma_semaphore, #tpu.memory_space<semaphore_mem>>) src(%dma_wait3A_86 : memref<128xi32, #tpu.memory_space<hbm>>) dst(%arg6 : memref<128xi32, #tpu.memory_space<vmem>>)
      %dma_start3A_87 = arith.constant 0 : i32
      %dma_start3A_88 = arith.constant 0 : i32
      %dma_start3A_89 = tpu.memref_slice %arg2[%dma_start3A_87, %dma_start3A_88] : memref<10000x128xf32, #tpu.memory_space<hbm>> -> memref<10000x128xf32, #tpu.memory_space<hbm>>
      tpu.enqueue_indirect_dma source(%dma_start3A_89 : memref<10000x128xf32, #tpu.memory_space<hbm>>) target(%arg9 : memref<128x128xf32, #tpu.memory_space<vmem>>) offsets(%arg6 : memref<128xi32, #tpu.memory_space<vmem>>) semaphore(%arg11 : memref<!tpu.dma_semaphore, #tpu.memory_space<semaphore_mem>>)
      %dma_wait3A_90 = arith.constant 0 : i32
      %dma_wait3A_91 = arith.constant 0 : i32
      %dma_wait3A_92 = tpu.memref_slice %arg2[%dma_wait3A_90, %dma_wait3A_91] : memref<10000x128xf32, #tpu.memory_space<hbm>> -> memref<10000x128xf32, #tpu.memory_space<hbm>>
      tpu.wait_indirect_dma semaphore(%arg10 : memref<!tpu.dma_semaphore, #tpu.memory_space<semaphore_mem>>) src(%dma_wait3A_92 : memref<10000x128xf32, #tpu.memory_space<hbm>>) dst(%arg8 : memref<128x128xf32, #tpu.memory_space<vmem>>)
      %mul3A_93 = arith.constant 32 : i32
      %mul3A_94 = arith.muli %mul3A_77, %mul3A_93 : i32
      %add3A_95 = arith.addi %mul3A_94, %add3A : i32
      %mul3A_96 = arith.constant 128 : i32
      %mul3A_97 = arith.muli %add3A_95, %mul3A_96 : i32
      "tpu.region"() ({
        %run_scoped3A = tpu.sem_alloc : memref<!tpu.dma_semaphore, #tpu.memory_space<semaphore_mem>>
        %dma_start3A_163 = arith.constant 0 : i32
        %dma_start3A_164 = tpu.memref_slice %arg4[%mul3A_97, %dma_start3A_163] : memref<100000x128xf32, #tpu.memory_space<hbm>> -> memref<128x128xf32, #tpu.memory_space<hbm>>
        %dma_start3A_165 = arith.constant 0 : i32
        %dma_start3A_166 = tpu.memref_slice %arg4[%mul3A_97, %dma_start3A_165] : memref<100000x128xf32, #tpu.memory_space<hbm>> -> memref<128x128xf32, #tpu.memory_space<hbm>>
        tpu.enqueue_dma source(%arg8 : memref<128x128xf32, #tpu.memory_space<vmem>>) target(%dma_start3A_166 : memref<128x128xf32, #tpu.memory_space<hbm>>) target_semaphore(%run_scoped3A : memref<!tpu.dma_semaphore, #tpu.memory_space<semaphore_mem>>)
        %dma_wait3A_167 = arith.constant 0 : i32
        %dma_wait3A_168 = tpu.memref_slice %arg4[%mul3A_97, %dma_wait3A_167] : memref<100000x128xf32, #tpu.memory_space<hbm>> -> memref<128x128xf32, #tpu.memory_space<hbm>>
        %dma_wait3A_169 = arith.constant 0 : i32
        %dma_wait3A_170 = tpu.memref_slice %arg4[%mul3A_97, %dma_wait3A_169] : memref<100000x128xf32, #tpu.memory_space<hbm>> -> memref<128x128xf32, #tpu.memory_space<hbm>>
        tpu.wait_dma2 semaphore(%run_scoped3A : memref<!tpu.dma_semaphore, #tpu.memory_space<semaphore_mem>>) src(%arg8 : memref<128x128xf32, #tpu.memory_space<vmem>>) dst(%dma_wait3A_170 : memref<128x128xf32, #tpu.memory_space<hbm>>)
        tpu.yield
      }) : () -> ()
      %add3A_98 = arith.constant 2 : i32
      %add3A_99 = arith.addi %mul3A_77, %add3A_98 : i32
      %sub3A_100 = arith.constant 1 : i32
      %sub3A_101 = arith.subi %add3A_4, %sub3A_100 : i32
      %min3A = arith.minsi %add3A_99, %sub3A_101 : i32
      %mul3A_102 = arith.constant 32 : i32
      %mul3A_103 = arith.muli %min3A, %mul3A_102 : i32
      %add3A_104 = arith.addi %mul3A_103, %add3A : i32
      %mul3A_105 = arith.constant 128 : i32
      %mul3A_106 = arith.muli %add3A_104, %mul3A_105 : i32
      %dma_start3A_107 = tpu.memref_slice %arg3[%mul3A_106] : memref<100000xi32, #tpu.memory_space<hbm>> -> memref<128xi32, #tpu.memory_space<hbm>>
      %dma_start3A_108 = tpu.memref_slice %arg3[%mul3A_106] : memref<100000xi32, #tpu.memory_space<hbm>> -> memref<128xi32, #tpu.memory_space<hbm>>
      tpu.enqueue_dma source(%dma_start3A_108 : memref<128xi32, #tpu.memory_space<hbm>>) target(%arg5 : memref<128xi32, #tpu.memory_space<vmem>>) target_semaphore(%arg12 : memref<!tpu.dma_semaphore, #tpu.memory_space<semaphore_mem>>)
      %dma_wait3A_109 = tpu.memref_slice %arg3[%mul3A_106] : memref<100000xi32, #tpu.memory_space<hbm>> -> memref<128xi32, #tpu.memory_space<hbm>>
      %dma_wait3A_110 = tpu.memref_slice %arg3[%mul3A_106] : memref<100000xi32, #tpu.memory_space<hbm>> -> memref<128xi32, #tpu.memory_space<hbm>>
      tpu.wait_dma2 semaphore(%arg12 : memref<!tpu.dma_semaphore, #tpu.memory_space<semaphore_mem>>) src(%dma_wait3A_110 : memref<128xi32, #tpu.memory_space<hbm>>) dst(%arg5 : memref<128xi32, #tpu.memory_space<vmem>>)
      %add3A_111 = arith.constant 1 : i32
      %add3A_112 = arith.addi %add3A_79, %add3A_111 : i32
      %jit3A_113 = arith.constant 2 : i32
      %div3A_114 = arith.divsi %add3A_4, %jit3A_113 : i32
      %sign3A_115 = arith.constant 0 : i32
      %sign3A_116 = arith.cmpi sgt, %add3A_4, %sign3A_115 : i32
      %sign3A_117 = arith.extui %sign3A_116 : i1 to i32
      %sign3A_118 = arith.constant 0 : i32
      %sign3A_119 = arith.cmpi slt, %add3A_4, %sign3A_118 : i32
      %sign3A_120 = arith.extui %sign3A_119 : i1 to i32
      %sign3A_121 = arith.subi %sign3A_117, %sign3A_120 : i32
      %sign3A_122 = arith.constant 0 : i32
      %sign3A_123 = arith.cmpi sgt, %jit3A_113, %sign3A_122 : i32
      %sign3A_124 = arith.extui %sign3A_123 : i1 to i32
      %sign3A_125 = arith.constant 0 : i32
      %sign3A_126 = arith.cmpi slt, %jit3A_113, %sign3A_125 : i32
      %sign3A_127 = arith.extui %sign3A_126 : i1 to i32
      %sign3A_128 = arith.subi %sign3A_124, %sign3A_127 : i32
      %ne3A_129 = arith.cmpi ne, %sign3A_121, %sign3A_128 : i32
      %rem3A_130 = arith.remsi %add3A_4, %jit3A_113 : i32
      %ne3A_131 = arith.constant 0 : i32
      %ne3A_132 = arith.cmpi ne, %rem3A_130, %ne3A_131 : i32
      %and3A_133 = arith.andi %ne3A_129, %ne3A_132 : i1
      %sub3A_134 = arith.constant 1 : i32
      %sub3A_135 = arith.subi %div3A_114, %sub3A_134 : i32
      %select_n3A_136 = arith.select %and3A_133, %sub3A_135, %div3A_114 : i32
      %mul3A_137 = arith.constant 2 : i32
      %mul3A_138 = arith.muli %mul3A_137, %select_n3A_136 : i32
      %lt3A_139 = arith.cmpi slt, %add3A_112, %mul3A_138 : i32
      %convert_element_type3A_140 = arith.extui %lt3A_139 : i1 to i32
      %cond3A_141 = arith.constant 0 : i32
      %cond3A_142 = arith.cmpi ne, %convert_element_type3A_140, %cond3A_141 : i32
      scf.if %cond3A_142 {
        %dma_start3A_163 = arith.constant 0 : i32
        %dma_start3A_164 = arith.constant 0 : i32
        %dma_start3A_165 = tpu.memref_slice %arg2[%dma_start3A_163, %dma_start3A_164] : memref<10000x128xf32, #tpu.memory_space<hbm>> -> memref<10000x128xf32, #tpu.memory_space<hbm>>
        tpu.enqueue_indirect_dma source(%dma_start3A_165 : memref<10000x128xf32, #tpu.memory_space<hbm>>) target(%arg8 : memref<128x128xf32, #tpu.memory_space<vmem>>) offsets(%arg5 : memref<128xi32, #tpu.memory_space<vmem>>) semaphore(%arg10 : memref<!tpu.dma_semaphore, #tpu.memory_space<semaphore_mem>>)
      } else {
      }
      %dma_wait3A_143 = arith.constant 0 : i32
      %dma_wait3A_144 = arith.constant 0 : i32
      %dma_wait3A_145 = tpu.memref_slice %arg2[%dma_wait3A_143, %dma_wait3A_144] : memref<10000x128xf32, #tpu.memory_space<hbm>> -> memref<10000x128xf32, #tpu.memory_space<hbm>>
      tpu.wait_indirect_dma semaphore(%arg11 : memref<!tpu.dma_semaphore, #tpu.memory_space<semaphore_mem>>) src(%dma_wait3A_145 : memref<10000x128xf32, #tpu.memory_space<hbm>>) dst(%arg9 : memref<128x128xf32, #tpu.memory_space<vmem>>)
      %mul3A_146 = arith.constant 32 : i32
      %mul3A_147 = arith.muli %add3A_79, %mul3A_146 : i32
      %add3A_148 = arith.addi %mul3A_147, %add3A : i32
      %mul3A_149 = arith.constant 128 : i32
      %mul3A_150 = arith.muli %add3A_148, %mul3A_149 : i32
      "tpu.region"() ({
        %run_scoped3A = tpu.sem_alloc : memref<!tpu.dma_semaphore, #tpu.memory_space<semaphore_mem>>
        %dma_start3A_163 = arith.constant 0 : i32
        %dma_start3A_164 = tpu.memref_slice %arg4[%mul3A_150, %dma_start3A_163] : memref<100000x128xf32, #tpu.memory_space<hbm>> -> memref<128x128xf32, #tpu.memory_space<hbm>>
        %dma_start3A_165 = arith.constant 0 : i32
        %dma_start3A_166 = tpu.memref_slice %arg4[%mul3A_150, %dma_start3A_165] : memref<100000x128xf32, #tpu.memory_space<hbm>> -> memref<128x128xf32, #tpu.memory_space<hbm>>
        tpu.enqueue_dma source(%arg9 : memref<128x128xf32, #tpu.memory_space<vmem>>) target(%dma_start3A_166 : memref<128x128xf32, #tpu.memory_space<hbm>>) target_semaphore(%run_scoped3A : memref<!tpu.dma_semaphore, #tpu.memory_space<semaphore_mem>>)
        %dma_wait3A_167 = arith.constant 0 : i32
        %dma_wait3A_168 = tpu.memref_slice %arg4[%mul3A_150, %dma_wait3A_167] : memref<100000x128xf32, #tpu.memory_space<hbm>> -> memref<128x128xf32, #tpu.memory_space<hbm>>
        %dma_wait3A_169 = arith.constant 0 : i32
        %dma_wait3A_170 = tpu.memref_slice %arg4[%mul3A_150, %dma_wait3A_169] : memref<100000x128xf32, #tpu.memory_space<hbm>> -> memref<128x128xf32, #tpu.memory_space<hbm>>
        tpu.wait_dma2 semaphore(%run_scoped3A : memref<!tpu.dma_semaphore, #tpu.memory_space<semaphore_mem>>) src(%arg9 : memref<128x128xf32, #tpu.memory_space<vmem>>) dst(%dma_wait3A_170 : memref<128x128xf32, #tpu.memory_space<hbm>>)
        tpu.yield
      }) : () -> ()
      %add3A_151 = arith.constant 2 : i32
      %add3A_152 = arith.addi %add3A_79, %add3A_151 : i32
      %sub3A_153 = arith.constant 1 : i32
      %sub3A_154 = arith.subi %add3A_4, %sub3A_153 : i32
      %min3A_155 = arith.minsi %add3A_152, %sub3A_154 : i32
      %mul3A_156 = arith.constant 32 : i32
      %mul3A_157 = arith.muli %min3A_155, %mul3A_156 : i32
      %add3A_158 = arith.addi %mul3A_157, %add3A : i32
      %mul3A_159 = arith.constant 128 : i32
      %mul3A_160 = arith.muli %add3A_158, %mul3A_159 : i32
      %dma_start3A_161 = tpu.memref_slice %arg3[%mul3A_160] : memref<100000xi32, #tpu.memory_space<hbm>> -> memref<128xi32, #tpu.memory_space<hbm>>
      %dma_start3A_162 = tpu.memref_slice %arg3[%mul3A_160] : memref<100000xi32, #tpu.memory_space<hbm>> -> memref<128xi32, #tpu.memory_space<hbm>>
      tpu.enqueue_dma source(%dma_start3A_162 : memref<128xi32, #tpu.memory_space<hbm>>) target(%arg6 : memref<128xi32, #tpu.memory_space<vmem>>) target_semaphore(%arg13 : memref<!tpu.dma_semaphore, #tpu.memory_space<semaphore_mem>>)
    }
    %while3A_43 = arith.constant 1 : i32
    scf.for %while3A_75 = %while3A_41 to %while3A_37 step %while3A_43  : i32 {
      %mul3A_76 = arith.constant 2 : i32
      %mul3A_77 = arith.muli %mul3A_76, %while3A_75 : i32
      %add3A_78 = arith.constant 1 : i32
      %add3A_79 = arith.addi %mul3A_77, %add3A_78 : i32
      %mul3A_80 = arith.constant 32 : i32
      %mul3A_81 = arith.muli %add3A_79, %mul3A_80 : i32
      %add3A_82 = arith.addi %mul3A_81, %add3A : i32
      %mul3A_83 = arith.constant 128 : i32
      %mul3A_84 = arith.muli %add3A_82, %mul3A_83 : i32
      %dma_wait3A_85 = tpu.memref_slice %arg3[%mul3A_84] : memref<100000xi32, #tpu.memory_space<hbm>> -> memref<128xi32, #tpu.memory_space<hbm>>
      %dma_wait3A_86 = tpu.memref_slice %arg3[%mul3A_84] : memref<100000xi32, #tpu.memory_space<hbm>> -> memref<128xi32, #tpu.memory_space<hbm>>
      tpu.wait_dma2 semaphore(%arg13 : memref<!tpu.dma_semaphore, #tpu.memory_space<semaphore_mem>>) src(%dma_wait3A_86 : memref<128xi32, #tpu.memory_space<hbm>>) dst(%arg6 : memref<128xi32, #tpu.memory_space<vmem>>)
      %dma_start3A_87 = arith.constant 0 : i32
      %dma_start3A_88 = arith.constant 0 : i32
      %dma_start3A_89 = tpu.memref_slice %arg2[%dma_start3A_87, %dma_start3A_88] : memref<10000x128xf32, #tpu.memory_space<hbm>> -> memref<10000x128xf32, #tpu.memory_space<hbm>>
      tpu.enqueue_indirect_dma source(%dma_start3A_89 : memref<10000x128xf32, #tpu.memory_space<hbm>>) target(%arg9 : memref<128x128xf32, #tpu.memory_space<vmem>>) offsets(%arg6 : memref<128xi32, #tpu.memory_space<vmem>>) semaphore(%arg11 : memref<!tpu.dma_semaphore, #tpu.memory_space<semaphore_mem>>)
      %dma_wait3A_90 = arith.constant 0 : i32
      %dma_wait3A_91 = arith.constant 0 : i32
      %dma_wait3A_92 = tpu.memref_slice %arg2[%dma_wait3A_90, %dma_wait3A_91] : memref<10000x128xf32, #tpu.memory_space<hbm>> -> memref<10000x128xf32, #tpu.memory_space<hbm>>
      tpu.wait_indirect_dma semaphore(%arg10 : memref<!tpu.dma_semaphore, #tpu.memory_space<semaphore_mem>>) src(%dma_wait3A_92 : memref<10000x128xf32, #tpu.memory_space<hbm>>) dst(%arg8 : memref<128x128xf32, #tpu.memory_space<vmem>>)
      %mul3A_93 = arith.constant 32 : i32
      %mul3A_94 = arith.muli %mul3A_77, %mul3A_93 : i32
      %add3A_95 = arith.addi %mul3A_94, %add3A : i32
      %mul3A_96 = arith.constant 128 : i32
      %mul3A_97 = arith.muli %add3A_95, %mul3A_96 : i32
      "tpu.region"() ({
        %run_scoped3A = tpu.sem_alloc : memref<!tpu.dma_semaphore, #tpu.memory_space<semaphore_mem>>
        %dma_start3A_163 = arith.constant 0 : i32
        %dma_start3A_164 = tpu.memref_slice %arg4[%mul3A_97, %dma_start3A_163] : memref<100000x128xf32, #tpu.memory_space<hbm>> -> memref<128x128xf32, #tpu.memory_space<hbm>>
        %dma_start3A_165 = arith.constant 0 : i32
        %dma_start3A_166 = tpu.memref_slice %arg4[%mul3A_97, %dma_start3A_165] : memref<100000x128xf32, #tpu.memory_space<hbm>> -> memref<128x128xf32, #tpu.memory_space<hbm>>
        tpu.enqueue_dma source(%arg8 : memref<128x128xf32, #tpu.memory_space<vmem>>) target(%dma_start3A_166 : memref<128x128xf32, #tpu.memory_space<hbm>>) target_semaphore(%run_scoped3A : memref<!tpu.dma_semaphore, #tpu.memory_space<semaphore_mem>>)
        %dma_wait3A_167 = arith.constant 0 : i32
        %dma_wait3A_168 = tpu.memref_slice %arg4[%mul3A_97, %dma_wait3A_167] : memref<100000x128xf32, #tpu.memory_space<hbm>> -> memref<128x128xf32, #tpu.memory_space<hbm>>
        %dma_wait3A_169 = arith.constant 0 : i32
        %dma_wait3A_170 = tpu.memref_slice %arg4[%mul3A_97, %dma_wait3A_169] : memref<100000x128xf32, #tpu.memory_space<hbm>> -> memref<128x128xf32, #tpu.memory_space<hbm>>
        tpu.wait_dma2 semaphore(%run_scoped3A : memref<!tpu.dma_semaphore, #tpu.memory_space<semaphore_mem>>) src(%arg8 : memref<128x128xf32, #tpu.memory_space<vmem>>) dst(%dma_wait3A_170 : memref<128x128xf32, #tpu.memory_space<hbm>>)
        tpu.yield
      }) : () -> ()
      %add3A_98 = arith.constant 2 : i32
      %add3A_99 = arith.addi %mul3A_77, %add3A_98 : i32
      %sub3A_100 = arith.constant 1 : i32
      %sub3A_101 = arith.subi %add3A_4, %sub3A_100 : i32
      %min3A = arith.minsi %add3A_99, %sub3A_101 : i32
      %mul3A_102 = arith.constant 32 : i32
      %mul3A_103 = arith.muli %min3A, %mul3A_102 : i32
      %add3A_104 = arith.addi %mul3A_103, %add3A : i32
      %mul3A_105 = arith.constant 128 : i32
      %mul3A_106 = arith.muli %add3A_104, %mul3A_105 : i32
      %dma_start3A_107 = tpu.memref_slice %arg3[%mul3A_106] : memref<100000xi32, #tpu.memory_space<hbm>> -> memref<128xi32, #tpu.memory_space<hbm>>
      %dma_start3A_108 = tpu.memref_slice %arg3[%mul3A_106] : memref<100000xi32, #tpu.memory_space<hbm>> -> memref<128xi32, #tpu.memory_space<hbm>>
      tpu.enqueue_dma source(%dma_start3A_108 : memref<128xi32, #tpu.memory_space<hbm>>) target(%arg5 : memref<128xi32, #tpu.memory_space<vmem>>) target_semaphore(%arg12 : memref<!tpu.dma_semaphore, #tpu.memory_space<semaphore_mem>>)
      %dma_wait3A_109 = tpu.memref_slice %arg3[%mul3A_106] : memref<100000xi32, #tpu.memory_space<hbm>> -> memref<128xi32, #tpu.memory_space<hbm>>
      %dma_wait3A_110 = tpu.memref_slice %arg3[%mul3A_106] : memref<100000xi32, #tpu.memory_space<hbm>> -> memref<128xi32, #tpu.memory_space<hbm>>
      tpu.wait_dma2 semaphore(%arg12 : memref<!tpu.dma_semaphore, #tpu.memory_space<semaphore_mem>>) src(%dma_wait3A_110 : memref<128xi32, #tpu.memory_space<hbm>>) dst(%arg5 : memref<128xi32, #tpu.memory_space<vmem>>)
      %add3A_111 = arith.constant 1 : i32
      %add3A_112 = arith.addi %add3A_79, %add3A_111 : i32
      %jit3A_113 = arith.constant 2 : i32
      %div3A_114 = arith.divsi %add3A_4, %jit3A_113 : i32
      %sign3A_115 = arith.constant 0 : i32
      %sign3A_116 = arith.cmpi sgt, %add3A_4, %sign3A_115 : i32
      %sign3A_117 = arith.extui %sign3A_116 : i1 to i32
      %sign3A_118 = arith.constant 0 : i32
      %sign3A_119 = arith.cmpi slt, %add3A_4, %sign3A_118 : i32
      %sign3A_120 = arith.extui %sign3A_119 : i1 to i32
      %sign3A_121 = arith.subi %sign3A_117, %sign3A_120 : i32
      %sign3A_122 = arith.constant 0 : i32
      %sign3A_123 = arith.cmpi sgt, %jit3A_113, %sign3A_122 : i32
      %sign3A_124 = arith.extui %sign3A_123 : i1 to i32
      %sign3A_125 = arith.constant 0 : i32
      %sign3A_126 = arith.cmpi slt, %jit3A_113, %sign3A_125 : i32
      %sign3A_127 = arith.extui %sign3A_126 : i1 to i32
      %sign3A_128 = arith.subi %sign3A_124, %sign3A_127 : i32
      %ne3A_129 = arith.cmpi ne, %sign3A_121, %sign3A_128 : i32
      %rem3A_130 = arith.remsi %add3A_4, %jit3A_113 : i32
      %ne3A_131 = arith.constant 0 : i32
      %ne3A_132 = arith.cmpi ne, %rem3A_130, %ne3A_131 : i32
      %and3A_133 = arith.andi %ne3A_129, %ne3A_132 : i1
      %sub3A_134 = arith.constant 1 : i32
      %sub3A_135 = arith.subi %div3A_114, %sub3A_134 : i32
      %select_n3A_136 = arith.select %and3A_133, %sub3A_135, %div3A_114 : i32
      %mul3A_137 = arith.constant 2 : i32
      %mul3A_138 = arith.muli %mul3A_137, %select_n3A_136 : i32
      %lt3A_139 = arith.cmpi slt, %add3A_112, %mul3A_138 : i32
      %convert_element_type3A_140 = arith.extui %lt3A_139 : i1 to i32
      %cond3A_141 = arith.constant 0 : i32
      %cond3A_142 = arith.cmpi ne, %convert_element_type3A_140, %cond3A_141 : i32
      scf.if %cond3A_142 {
        %dma_start3A_163 = arith.constant 0 : i32
        %dma_start3A_164 = arith.constant 0 : i32
        %dma_start3A_165 = tpu.memref_slice %arg2[%dma_start3A_163, %dma_start3A_164] : memref<10000x128xf32, #tpu.memory_space<hbm>> -> memref<10000x128xf32, #tpu.memory_space<hbm>>
        tpu.enqueue_indirect_dma source(%dma_start3A_165 : memref<10000x128xf32, #tpu.memory_space<hbm>>) target(%arg8 : memref<128x128xf32, #tpu.memory_space<vmem>>) offsets(%arg5 : memref<128xi32, #tpu.memory_space<vmem>>) semaphore(%arg10 : memref<!tpu.dma_semaphore, #tpu.memory_space<semaphore_mem>>)
      } else {
      }
      %dma_wait3A_143 = arith.constant 0 : i32
      %dma_wait3A_144 = arith.constant 0 : i32
      %dma_wait3A_145 = tpu.memref_slice %arg2[%dma_wait3A_143, %dma_wait3A_144] : memref<10000x128xf32, #tpu.memory_space<hbm>> -> memref<10000x128xf32, #tpu.memory_space<hbm>>
      tpu.wait_indirect_dma semaphore(%arg11 : memref<!tpu.dma_semaphore, #tpu.memory_space<semaphore_mem>>) src(%dma_wait3A_145 : memref<10000x128xf32, #tpu.memory_space<hbm>>) dst(%arg9 : memref<128x128xf32, #tpu.memory_space<vmem>>)
      %mul3A_146 = arith.constant 32 : i32
      %mul3A_147 = arith.muli %add3A_79, %mul3A_146 : i32
      %add3A_148 = arith.addi %mul3A_147, %add3A : i32
      %mul3A_149 = arith.constant 128 : i32
      %mul3A_150 = arith.muli %add3A_148, %mul3A_149 : i32
      "tpu.region"() ({
        %run_scoped3A = tpu.sem_alloc : memref<!tpu.dma_semaphore, #tpu.memory_space<semaphore_mem>>
        %dma_start3A_163 = arith.constant 0 : i32
        %dma_start3A_164 = tpu.memref_slice %arg4[%mul3A_150, %dma_start3A_163] : memref<100000x128xf32, #tpu.memory_space<hbm>> -> memref<128x128xf32, #tpu.memory_space<hbm>>
        %dma_start3A_165 = arith.constant 0 : i32
        %dma_start3A_166 = tpu.memref_slice %arg4[%mul3A_150, %dma_start3A_165] : memref<100000x128xf32, #tpu.memory_space<hbm>> -> memref<128x128xf32, #tpu.memory_space<hbm>>
        tpu.enqueue_dma source(%arg9 : memref<128x128xf32, #tpu.memory_space<vmem>>) target(%dma_start3A_166 : memref<128x128xf32, #tpu.memory_space<hbm>>) target_semaphore(%run_scoped3A : memref<!tpu.dma_semaphore, #tpu.memory_space<semaphore_mem>>)
        %dma_wait3A_167 = arith.constant 0 : i32
        %dma_wait3A_168 = tpu.memref_slice %arg4[%mul3A_150, %dma_wait3A_167] : memref<100000x128xf32, #tpu.memory_space<hbm>> -> memref<128x128xf32, #tpu.memory_space<hbm>>
        %dma_wait3A_169 = arith.constant 0 : i32
        %dma_wait3A_170 = tpu.memref_slice %arg4[%mul3A_150, %dma_wait3A_169] : memref<100000x128xf32, #tpu.memory_space<hbm>> -> memref<128x128xf32, #tpu.memory_space<hbm>>
        tpu.wait_dma2 semaphore(%run_scoped3A : memref<!tpu.dma_semaphore, #tpu.memory_space<semaphore_mem>>) src(%arg9 : memref<128x128xf32, #tpu.memory_space<vmem>>) dst(%dma_wait3A_170 : memref<128x128xf32, #tpu.memory_space<hbm>>)
        tpu.yield
      }) : () -> ()
      %add3A_151 = arith.constant 2 : i32
      %add3A_152 = arith.addi %add3A_79, %add3A_151 : i32
      %sub3A_153 = arith.constant 1 : i32
      %sub3A_154 = arith.subi %add3A_4, %sub3A_153 : i32
      %min3A_155 = arith.minsi %add3A_152, %sub3A_154 : i32
      %mul3A_156 = arith.constant 32 : i32
      %mul3A_157 = arith.muli %min3A_155, %mul3A_156 : i32
      %add3A_158 = arith.addi %mul3A_157, %add3A : i32
      %mul3A_159 = arith.constant 128 : i32
      %mul3A_160 = arith.muli %add3A_158, %mul3A_159 : i32
      %dma_start3A_161 = tpu.memref_slice %arg3[%mul3A_160] : memref<100000xi32, #tpu.memory_space<hbm>> -> memref<128xi32, #tpu.memory_space<hbm>>
      %dma_start3A_162 = tpu.memref_slice %arg3[%mul3A_160] : memref<100000xi32, #tpu.memory_space<hbm>> -> memref<128xi32, #tpu.memory_space<hbm>>
      tpu.enqueue_dma source(%dma_start3A_162 : memref<128xi32, #tpu.memory_space<hbm>>) target(%arg6 : memref<128xi32, #tpu.memory_space<vmem>>) target_semaphore(%arg13 : memref<!tpu.dma_semaphore, #tpu.memory_space<semaphore_mem>>)
    }
    %sub3A_44 = arith.constant 1 : i32
    %sub3A_45 = arith.subi %add3A_4, %sub3A_44 : i32
    %mul3A_46 = arith.constant 32 : i32
    %mul3A_47 = arith.muli %sub3A_45, %mul3A_46 : i32
    %add3A_48 = arith.addi %mul3A_47, %add3A : i32
    %mul3A_49 = arith.constant 128 : i32
    %mul3A_50 = arith.muli %add3A_48, %mul3A_49 : i32
    %dma_wait3A = tpu.memref_slice %arg3[%mul3A_50] : memref<100000xi32, #tpu.memory_space<hbm>> -> memref<128xi32, #tpu.memory_space<hbm>>
    %dma_wait3A_51 = tpu.memref_slice %arg3[%mul3A_50] : memref<100000xi32, #tpu.memory_space<hbm>> -> memref<128xi32, #tpu.memory_space<hbm>>
    tpu.wait_dma2 semaphore(%arg13 : memref<!tpu.dma_semaphore, #tpu.memory_space<semaphore_mem>>) src(%dma_wait3A_51 : memref<128xi32, #tpu.memory_space<hbm>>) dst(%arg6 : memref<128xi32, #tpu.memory_space<vmem>>)
    %jit3A_52 = arith.constant 2 : i32
    %eq3A = arith.constant 0 : i32
    %eq3A_53 = arith.cmpi eq, %jit3A_52, %eq3A : i32
    %jit3A_54 = arith.constant 1 : i32
    %select_n3A_55 = arith.select %eq3A_53, %jit3A_54, %jit3A_52 : i32
    %rem3A_56 = arith.remsi %add3A_4, %select_n3A_55 : i32
    %ne3A_57 = arith.constant 0 : i32
    %ne3A_58 = arith.cmpi ne, %rem3A_56, %ne3A_57 : i32
    %lt3A_59 = arith.constant 0 : i32
    %lt3A_60 = arith.cmpi slt, %rem3A_56, %lt3A_59 : i32
    %lt3A_61 = arith.constant 0 : i32
    %lt3A_62 = arith.cmpi slt, %select_n3A_55, %lt3A_61 : i32
    %ne3A_63 = arith.xori %lt3A_60, %lt3A_62 : i1
    %and3A_64 = arith.andi %ne3A_63, %ne3A_58 : i1
    %add3A_65 = arith.addi %rem3A_56, %select_n3A_55 : i32
    %select_n3A_66 = arith.select %and3A_64, %add3A_65, %rem3A_56 : i32
    %eq3A_67 = arith.constant 1 : i32
    %eq3A_68 = arith.cmpi eq, %select_n3A_66, %eq3A_67 : i32
    %convert_element_type3A = arith.extui %eq3A_68 : i1 to i32
    %cond3A = arith.constant 0 : i32
    %cond3A_69 = arith.cmpi ne, %convert_element_type3A, %cond3A : i32
    scf.if %cond3A_69 {
      %sub3A_75 = arith.constant 1 : i32
      %sub3A_76 = arith.subi %add3A_4, %sub3A_75 : i32
      %mul3A_77 = arith.constant 32 : i32
      %mul3A_78 = arith.muli %sub3A_76, %mul3A_77 : i32
      %add3A_79 = arith.addi %mul3A_78, %add3A : i32
      %mul3A_80 = arith.constant 128 : i32
      %mul3A_81 = arith.muli %add3A_79, %mul3A_80 : i32
      "tpu.region"() ({
        %run_scoped3A = tpu.sem_alloc : memref<!tpu.dma_semaphore, #tpu.memory_space<semaphore_mem>>
        %dma_start3A_93 = tpu.memref_slice %arg3[%mul3A_81] : memref<100000xi32, #tpu.memory_space<hbm>> -> memref<128xi32, #tpu.memory_space<hbm>>
        %dma_start3A_94 = tpu.memref_slice %arg3[%mul3A_81] : memref<100000xi32, #tpu.memory_space<hbm>> -> memref<128xi32, #tpu.memory_space<hbm>>
        tpu.enqueue_dma source(%dma_start3A_94 : memref<128xi32, #tpu.memory_space<hbm>>) target(%arg5 : memref<128xi32, #tpu.memory_space<vmem>>) target_semaphore(%run_scoped3A : memref<!tpu.dma_semaphore, #tpu.memory_space<semaphore_mem>>)
        %dma_wait3A_95 = tpu.memref_slice %arg3[%mul3A_81] : memref<100000xi32, #tpu.memory_space<hbm>> -> memref<128xi32, #tpu.memory_space<hbm>>
        %dma_wait3A_96 = tpu.memref_slice %arg3[%mul3A_81] : memref<100000xi32, #tpu.memory_space<hbm>> -> memref<128xi32, #tpu.memory_space<hbm>>
        tpu.wait_dma2 semaphore(%run_scoped3A : memref<!tpu.dma_semaphore, #tpu.memory_space<semaphore_mem>>) src(%dma_wait3A_96 : memref<128xi32, #tpu.memory_space<hbm>>) dst(%arg5 : memref<128xi32, #tpu.memory_space<vmem>>)
        tpu.yield
      }) : () -> ()
      %dma_start3A_82 = arith.constant 0 : i32
      %dma_start3A_83 = arith.constant 0 : i32
      %dma_start3A_84 = tpu.memref_slice %arg2[%dma_start3A_82, %dma_start3A_83] : memref<10000x128xf32, #tpu.memory_space<hbm>> -> memref<10000x128xf32, #tpu.memory_space<hbm>>
      tpu.enqueue_indirect_dma source(%dma_start3A_84 : memref<10000x128xf32, #tpu.memory_space<hbm>>) target(%arg8 : memref<128x128xf32, #tpu.memory_space<vmem>>) offsets(%arg5 : memref<128xi32, #tpu.memory_space<vmem>>) semaphore(%arg10 : memref<!tpu.dma_semaphore, #tpu.memory_space<semaphore_mem>>)
      %dma_wait3A_85 = arith.constant 0 : i32
      %dma_wait3A_86 = arith.constant 0 : i32
      %dma_wait3A_87 = tpu.memref_slice %arg2[%dma_wait3A_85, %dma_wait3A_86] : memref<10000x128xf32, #tpu.memory_space<hbm>> -> memref<10000x128xf32, #tpu.memory_space<hbm>>
      tpu.wait_indirect_dma semaphore(%arg10 : memref<!tpu.dma_semaphore, #tpu.memory_space<semaphore_mem>>) src(%dma_wait3A_87 : memref<10000x128xf32, #tpu.memory_space<hbm>>) dst(%arg8 : memref<128x128xf32, #tpu.memory_space<vmem>>)
      %mul3A_88 = arith.constant 32 : i32
      %mul3A_89 = arith.muli %sub3A_76, %mul3A_88 : i32
      %add3A_90 = arith.addi %mul3A_89, %add3A : i32
      %mul3A_91 = arith.constant 128 : i32
      %mul3A_92 = arith.muli %add3A_90, %mul3A_91 : i32
      "tpu.region"() ({
        %run_scoped3A = tpu.sem_alloc : memref<!tpu.dma_semaphore, #tpu.memory_space<semaphore_mem>>
        %dma_start3A_93 = arith.constant 0 : i32
        %dma_start3A_94 = tpu.memref_slice %arg4[%mul3A_92, %dma_start3A_93] : memref<100000x128xf32, #tpu.memory_space<hbm>> -> memref<128x128xf32, #tpu.memory_space<hbm>>
        %dma_start3A_95 = arith.constant 0 : i32
        %dma_start3A_96 = tpu.memref_slice %arg4[%mul3A_92, %dma_start3A_95] : memref<100000x128xf32, #tpu.memory_space<hbm>> -> memref<128x128xf32, #tpu.memory_space<hbm>>
        tpu.enqueue_dma source(%arg8 : memref<128x128xf32, #tpu.memory_space<vmem>>) target(%dma_start3A_96 : memref<128x128xf32, #tpu.memory_space<hbm>>) target_semaphore(%run_scoped3A : memref<!tpu.dma_semaphore, #tpu.memory_space<semaphore_mem>>)
        %dma_wait3A_97 = arith.constant 0 : i32
        %dma_wait3A_98 = tpu.memref_slice %arg4[%mul3A_92, %dma_wait3A_97] : memref<100000x128xf32, #tpu.memory_space<hbm>> -> memref<128x128xf32, #tpu.memory_space<hbm>>
        %dma_wait3A_99 = arith.constant 0 : i32
        %dma_wait3A_100 = tpu.memref_slice %arg4[%mul3A_92, %dma_wait3A_99] : memref<100000x128xf32, #tpu.memory_space<hbm>> -> memref<128x128xf32, #tpu.memory_space<hbm>>
        tpu.wait_dma2 semaphore(%run_scoped3A : memref<!tpu.dma_semaphore, #tpu.memory_space<semaphore_mem>>) src(%arg8 : memref<128x128xf32, #tpu.memory_space<vmem>>) dst(%dma_wait3A_100 : memref<128x128xf32, #tpu.memory_space<hbm>>)
        tpu.yield
      }) : () -> ()
    } else {
    }
    %eq3A_70 = arith.constant 31 : i32
    %eq3A_71 = arith.cmpi eq, %add3A, %eq3A_70 : i32
    %convert_element_type3A_72 = arith.extui %eq3A_71 : i1 to i32
    %cond3A_73 = arith.constant 0 : i32
    %cond3A_74 = arith.cmpi ne, %convert_element_type3A_72, %cond3A_73 : i32
    scf.if %cond3A_74 {
      "tpu.region"() ({
        %run_scoped3A = tpu.sem_alloc : memref<!tpu.dma_semaphore, #tpu.memory_space<semaphore_mem>>
        %dma_start3A_87 = arith.constant 99968 : i32
        %dma_start3A_88 = tpu.memref_slice %arg3[%dma_start3A_87] : memref<100000xi32, #tpu.memory_space<hbm>> -> memref<32xi32, #tpu.memory_space<hbm>>
        %dma_start3A_89 = arith.constant 99968 : i32
        %dma_start3A_90 = tpu.memref_slice %arg3[%dma_start3A_89] : memref<100000xi32, #tpu.memory_space<hbm>> -> memref<32xi32, #tpu.memory_space<hbm>>
        tpu.enqueue_dma source(%dma_start3A_90 : memref<32xi32, #tpu.memory_space<hbm>>) target(%arg7 : memref<32xi32, #tpu.memory_space<vmem>>) target_semaphore(%run_scoped3A : memref<!tpu.dma_semaphore, #tpu.memory_space<semaphore_mem>>)
        %dma_wait3A_91 = arith.constant 99968 : i32
        %dma_wait3A_92 = tpu.memref_slice %arg3[%dma_wait3A_91] : memref<100000xi32, #tpu.memory_space<hbm>> -> memref<32xi32, #tpu.memory_space<hbm>>
        %dma_wait3A_93 = arith.constant 99968 : i32
        %dma_wait3A_94 = tpu.memref_slice %arg3[%dma_wait3A_93] : memref<100000xi32, #tpu.memory_space<hbm>> -> memref<32xi32, #tpu.memory_space<hbm>>
        tpu.wait_dma2 semaphore(%run_scoped3A : memref<!tpu.dma_semaphore, #tpu.memory_space<semaphore_mem>>) src(%dma_wait3A_94 : memref<32xi32, #tpu.memory_space<hbm>>) dst(%arg7 : memref<32xi32, #tpu.memory_space<vmem>>)
        tpu.yield
      }) : () -> ()
      %dma_start3A_75 = arith.constant 0 : i32
      %dma_start3A_76 = arith.constant 0 : i32
      %dma_start3A_77 = tpu.memref_slice %arg8[%dma_start3A_75, %dma_start3A_76] : memref<128x128xf32, #tpu.memory_space<vmem>> -> memref<32x128xf32, #tpu.memory_space<vmem>>
      %dma_start3A_78 = arith.constant 0 : i32
      %dma_start3A_79 = arith.constant 0 : i32
      %dma_start3A_80 = tpu.memref_slice %arg2[%dma_start3A_78, %dma_start3A_79] : memref<10000x128xf32, #tpu.memory_space<hbm>> -> memref<10000x128xf32, #tpu.memory_space<hbm>>
      tpu.enqueue_indirect_dma source(%dma_start3A_80 : memref<10000x128xf32, #tpu.memory_space<hbm>>) target(%dma_start3A_77 : memref<32x128xf32, #tpu.memory_space<vmem>>) offsets(%arg7 : memref<32xi32, #tpu.memory_space<vmem>>) semaphore(%arg10 : memref<!tpu.dma_semaphore, #tpu.memory_space<semaphore_mem>>)
      %dma_wait3A_81 = arith.constant 0 : i32
      %dma_wait3A_82 = arith.constant 0 : i32
      %dma_wait3A_83 = tpu.memref_slice %arg8[%dma_wait3A_81, %dma_wait3A_82] : memref<128x128xf32, #tpu.memory_space<vmem>> -> memref<32x128xf32, #tpu.memory_space<vmem>>
      %dma_wait3A_84 = arith.constant 0 : i32
      %dma_wait3A_85 = arith.constant 0 : i32
      %dma_wait3A_86 = tpu.memref_slice %arg2[%dma_wait3A_84, %dma_wait3A_85] : memref<10000x128xf32, #tpu.memory_space<hbm>> -> memref<10000x128xf32, #tpu.memory_space<hbm>>
      tpu.wait_indirect_dma semaphore(%arg10 : memref<!tpu.dma_semaphore, #tpu.memory_space<semaphore_mem>>) src(%dma_wait3A_86 : memref<10000x128xf32, #tpu.memory_space<hbm>>) dst(%dma_wait3A_83 : memref<32x128xf32, #tpu.memory_space<vmem>>)
      "tpu.region"() ({
        %run_scoped3A = tpu.sem_alloc : memref<!tpu.dma_semaphore, #tpu.memory_space<semaphore_mem>>
        %dma_start3A_87 = arith.constant 0 : i32
        %dma_start3A_88 = arith.constant 0 : i32
        %dma_start3A_89 = tpu.memref_slice %arg8[%dma_start3A_87, %dma_start3A_88] : memref<128x128xf32, #tpu.memory_space<vmem>> -> memref<32x128xf32, #tpu.memory_space<vmem>>
        %dma_start3A_90 = arith.constant 99968 : i32
        %dma_start3A_91 = arith.constant 0 : i32
        %dma_start3A_92 = tpu.memref_slice %arg4[%dma_start3A_90, %dma_start3A_91] : memref<100000x128xf32, #tpu.memory_space<hbm>> -> memref<32x128xf32, #tpu.memory_space<hbm>>
        %dma_start3A_93 = arith.constant 99968 : i32
        %dma_start3A_94 = arith.constant 0 : i32
        %dma_start3A_95 = tpu.memref_slice %arg4[%dma_start3A_93, %dma_start3A_94] : memref<100000x128xf32, #tpu.memory_space<hbm>> -> memref<32x128xf32, #tpu.memory_space<hbm>>
        %dma_start3A_96 = arith.constant 0 : i32
        %dma_start3A_97 = arith.constant 0 : i32
        %dma_start3A_98 = tpu.memref_slice %arg8[%dma_start3A_96, %dma_start3A_97] : memref<128x128xf32, #tpu.memory_space<vmem>> -> memref<32x128xf32, #tpu.memory_space<vmem>>
        tpu.enqueue_dma source(%dma_start3A_98 : memref<32x128xf32, #tpu.memory_space<vmem>>) target(%dma_start3A_95 : memref<32x128xf32, #tpu.memory_space<hbm>>) target_semaphore(%run_scoped3A : memref<!tpu.dma_semaphore, #tpu.memory_space<semaphore_mem>>)
        %dma_wait3A_99 = arith.constant 0 : i32
        %dma_wait3A_100 = arith.constant 0 : i32
        %dma_wait3A_101 = tpu.memref_slice %arg8[%dma_wait3A_99, %dma_wait3A_100] : memref<128x128xf32, #tpu.memory_space<vmem>> -> memref<32x128xf32, #tpu.memory_space<vmem>>
        %dma_wait3A_102 = arith.constant 99968 : i32
        %dma_wait3A_103 = arith.constant 0 : i32
        %dma_wait3A_104 = tpu.memref_slice %arg4[%dma_wait3A_102, %dma_wait3A_103] : memref<100000x128xf32, #tpu.memory_space<hbm>> -> memref<32x128xf32, #tpu.memory_space<hbm>>
        %dma_wait3A_105 = arith.constant 99968 : i32
        %dma_wait3A_106 = arith.constant 0 : i32
        %dma_wait3A_107 = tpu.memref_slice %arg4[%dma_wait3A_105, %dma_wait3A_106] : memref<100000x128xf32, #tpu.memory_space<hbm>> -> memref<32x128xf32, #tpu.memory_space<hbm>>
        %dma_wait3A_108 = arith.constant 0 : i32
        %dma_wait3A_109 = arith.constant 0 : i32
        %dma_wait3A_110 = tpu.memref_slice %arg8[%dma_wait3A_108, %dma_wait3A_109] : memref<128x128xf32, #tpu.memory_space<vmem>> -> memref<32x128xf32, #tpu.memory_space<vmem>>
        tpu.wait_dma2 semaphore(%run_scoped3A : memref<!tpu.dma_semaphore, #tpu.memory_space<semaphore_mem>>) src(%dma_wait3A_110 : memref<32x128xf32, #tpu.memory_space<vmem>>) dst(%dma_wait3A_107 : memref<32x128xf32, #tpu.memory_space<hbm>>)
        tpu.yield
      }) : () -> ()
    } else {
    }
    return
  }
}

module attributes {stable_mosaic.version = 14 : i64} {
  func.func @body(%arg0: i32, %arg1: memref<1000x128xf32, #tpu.memory_space<vmem>>, %arg2: memref<128x128xf32, #tpu.memory_space<vmem>>, %arg3: memref<32x1x1x1000xf32, #tpu.memory_space<vmem>>, %arg4: memref<1000x128xf32, #tpu.memory_space<vmem>>) attributes {dimension_semantics = [#tpu.dimension_semantics<arbitrary>], iteration_bounds = array<i64: 10>, scalar_prefetch = 0 : i64, scratch_operands = 0 : i64, tpu.core_type = #tpu.core_type<tc>, window_params = [{transform_indices = @transform_0, window_bounds = array<i64: 1000, 128>}, {pipeline_mode = #tpu.pipeline_mode<synchronous>, transform_indices = @transform_1, window_bounds = array<i64: 128, 128>}, {transform_indices = @transform_2, window_bounds = array<i64: 32, 1, 1, 1000>}, {transform_indices = @transform_3, window_bounds = array<i64: 1000, 128>}]} {
    %get3A = arith.constant 0 : index
    %get3A_0 = arith.constant 0 : index
    %get3A_1 = arith.constant 0 : index
    %get3A_2 = arith.constant 0 : index
    %get3A_3 = vector.load %arg3[%get3A, %get3A_0, %get3A_1, %get3A_2] : memref<32x1x1x1000xf32, #tpu.memory_space<vmem>>, vector<32x1x1x1000xf32>
    %reduce_sum3A = arith.constant dense<0.000000e+00> : vector<1x1x1000xf32>
    %reduce_sum3A_4 = vector.multi_reduction <add>, %get3A_3, %reduce_sum3A [0] : vector<32x1x1x1000xf32> to vector<1x1x1000xf32>
    %squeeze3A = vector.shape_cast %reduce_sum3A_4 : vector<1x1x1000xf32> to vector<1000xf32>
    %add3A = arith.constant 1.000000e+00 : f32
    %add3A_5 = vector.broadcast %add3A : f32 to vector<1000xf32>
    %add3A_6 = arith.addf %squeeze3A, %add3A_5 : vector<1000xf32>
    %rsqrt3A = math.rsqrt %add3A_6 : vector<1000xf32>
    %get3A_7 = arith.constant 0 : index
    %get3A_8 = arith.constant 0 : index
    %get3A_9 = vector.load %arg1[%get3A_7, %get3A_8] : memref<1000x128xf32, #tpu.memory_space<vmem>>, vector<1000x128xf32>
    %get3A_10 = arith.constant 0 : index
    %get3A_11 = arith.constant 0 : index
    %get3A_12 = vector.load %arg2[%get3A_10, %get3A_11] : memref<128x128xf32, #tpu.memory_space<vmem>>, vector<128x128xf32>
    %dot_general3A = arith.constant dense<0.000000e+00> : vector<1000x128xf32>
    %dot_general3A_13 = tpu.matmul %get3A_9, %get3A_12, %dot_general3A {dimension_numbers = #tpu.dot_dimension_numbers<[1], [0], [0], [1], [0, 0, 1, 1], [], []>, transpose_lhs_hint = false} : vector<1000x128xf32>, vector<128x128xf32>, vector<1000x128xf32> -> vector<1000x128xf32>
    %broadcast_in_dim3A = vector.shape_cast %rsqrt3A : vector<1000xf32> to vector<1000x1xf32>
    %mul3A = vector.broadcast %broadcast_in_dim3A : vector<1000x1xf32> to vector<1000x128xf32>
    %mul3A_14 = arith.mulf %dot_general3A_13, %mul3A : vector<1000x128xf32>
    %swap3A = arith.constant 0 : index
    %swap3A_15 = arith.constant 0 : index
    %swap3A_16 = vector.load %arg4[%swap3A, %swap3A_15] : memref<1000x128xf32, #tpu.memory_space<vmem>>, vector<1000x128xf32>
    tpu.vector_store %arg4[%swap3A, %swap3A_15], %mul3A_14 {strides = array<i32>} : memref<1000x128xf32, #tpu.memory_space<vmem>>, vector<1000x128xf32>,
    return
  }
  func.func @transform_0(%arg0: i32) -> (i32, i32) {
    %c0_i32 = arith.constant 0 : i32
    %c0_i32_0 = arith.constant 0 : i32
    return %arg0, %c0_i32 : i32, i32
  }
  func.func @transform_1(%arg0: i32) -> (i32, i32) {
    %c0_i32 = arith.constant 0 : i32
    %c0_i32_0 = arith.constant 0 : i32
    %c0_i32_1 = arith.constant 0 : i32
    return %c0_i32, %c0_i32_0 : i32, i32
  }
  func.func @transform_2(%arg0: i32) -> (i32, i32, i32, i32) {
    %c0_i32 = arith.constant 0 : i32
    %c0_i32_0 = arith.constant 0 : i32
    %c0_i32_1 = arith.constant 0 : i32
    %c0_i32_2 = arith.constant 0 : i32
    return %c0_i32, %arg0, %c0_i32_0, %c0_i32_1 : i32, i32, i32, i32
  }
  func.func @transform_3(%arg0: i32) -> (i32, i32) {
    %c0_i32 = arith.constant 0 : i32
    %c0_i32_0 = arith.constant 0 : i32
    return %arg0, %c0_i32 : i32, i32
  }
}

module attributes {stable_mosaic.version = 14 : i64} {
  func.func @body(%arg0: i32, %arg1: memref<2x1000x128xf32, #tpu.memory_space<vmem>>, %arg2: memref<1000x128xf32, #tpu.memory_space<vmem>>, %arg3: memref<32x1x1x1000xf32, #tpu.memory_space<vmem>>, %arg4: memref<128x128xf32, #tpu.memory_space<vmem>>, %arg5: memref<1x128xf32, #tpu.memory_space<vmem>>, %arg6: memref<1000x128xf32, #tpu.memory_space<vmem>>) attributes {dimension_semantics = [#tpu.dimension_semantics<arbitrary>], iteration_bounds = array<i64: 10>, scalar_prefetch = 0 : i64, scratch_operands = 0 : i64, tpu.core_type = #tpu.core_type<tc>, window_params = [{transform_indices = @transform_0, window_bounds = array<i64: 2, 1000, 128>}, {transform_indices = @transform_1, window_bounds = array<i64: 1000, 128>}, {transform_indices = @transform_2, window_bounds = array<i64: 32, 1, 1, 1000>}, {pipeline_mode = #tpu.pipeline_mode<synchronous>, transform_indices = @transform_3, window_bounds = array<i64: 128, 128>}, {pipeline_mode = #tpu.pipeline_mode<synchronous>, transform_indices = @transform_4, window_bounds = array<i64: 1, 128>}, {transform_indices = @transform_5, window_bounds = array<i64: 1000, 128>}]} {
    %get3A = arith.constant 0 : index
    %get3A_0 = arith.constant 0 : index
    %get3A_1 = arith.constant 0 : index
    %get3A_2 = arith.constant 0 : index
    %get3A_3 = vector.load %arg3[%get3A, %get3A_0, %get3A_1, %get3A_2] : memref<32x1x1x1000xf32, #tpu.memory_space<vmem>>, vector<32x1x1x1000xf32>
    %reduce_sum3A = arith.constant dense<0.000000e+00> : vector<1x1x1000xf32>
    %reduce_sum3A_4 = vector.multi_reduction <add>, %get3A_3, %reduce_sum3A [0] : vector<32x1x1x1000xf32> to vector<1x1x1000xf32>
    %squeeze3A = vector.shape_cast %reduce_sum3A_4 : vector<1x1x1000xf32> to vector<1000xf32>
    %add3A = arith.constant 1.000000e+00 : f32
    %add3A_5 = vector.broadcast %add3A : f32 to vector<1000xf32>
    %add3A_6 = arith.addf %squeeze3A, %add3A_5 : vector<1000xf32>
    %rsqrt3A = math.rsqrt %add3A_6 : vector<1000xf32>
    %get3A_7 = arith.constant 0 : index
    %get3A_8 = arith.constant 0 : index
    %get3A_9 = arith.constant 0 : index
    %get3A_10 = vector.load %arg1[%get3A_7, %get3A_8, %get3A_9] : memref<2x1000x128xf32, #tpu.memory_space<vmem>>, vector<1x1000x128xf32>
    %get3A_11 = vector.shape_cast %get3A_10 : vector<1x1000x128xf32> to vector<1000x128xf32>
    %get3A_12 = arith.constant 1 : index
    %get3A_13 = arith.constant 0 : index
    %get3A_14 = arith.constant 0 : index
    %get3A_15 = vector.load %arg1[%get3A_12, %get3A_13, %get3A_14] : memref<2x1000x128xf32, #tpu.memory_space<vmem>>, vector<1x1000x128xf32>
    %get3A_16 = vector.shape_cast %get3A_15 : vector<1x1000x128xf32> to vector<1000x128xf32>
    %add3A_17 = arith.addf %get3A_11, %get3A_16 : vector<1000x128xf32>
    %get3A_18 = arith.constant 0 : index
    %get3A_19 = arith.constant 0 : index
    %get3A_20 = vector.load %arg2[%get3A_18, %get3A_19] : memref<1000x128xf32, #tpu.memory_space<vmem>>, vector<1000x128xf32>
    %add3A_21 = arith.addf %add3A_17, %get3A_20 : vector<1000x128xf32>
    %broadcast_in_dim3A = vector.shape_cast %rsqrt3A : vector<1000xf32> to vector<1000x1xf32>
    %mul3A = vector.broadcast %broadcast_in_dim3A : vector<1000x1xf32> to vector<1000x128xf32>
    %mul3A_22 = arith.mulf %add3A_21, %mul3A : vector<1000x128xf32>
    %get3A_23 = arith.constant 0 : index
    %get3A_24 = arith.constant 0 : index
    %get3A_25 = vector.load %arg5[%get3A_23, %get3A_24] : memref<1x128xf32, #tpu.memory_space<vmem>>, vector<1x128xf32>
    %add3A_26 = vector.broadcast %get3A_25 : vector<1x128xf32> to vector<1000x128xf32>
    %add3A_27 = arith.addf %mul3A_22, %add3A_26 : vector<1000x128xf32>
    %max3A = arith.constant 0.000000e+00 : f32
    %max3A_28 = vector.broadcast %max3A : f32 to vector<1000x128xf32>
    %max3A_29 = arith.maximumf %add3A_27, %max3A_28 : vector<1000x128xf32>
    %get3A_30 = arith.constant 0 : index
    %get3A_31 = arith.constant 0 : index
    %get3A_32 = vector.load %arg4[%get3A_30, %get3A_31] : memref<128x128xf32, #tpu.memory_space<vmem>>, vector<128x128xf32>
    %dot_general3A = arith.constant dense<0.000000e+00> : vector<1000x128xf32>
    %dot_general3A_33 = tpu.matmul %max3A_29, %get3A_32, %dot_general3A {dimension_numbers = #tpu.dot_dimension_numbers<[1], [0], [0], [1], [0, 0, 1, 1], [], []>, transpose_lhs_hint = false} : vector<1000x128xf32>, vector<128x128xf32>, vector<1000x128xf32> -> vector<1000x128xf32>
    %broadcast_in_dim3A_34 = vector.shape_cast %rsqrt3A : vector<1000xf32> to vector<1000x1xf32>
    %mul3A_35 = vector.broadcast %broadcast_in_dim3A_34 : vector<1000x1xf32> to vector<1000x128xf32>
    %mul3A_36 = arith.mulf %dot_general3A_33, %mul3A_35 : vector<1000x128xf32>
    %swap3A = arith.constant 0 : index
    %swap3A_37 = arith.constant 0 : index
    %swap3A_38 = vector.load %arg6[%swap3A, %swap3A_37] : memref<1000x128xf32, #tpu.memory_space<vmem>>, vector<1000x128xf32>
    tpu.vector_store %arg6[%swap3A, %swap3A_37], %mul3A_36 {strides = array<i32>} : memref<1000x128xf32, #tpu.memory_space<vmem>>, vector<1000x128xf32>,
    return
  }
  func.func @transform_0(%arg0: i32) -> (i32, i32, i32) {
    %c0_i32 = arith.constant 0 : i32
    %c0_i32_0 = arith.constant 0 : i32
    %c0_i32_1 = arith.constant 0 : i32
    return %c0_i32, %arg0, %c0_i32_0 : i32, i32, i32
  }
  func.func @transform_1(%arg0: i32) -> (i32, i32) {
    %c0_i32 = arith.constant 0 : i32
    %c0_i32_0 = arith.constant 0 : i32
    return %arg0, %c0_i32 : i32, i32
  }
  func.func @transform_2(%arg0: i32) -> (i32, i32, i32, i32) {
    %c0_i32 = arith.constant 0 : i32
    %c0_i32_0 = arith.constant 0 : i32
    %c0_i32_1 = arith.constant 0 : i32
    %c0_i32_2 = arith.constant 0 : i32
    return %c0_i32, %arg0, %c0_i32_0, %c0_i32_1 : i32, i32, i32, i32
  }
  func.func @transform_3(%arg0: i32) -> (i32, i32) {
    %c0_i32 = arith.constant 0 : i32
    %c0_i32_0 = arith.constant 0 : i32
    %c0_i32_1 = arith.constant 0 : i32
    return %c0_i32, %c0_i32_0 : i32, i32
  }
  func.func @transform_4(%arg0: i32) -> (i32, i32) {
    %c0_i32 = arith.constant 0 : i32
    %c0_i32_0 = arith.constant 0 : i32
    %c0_i32_1 = arith.constant 0 : i32
    return %c0_i32, %c0_i32_0 : i32, i32
  }
  func.func @transform_5(%arg0: i32) -> (i32, i32) {
    %c0_i32 = arith.constant 0 : i32
    %c0_i32_0 = arith.constant 0 : i32
    return %arg0, %c0_i32 : i32, i32
  }
}

module attributes {stable_mosaic.version = 14 : i64} {
  func.func @body(%arg0: i32, %arg1: memref<2x1000x128xf32, #tpu.memory_space<vmem>>, %arg2: memref<1000x128xf32, #tpu.memory_space<vmem>>, %arg3: memref<32x1x1x1000xf32, #tpu.memory_space<vmem>>, %arg4: memref<1x128xf32, #tpu.memory_space<vmem>>, %arg5: memref<1000x128xf32, #tpu.memory_space<vmem>>) attributes {dimension_semantics = [#tpu.dimension_semantics<arbitrary>], iteration_bounds = array<i64: 10>, scalar_prefetch = 0 : i64, scratch_operands = 0 : i64, tpu.core_type = #tpu.core_type<tc>, window_params = [{transform_indices = @transform_0, window_bounds = array<i64: 2, 1000, 128>}, {transform_indices = @transform_1, window_bounds = array<i64: 1000, 128>}, {transform_indices = @transform_2, window_bounds = array<i64: 32, 1, 1, 1000>}, {pipeline_mode = #tpu.pipeline_mode<synchronous>, transform_indices = @transform_3, window_bounds = array<i64: 1, 128>}, {transform_indices = @transform_4, window_bounds = array<i64: 1000, 128>}]} {
    %get3A = arith.constant 0 : index
    %get3A_0 = arith.constant 0 : index
    %get3A_1 = arith.constant 0 : index
    %get3A_2 = arith.constant 0 : index
    %get3A_3 = vector.load %arg3[%get3A, %get3A_0, %get3A_1, %get3A_2] : memref<32x1x1x1000xf32, #tpu.memory_space<vmem>>, vector<32x1x1x1000xf32>
    %reduce_sum3A = arith.constant dense<0.000000e+00> : vector<1x1x1000xf32>
    %reduce_sum3A_4 = vector.multi_reduction <add>, %get3A_3, %reduce_sum3A [0] : vector<32x1x1x1000xf32> to vector<1x1x1000xf32>
    %squeeze3A = vector.shape_cast %reduce_sum3A_4 : vector<1x1x1000xf32> to vector<1000xf32>
    %add3A = arith.constant 1.000000e+00 : f32
    %add3A_5 = vector.broadcast %add3A : f32 to vector<1000xf32>
    %add3A_6 = arith.addf %squeeze3A, %add3A_5 : vector<1000xf32>
    %rsqrt3A = math.rsqrt %add3A_6 : vector<1000xf32>
    %get3A_7 = arith.constant 0 : index
    %get3A_8 = arith.constant 0 : index
    %get3A_9 = arith.constant 0 : index
    %get3A_10 = vector.load %arg1[%get3A_7, %get3A_8, %get3A_9] : memref<2x1000x128xf32, #tpu.memory_space<vmem>>, vector<1x1000x128xf32>
    %get3A_11 = vector.shape_cast %get3A_10 : vector<1x1000x128xf32> to vector<1000x128xf32>
    %get3A_12 = arith.constant 1 : index
    %get3A_13 = arith.constant 0 : index
    %get3A_14 = arith.constant 0 : index
    %get3A_15 = vector.load %arg1[%get3A_12, %get3A_13, %get3A_14] : memref<2x1000x128xf32, #tpu.memory_space<vmem>>, vector<1x1000x128xf32>
    %get3A_16 = vector.shape_cast %get3A_15 : vector<1x1000x128xf32> to vector<1000x128xf32>
    %add3A_17 = arith.addf %get3A_11, %get3A_16 : vector<1000x128xf32>
    %get3A_18 = arith.constant 0 : index
    %get3A_19 = arith.constant 0 : index
    %get3A_20 = vector.load %arg2[%get3A_18, %get3A_19] : memref<1000x128xf32, #tpu.memory_space<vmem>>, vector<1000x128xf32>
    %add3A_21 = arith.addf %add3A_17, %get3A_20 : vector<1000x128xf32>
    %broadcast_in_dim3A = vector.shape_cast %rsqrt3A : vector<1000xf32> to vector<1000x1xf32>
    %mul3A = vector.broadcast %broadcast_in_dim3A : vector<1000x1xf32> to vector<1000x128xf32>
    %mul3A_22 = arith.mulf %add3A_21, %mul3A : vector<1000x128xf32>
    %get3A_23 = arith.constant 0 : index
    %get3A_24 = arith.constant 0 : index
    %get3A_25 = vector.load %arg4[%get3A_23, %get3A_24] : memref<1x128xf32, #tpu.memory_space<vmem>>, vector<1x128xf32>
    %add3A_26 = vector.broadcast %get3A_25 : vector<1x128xf32> to vector<1000x128xf32>
    %add3A_27 = arith.addf %mul3A_22, %add3A_26 : vector<1000x128xf32>
    %swap3A = arith.constant 0 : index
    %swap3A_28 = arith.constant 0 : index
    %swap3A_29 = vector.load %arg5[%swap3A, %swap3A_28] : memref<1000x128xf32, #tpu.memory_space<vmem>>, vector<1000x128xf32>
    tpu.vector_store %arg5[%swap3A, %swap3A_28], %add3A_27 {strides = array<i32>} : memref<1000x128xf32, #tpu.memory_space<vmem>>, vector<1000x128xf32>,
    return
  }
  func.func @transform_0(%arg0: i32) -> (i32, i32, i32) {
    %c0_i32 = arith.constant 0 : i32
    %c0_i32_0 = arith.constant 0 : i32
    %c0_i32_1 = arith.constant 0 : i32
    return %c0_i32, %arg0, %c0_i32_0 : i32, i32, i32
  }
  func.func @transform_1(%arg0: i32) -> (i32, i32) {
    %c0_i32 = arith.constant 0 : i32
    %c0_i32_0 = arith.constant 0 : i32
    return %arg0, %c0_i32 : i32, i32
  }
  func.func @transform_2(%arg0: i32) -> (i32, i32, i32, i32) {
    %c0_i32 = arith.constant 0 : i32
    %c0_i32_0 = arith.constant 0 : i32
    %c0_i32_1 = arith.constant 0 : i32
    %c0_i32_2 = arith.constant 0 : i32
    return %c0_i32, %arg0, %c0_i32_0, %c0_i32_1 : i32, i32, i32, i32
  }
  func.func @transform_3(%arg0: i32) -> (i32, i32) {
    %c0_i32 = arith.constant 0 : i32
    %c0_i32_0 = arith.constant 0 : i32
    %c0_i32_1 = arith.constant 0 : i32
    return %c0_i32, %c0_i32_0 : i32, i32
  }
  func.func @transform_4(%arg0: i32) -> (i32, i32) {
    %c0_i32 = arith.constant 0 : i32
    %c0_i32_0 = arith.constant 0 : i32
    return %arg0, %c0_i32 : i32, i32
  }
}

module attributes {stable_mosaic.version = 14 : i64} {
  func.func @body(%arg0: i32, %arg1: memref<400x1280xf32, #tpu.memory_space<vmem>>, %arg2: memref<1280x128xf32, #tpu.memory_space<vmem>>, %arg3: memref<1x128xf32, #tpu.memory_space<vmem>>, %arg4: memref<400x128xf32, #tpu.memory_space<vmem>>, %arg5: memref<400x128xf32, #tpu.memory_space<vmem>>) attributes {dimension_semantics = [#tpu.dimension_semantics<arbitrary>], iteration_bounds = array<i64: 25>, scalar_prefetch = 0 : i64, scratch_operands = 0 : i64, tpu.core_type = #tpu.core_type<tc>, window_params = [{transform_indices = @transform_0, window_bounds = array<i64: 400, 1280>}, {pipeline_mode = #tpu.pipeline_mode<synchronous>, transform_indices = @transform_1, window_bounds = array<i64: 1280, 128>}, {pipeline_mode = #tpu.pipeline_mode<synchronous>, transform_indices = @transform_2, window_bounds = array<i64: 1, 128>}, {transform_indices = @transform_3, window_bounds = array<i64: 400, 128>}, {transform_indices = @transform_4, window_bounds = array<i64: 400, 128>}]} {
    %get3A = arith.constant 0 : index
    %get3A_0 = arith.constant 0 : index
    %get3A_1 = vector.load %arg1[%get3A, %get3A_0] : memref<400x1280xf32, #tpu.memory_space<vmem>>, vector<400x1280xf32>
    %get3A_2 = arith.constant 0 : index
    %get3A_3 = arith.constant 0 : index
    %get3A_4 = vector.load %arg2[%get3A_2, %get3A_3] : memref<1280x128xf32, #tpu.memory_space<vmem>>, vector<1280x128xf32>
    %dot_general3A = arith.constant dense<0.000000e+00> : vector<400x128xf32>
    %dot_general3A_5 = tpu.matmul %get3A_1, %get3A_4, %dot_general3A {dimension_numbers = #tpu.dot_dimension_numbers<[1], [0], [0], [1], [0, 0, 1, 1], [], []>, transpose_lhs_hint = false} : vector<400x1280xf32>, vector<1280x128xf32>, vector<400x128xf32> -> vector<400x128xf32>
    %get3A_6 = arith.constant 0 : index
    %get3A_7 = arith.constant 0 : index
    %get3A_8 = vector.load %arg4[%get3A_6, %get3A_7] : memref<400x128xf32, #tpu.memory_space<vmem>>, vector<400x128xf32>
    %get3A_9 = arith.constant 0 : index
    %get3A_10 = arith.constant 0 : index
    %get3A_11 = vector.load %arg3[%get3A_9, %get3A_10] : memref<1x128xf32, #tpu.memory_space<vmem>>, vector<1x128xf32>
    %add3A = vector.broadcast %get3A_11 : vector<1x128xf32> to vector<400x128xf32>
    %add3A_12 = arith.addf %dot_general3A_5, %add3A : vector<400x128xf32>
    %mul3A = arith.mulf %get3A_8, %add3A_12 : vector<400x128xf32>
    %swap3A = arith.constant 0 : index
    %swap3A_13 = arith.constant 0 : index
    %swap3A_14 = vector.load %arg5[%swap3A, %swap3A_13] : memref<400x128xf32, #tpu.memory_space<vmem>>, vector<400x128xf32>
    tpu.vector_store %arg5[%swap3A, %swap3A_13], %mul3A {strides = array<i32>} : memref<400x128xf32, #tpu.memory_space<vmem>>, vector<400x128xf32>,
    return
  }
  func.func @transform_0(%arg0: i32) -> (i32, i32) {
    %c0_i32 = arith.constant 0 : i32
    %c0_i32_0 = arith.constant 0 : i32
    return %arg0, %c0_i32 : i32, i32
  }
  func.func @transform_1(%arg0: i32) -> (i32, i32) {
    %c0_i32 = arith.constant 0 : i32
    %c0_i32_0 = arith.constant 0 : i32
    %c0_i32_1 = arith.constant 0 : i32
    return %c0_i32, %c0_i32_0 : i32, i32
  }
  func.func @transform_2(%arg0: i32) -> (i32, i32) {
    %c0_i32 = arith.constant 0 : i32
    %c0_i32_0 = arith.constant 0 : i32
    %c0_i32_1 = arith.constant 0 : i32
    return %c0_i32, %c0_i32_0 : i32, i32
  }
  func.func @transform_3(%arg0: i32) -> (i32, i32) {
    %c0_i32 = arith.constant 0 : i32
    %c0_i32_0 = arith.constant 0 : i32
    return %arg0, %c0_i32 : i32, i32
  }
  func.func @transform_4(%arg0: i32) -> (i32, i32) {
    %c0_i32 = arith.constant 0 : i32
    %c0_i32_0 = arith.constant 0 : i32
    return %arg0, %c0_i32 : i32, i32
  }
}

</mosaic_0001>

<sc_bundles>
// kernel: kernel.10.cloned.1.call-start
scs
__scs_entry_jumppad:
0x0: {  	(pc) =	sbr.rel $0x88, $3  }
0x1: {  	(tag) =	ssettag $0x0;
	lr =	simm.s32 $0x1  }
0x2: {  	[smem:$0x3F9A] =	sst lr;
	_ =	strace $0xD0000000  }
0x3: {  	_ = 	snop  }
0x4: {  	_ = 	snop  }
0x5: {  	_ = 	snop  }
0x6: {  	_ = 	snop  }
0x7: {  	_ = 	snop  }
__scs_overlays_trampoline_lowered:
0x8: {  	[smem:$0x3FA9] =	sst s0  }
0x9: {  	[smem:$0x3FAA] =	sst s1  }
0xa: {  	[smem:$0x3FAB] =	sst s2  }
0xb: {  	[smem:$0x3FAC] =	sst s3  }
0xc: {  	[smem:$0x3FAD] =	sst s4  }
0xd: {  	[smem:$0x3FAE] =	sst s5  }
0xe: {  	[smem:$0x3FAF] =	sst s6  }
0xf: {  	[smem:$0x3FB0] =	sst s7  }
0x10: {  	[smem:$0x3FB1] =	sst s8  }
0x11: {  	[smem:$0x3FB2] =	sst s9;
	s0 =	simm.s32 @!p0 $0x0  }
0x12: {  	s1 =	sld [smem:$0x3F98];
	s0 =	simm.s32 @p0 $0x1  }
0x13: {  	[smem:$0x3FB3] =	sst s0;
	s0 =	simm.s32 @!p1 $0x0  }
0x14: {  	s2 =	sld [smem:$0x3F97];
	s0 =	simm.s32 @p1 $0x1  }
0x15: {  	[smem:$0x3FB4] =	sst s0;
	s0 =	simm.s32 @!p2 $0x0  }
0x16: {  	s3 =	sld [smem:$0x3FDB];
	s0 =	simm.s32 @p2 $0x1  }
0x17: {  	s4 =	simm.s32 $0x1BF5;
	[smem:$0x3FB6] =	sst s0  }
0x18: {  	s0 =	sld [smem:$0x3F99];
	_ =	swait.ge [sflag:s4], $0x0  }
0x19: {  	s7 =	sld [smem:$0x3F9A]  }
0x1a: {  	s8 =	sadd.s32 $0xFFFFE003, lr  }
0x1b: {  	s9 =	sadd.s32 $0xFFFFFEF7, lr;
	s5 =	simm.s32 $0xFFFFFFFF;
	p2 =	slt.u32 s8, $0xFFFFF086  }
0x1c: {  	p1 =	slt.u32 s9, $0xF7A;
	s5 =	simm.s32 @!p2 $0x0  }
0x1d: {  	s5 =	simm.s32 @p1 $0x1;
	p0 =	seq.s32 s7, s2  }
0x1e: {  	s7 =	smul.u32 @!p0 $0xF7A, s2;
	p2 =	seq.s32 @!p0 s5, $0x0  }
0x1f: {  	s9 =	smul.u32 $0xF7A, s1;
	s8 =	simm.s32 @!p0 $0x1BF5;
	p2 =	por !p2, p0  }
0x20: {  	[sflag:s8] =	ssyncset.s32 @!p0 $0xFFFFF086;
	s6 =	sadd.s32 @!p0 s3, s7;
	s7 =	simm.s32 @!p0 $0x108  }
0x21: {  	s3 =	sadd.s32 s3, s9;
	s6 =	sadd.s32 @!p0 $0x88, s6;
	s7 =	simm.s32 @p2 $0x1082  }
0x22: {  	[simem:s7], [sflag:s8] =	dma.local @!p0 [hbm:s6], $0xF7A  }
0x23: {  	s9 =	sor.u32 $0xD0000000, s2;
	s6 =	simm.s32 $0x108;
	_ =	swait.ge @!p0 [sflag:s8], $0x0  }
0x24: {  	s3 =	sadd.s32 $0x88, s3;
	s6 =	simm.s32 @!p1 $0x1082;
	[sflag:s4] =	ssyncset.s32 $0xFFFFF086  }
0x25: {  	[simem:s6], [sflag:s4] =	dma.local [hbm:s3], $0xF7A  }
0x26: {  	[smem:$0x3F9A] =	sst s1;
	(tag) =	ssettag s2;
	_ =	strace s9  }
0x27: {  	s1 =	sld [smem:$0x3FAA]  }
0x28: {  	s2 =	sld [smem:$0x3FAB]  }
0x29: {  	s4 =	sld [smem:$0x3FAD]  }
0x2a: {  	p0 =	seq.s32 s5, $0x0;
	s5 =	sld [smem:$0x3FAE]  }
0x2b: {  	s6 =	sld [smem:$0x3FAF]  }
0x2c: {  	s7 =	sld [smem:$0x3FB0]  }
0x2d: {  	s3 =	simm.s32 $0x108;
	s8 =	sld [smem:$0x3FB1]  }
0x2e: {  	s3 =	simm.s32 @!p0 $0x1082;
	s9 =	sld [smem:$0x3FB2]  }
0x2f: {  	lr =	sadd.s32 s0, s3;
	s0 =	sld [smem:$0x3FA9]  }
0x30: {  	s3 =	sld [smem:$0x3FAC]  }
0x31: {  	[smem:$0x3FB5] =	sst s10  }
0x32: {  	s10 =	sld [smem:$0x3FB3];
	_ =	sdelay $0x3  }
0x33: {  	p0 =	seq.s32 s10, $0x1;
	s10 =	sld [smem:$0x3FB5];
	_ =	sdelay $0x3  }
0x34: {  	[smem:$0x3FB5] =	sst s10  }
0x35: {  	s10 =	sld [smem:$0x3FB4];
	_ =	sdelay $0x3  }
0x36: {  	p1 =	seq.s32 s10, $0x1;
	s10 =	sld [smem:$0x3FB5];
	_ =	sdelay $0x3  }
0x37: {  	[smem:$0x3FB5] =	sst s10  }
0x38: {  	s10 =	sld [smem:$0x3FB6]  }
0x39: {  	_ = 	snop;
	(pc) =	sbr.ind lr, $3  }
0x3a: {  	_ = 	snop  }
0x3b: {  	_ = 	snop  }
0x3c: {  	p2 =	seq.s32 s10, $0x1;
	s10 =	sld [smem:$0x3FB5]  }
0x3d: {  	_ =	shalt  }
0x3e: {  	_ =	shalt  }
0x3f: {  	_ =	shalt  }
0x40: {  	_ =	shalt  }
0x41: {  	_ =	shalt  }
0x42: {  	_ =	shalt  }
0x43: {  	_ =	shalt  }
0x44: {  	_ =	shalt  }
0x45: {  	_ =	shalt  }
0x46: {  	_ =	shalt  }
0x47: {  	_ =	shalt  }
0x48: {  	_ =	shalt  }
0x49: {  	_ =	shalt  }
0x4a: {  	_ =	shalt  }
0x4b: {  	_ =	shalt  }
0x4c: {  	_ =	shalt  }
0x4d: {  	_ =	shalt  }
0x4e: {  	_ =	shalt  }
0x4f: {  	_ =	shalt  }
0x50: {  	_ =	shalt  }
0x51: {  	_ =	shalt  }
0x52: {  	_ =	shalt  }
0x53: {  	_ =	shalt  }
0x54: {  	_ =	shalt  }
0x55: {  	_ =	shalt  }
0x56: {  	_ =	shalt  }
0x57: {  	_ =	shalt  }
0x58: {  	_ =	shalt  }
0x59: {  	_ =	shalt  }
0x5a: {  	_ =	shalt  }
0x5b: {  	_ =	shalt  }
0x5c: {  	_ =	shalt  }
0x5d: {  	_ =	shalt  }
0x5e: {  	_ =	shalt  }
0x5f: {  	_ =	shalt  }
0x60: {  	_ =	shalt  }
0x61: {  	_ =	shalt  }
0x62: {  	_ =	shalt  }
0x63: {  	_ =	shalt  }
0x64: {  	_ =	shalt  }
0x65: {  	_ =	shalt  }
0x66: {  	_ =	shalt  }
0x67: {  	_ =	shalt  }
0x68: {  	_ =	shalt  }
0x69: {  	_ =	shalt  }
0x6a: {  	_ =	shalt  }
0x6b: {  	_ =	shalt  }
0x6c: {  	_ =	shalt  }
0x6d: {  	_ =	shalt  }
0x6e: {  	_ =	shalt  }
0x6f: {  	_ =	shalt  }
0x70: {  	_ =	shalt  }
0x71: {  	_ =	shalt  }
0x72: {  	_ =	shalt  }
0x73: {  	_ =	shalt  }
0x74: {  	_ =	shalt  }
0x75: {  	_ =	shalt  }
0x76: {  	_ =	shalt  }
0x77: {  	_ =	shalt  }
0x78: {  	_ =	shalt  }
0x79: {  	_ =	shalt  }
0x7a: {  	_ =	shalt  }
0x7b: {  	_ =	shalt  }
0x7c: {  	_ =	shalt  }
0x7d: {  	_ =	shalt  }
0x7e: {  	_ =	shalt  }
0x7f: {  	_ =	shalt  }
0x80: {  	_ =	shalt  }
0x81: {  	_ =	shalt  }
0x82: {  	_ =	shalt  }
0x83: {  	_ =	shalt  }
0x84: {  	_ =	shalt  }
0x85: {  	_ =	shalt  }
0x86: {  	_ =	shalt  }
0x87: {  	_ =	shalt  }
.Lfunc_end0:
.L_simem_size_0:
called_computation_lowered:
.L_overlay_start_0:
0x88: {  	s2 =	sld [smem:$0x3FD9]  }
0x89: {  	s3 =	sld [smem:$0x3FFE];
	_ =	sdelay $0x1  }
0x8a: {  	s1 =	srdreg.scid  }
0x8b: {  	s0 =	sand.u32 $0x1, s1  }
0x8c: {  	s17 =	sshll.u32 s0, $0xA;
	s2 =	sadd.s32 s3, s2  }
0x8d: {  	s2 =	sadd.s32 s2, s17  }
0x8e: {  	[smem:$0x3FC1] =	sst s2  }
0x8f: {  	_ = 	snop  }
0x90: {  	s2 =	sld [smem:$0x3FD0];
	(tm) =	ssettm $0x1  }
0x91: {  	s18 =	sld [smem:$0x3FFB];
	_ =	sdelay $0x3  }
0x92: {  	_ =	strace s18  }
0x93: {  	s3 =	sld [smem:$0x3FFC];
	_ =	sdelay $0x3  }
0x94: {  	_ =	strace s3  }
0x95: {  	s3 =	sld [smem:$0x3FFD];
	_ =	sdelay $0x3  }
0x96: {  	_ =	strace s3  }
0x97: {  	_ =	strace $0x8FFFFFFF  }
0x98: {  	s19 =	sld [smem:$0x3FDB];
	_ =	sdelay $0x1  }
0x99: {  	s4 =	simm.s32 $_scs_section_size  }
0x9a: {  	s5 =	simm.s32 $_size__tile_overlayer_lowered;
	s6 =	simm.s32 $_tile_overlayer_lowered  }
0x9b: {  	s22 =	simm.s32 $0x1BFF;
	s21 =	sshll.u32 s6, $0x1;
	s3 =	sadd.s32 s4, s19  }
0x9c: {  	s7 =	simm.s32 $0x0;
	s20 =	sshll.u32 s5, $0x1;
	s5 =	sadd.s32 s21, s3  }
0x9d: {  	[timem:s7], [sflag:s22] =	dma.local [hbm:s5], s20  }
0x9e: {  	_ =	swait.ge [sflag:s22], s20  }
0x9f: {  	s4 =	ssub.s32 $0x0, s20;
	[sflag:s22] =	ssyncset.done $0x0  }
0xa0: {  	[sflag:s22] =	ssyncadd.s32 s4;
	_ =	sdelay $0x1  }
0xa1: {  	s23 =	simm.s32 $0x1B8B  }
0xa2: {  	_ =	swait.ge [sflag:s23], $0x1  }
0xa3: {  	[sflag:s23] =	ssyncset.done $0x0  }
0xa4: {  	s25 =	simm.s32 $0x1B8E;
	s24 =	sld [smem:$0x3FFE];
	[sflag:s23] =	ssyncadd.s32 $0xFFFFFFFF  }
0xa5: {  	s26 =	simm.s32 $execute0_lowered;
	[smem:$0x3FD2] =	sst s25  }
0xa6: {  	s5 =	sshll.u32 s26, $0x1;
	_ =	strace $0x80000046;
	[dreg:$0x1] =	wrdreg $0xFFFFFFFF  }
0xa7: {  	s28 =	simm.s32 $_size_execute0_lowered;
	s3 =	sadd.s32 s3, s5;
	[dreg:$0x0] =	wrdreg $0x0  }
0xa8: {  	s5 =	sshll.u32 s28, $0x1;
	[dreg:$0x2] =	wrdreg s3  }
0xa9: {  	[dreg:$0x3] =	wrdreg s5  }
0xaa: {  	[dreg:$0x4] =	wrdreg $0xC0  }
0xab: {  	_ =	task [dreg:s7], $0x5FFFF  }
0xac: {  	[dreg:$0x1] =	wrdreg $0xFFFFFFFF  }
0xad: {  	[dreg:$0x0] =	wrdreg $0x60  }
0xae: {  	[dreg:$0x2] =	wrdreg s24  }
0xaf: {  	[dreg:$0x3] =	wrdreg s2  }
0xb0: {  	[dreg:$0x4] =	wrdreg $0x9  }
0xb1: {  	_ =	task.clear_ibuf [dreg:s7], $0x5FFFF;
	_ =	strace $0x90000046  }
0xb2: {  	s29 =	simm.s32 $0x9;
	_ =	strace $0x80000048  }
0xb3: {  	_ =	swait.ge [sflag:s29], $0x1  }
0xb4: {  	[sflag:s29] =	ssyncadd.s32 $0xFFFFFFFF  }
0xb5: {  	_ =	strace $0x90000048  }
0xb6: {  	_ =	sfence  }
0xb7: {  	s30 =	sld [smem:$0x0];
	_ =	sdelay $0x2  }
0xb8: {  	s31 =	sshll.u32 s1, $0xD;
	s1 =	sshrl.u32 s1, $0x2  }
0xb9: {  	s3 =	sand.u32 $0x4000, s31;
	s1 =	sadd.s32 s1, s30  }
0xba: {  	s0 =	sor.u32 s3, s0;
	s1 =	sshll.u32 s1, $0x11  }
0xbb: {  	s0 =	sor.u32 s1, s0  }
0xbc: {  	s0 =	sadd.s32 $0x8F2B, s0  }
0xbd: {  	[sflag:s0] =	ssyncadd.remote.s32 $0x1  }
0xbe: {  	_ =	sfence.sel $0xFFFF  }
0xbf: {  	[dreg:$0x0] =	wrdreg $0xFFFFFFFF;
	(pc) =	sbr.abs _section_cstart, $3  }
0xc0: {  	[dreg:$0x1] =	wrdreg $0xFFFFFFFF  }
0xc1: {  	_ =	task.clear_ibuf [dreg:s7], $0x2FFFF;
	_ =	strace $0x9FFFFFFF  }
0xc2: {  	(tm) =	ssettm $0x7FFFFFFF  }
0xc3: {  	_ =	shalt  }
tec
execute0_lowered:
.L_overlay_start_1:
0x0: {  	(tag) =	ssettag $0x1  }
0x1: {  	s0 =	srdreg.scid  }
0x2: {  	s4 =	sand.u32 $0x1, s0  }
0x3: {  	s3 =	rddreg [dreg:$0x0];
	s1 =	stileid.u32;
	s6 =	sshll.u32 s4, $0x4  }
0x4: {  	s5 =	rddreg [dreg:$0x1];
	s2 =	simm.s32 $0x0;
	s6 =	sor.u32 s1, s6  }
0x5: {  	s0 =	rddreg [dreg:$0x2];
	s4 =	ssub.s32 $0x2, s4;
	s6 =	smul.u32 $0x4E2, s6  }
0x6: {  	s9 =	simm.s32 $0x0;
	[smem:$0x7FF] =	sst s2;
	s7 =	sshrl.u32 s4, $0x1  }
0x7: {  	_ =	strace $0x80000047;
	s7 =	ssub.s32 s4, s7;
	s8 =	sadd.s32 s6, s3  }
0x8: {  	s3 =	sadd.s32 $0x16C00, s3;
	s5 =	sadd.s32 s5, s6;
	s6 =	smax.u32 s7, $0x1  }
0x9: {  	v0 =	vimm.f32 $0.0e+00;
	v1 =	vimm.f32 $1.000000000e+00;
	s7 =	simm.s32 $0x2780;
	s4 =	sadd.s32 $0xCE00, s8;
	s8 =	simm.s32 $0x1  }
.LBB2_1:
0xa: {  	[tilespmem:s7], [sflag:$0x1] =	stream.linear.gather [hbm4b:s3+s2], $0x2710, $0x38;
	[tilespmem:$0x4F80] =	vst v63  }
0xb: {  	_ =	swait.ge [sflag:s8], $0x2710  }
0xc: {  	[sflag:s8] =	ssyncset.done $0x0  }
0xd: {  	[sflag:s8] =	ssyncadd.s32 $0xFFFFD8F0  }
0xe: {  	[tilespmem:$0x4E90] =	vst v0  }
0xf: {  	[tilespmem:$0x4EA0] =	vst v0  }
0x10: {  	[tilespmem:$0x4EB0] =	vst v0  }
0x11: {  	[tilespmem:$0x4EC0] =	vst v0  }
0x12: {  	[tilespmem:$0x4ED0] =	vst v0  }
0x13: {  	[tilespmem:$0x4EE0] =	vst v0  }
0x14: {  	[tilespmem:$0x4EF0] =	vst v0  }
0x15: {  	[tilespmem:$0x4F00] =	vst v0  }
0x16: {  	[tilespmem:s2], [sflag:$0x1] =	stream.linear.gather [hbm4b:s4+s2], $0x2710, $0x38;
	[tilespmem:$0x4F80] =	vst v63  }
0x17: {  	_ =	swait.ge [sflag:s8], $0x2710  }
0x18: {  	[sflag:s8] =	ssyncset.done $0x0  }
0x19: {  	s11 =	simm.s32 $0x0;
	s10 =	simm.s32 $0x40;
	[sflag:s8] =	ssyncadd.s32 $0xFFFFD8F0  }
.LBB2_2:
0x1a: {  	p0 =	sne.s32 s10, $0x9C00;
	v2 =	vld [tilespmem:s11+$0x0];
	_ =	sdelay $0x3  }
.Ltmp0:
0x1b: {  	(pc) =	sbr.rel @p0 .LBB2_2-.Ltmp0, $2  }
0x1c: {  	_ =	sdelay $0x2  }
0x1d: {  	s11 =	sshra.s32 s10, $0x2;
	s10 =	sadd.s32 $0x40, s10;
	[tilespmem:v2+s7+$0x0] =	vst.idx.add.f32.msk $0xffff, v1  }
0x1e: {  	v2 =	vld [tilespmem:s11+$0x0];
	_ =	sdelay $0x5  }
0x1f: {  	s9 =	sadd.s32 $0x1, s9  }
0x20: {  	p0 =	sne.s32 s9, s6  }
.Ltmp1:
0x21: {  	[tilespmem:v2+s7+$0x0] =	vst.idx.add.f32.msk $0xffff, v1;
	(pc) =	sbr.rel @p0 .LBB2_1-.Ltmp1, $4  }
0x22: {  	[hbm4b:s5+s2] =	stream.linear.scatter [tilespmem:s7], [sflag:$0x1], $0x2710, $0x38;
	[tilespmem:$0x4F80] =	vst v63  }
0x23: {  	_ =	swait.ge [sflag:s8], $0x2710  }
0x24: {  	[sflag:s8] =	ssyncset.done $0x0  }
0x25: {  	[sflag:s8] =	ssyncadd.s32 $0xFFFFD8F0  }
0x26: {  	_ =	sfence.sel $0x180000  }
0x27: {  	[bflag:$0x0] =	sbarrier.arrive $0xFFFF  }
0x28: {  	p0 =	sne.s32 s1, $0x0;
	_ =	strace $0x90000047  }
0x29: {  	s0 =	sadd.s32 @!p0 $0x100000, s0;
	[bflag:$0x2] =	sbarrier.arrive $0xFFFF  }
0x2a: {  	[sflag:s0] =	ssyncadd.tile.s32 @!p0 $0x1;
	_ =	shalt  }
.Lfunc_end2:
_tile_overlayer_lowered:
.L_overlay_start_2:
0x2b: {  	(tag) =	ssettag $0x2  }
0x2c: {  	s0 =	rddreg [dreg:$0x0];
	s2 =	stileid.u32  }
0x2d: {  	s1 =	rddreg [dreg:$0x1];
	p0 =	sne.s32 s2, $0x0  }
0x2e: {  	s3 =	rddreg [dreg:$0x2];
	[bflag:$0x3] =	sbarrier.arrive $0xFFFF;
	s2 =	simm.s32 @!p0 $0x1C01  }
0x2f: {  	[timem:s3], [sflag:s2] =	dma.local @!p0 [hbm:s0], s1  }
0x30: {  	s0 =	simm.s32 @!p0 $0x1  }
0x31: {  	_ =	swait.ge @!p0 [sflag:s0], s1  }
0x32: {  	s1 =	ssub.s32 @!p0 $0x0, s1;
	[sflag:s0] =	ssyncset.done @!p0 $0x0  }
0x33: {  	[sflag:s0] =	ssyncadd.s32 @!p0 s1  }
0x34: {  	[bflag:$0x3] =	sbarrier.arrive $0xFFFF  }
0x35: {  	_ =	shalt  }

// kernel: kernel.13.cloned.1.call-start
scs
__scs_entry_jumppad:
0x0: {  	(pc) =	sbr.rel $0x88, $3  }
0x1: {  	(tag) =	ssettag $0x0;
	lr =	simm.s32 $0x1  }
0x2: {  	[smem:$0x3F9A] =	sst lr;
	_ =	strace $0xD0000000  }
0x3: {  	_ = 	snop  }
0x4: {  	_ = 	snop  }
0x5: {  	_ = 	snop  }
0x6: {  	_ = 	snop  }
0x7: {  	_ = 	snop  }
__scs_overlays_trampoline_lowered:
0x8: {  	[smem:$0x3FA9] =	sst s0  }
0x9: {  	[smem:$0x3FAA] =	sst s1  }
0xa: {  	[smem:$0x3FAB] =	sst s2  }
0xb: {  	[smem:$0x3FAC] =	sst s3  }
0xc: {  	[smem:$0x3FAD] =	sst s4  }
0xd: {  	[smem:$0x3FAE] =	sst s5  }
0xe: {  	[smem:$0x3FAF] =	sst s6  }
0xf: {  	[smem:$0x3FB0] =	sst s7  }
0x10: {  	[smem:$0x3FB1] =	sst s8  }
0x11: {  	[smem:$0x3FB2] =	sst s9;
	s0 =	simm.s32 @!p0 $0x0  }
0x12: {  	s1 =	sld [smem:$0x3F98];
	s0 =	simm.s32 @p0 $0x1  }
0x13: {  	[smem:$0x3FB3] =	sst s0;
	s0 =	simm.s32 @!p1 $0x0  }
0x14: {  	s2 =	sld [smem:$0x3F97];
	s0 =	simm.s32 @p1 $0x1  }
0x15: {  	[smem:$0x3FB4] =	sst s0;
	s0 =	simm.s32 @!p2 $0x0  }
0x16: {  	s3 =	sld [smem:$0x3FDB];
	s0 =	simm.s32 @p2 $0x1  }
0x17: {  	s4 =	simm.s32 $0x1BF5;
	[smem:$0x3FB6] =	sst s0  }
0x18: {  	s0 =	sld [smem:$0x3F99];
	_ =	swait.ge [sflag:s4], $0x0  }
0x19: {  	s7 =	sld [smem:$0x3F9A]  }
0x1a: {  	s8 =	sadd.s32 $0xFFFFE003, lr  }
0x1b: {  	s9 =	sadd.s32 $0xFFFFFEF7, lr;
	s5 =	simm.s32 $0xFFFFFFFF;
	p2 =	slt.u32 s8, $0xFFFFF086  }
0x1c: {  	p1 =	slt.u32 s9, $0xF7A;
	s5 =	simm.s32 @!p2 $0x0  }
0x1d: {  	s5 =	simm.s32 @p1 $0x1;
	p0 =	seq.s32 s7, s2  }
0x1e: {  	s7 =	smul.u32 @!p0 $0xF7A, s2;
	p2 =	seq.s32 @!p0 s5, $0x0  }
0x1f: {  	s9 =	smul.u32 $0xF7A, s1;
	s8 =	simm.s32 @!p0 $0x1BF5;
	p2 =	por !p2, p0  }
0x20: {  	[sflag:s8] =	ssyncset.s32 @!p0 $0xFFFFF086;
	s6 =	sadd.s32 @!p0 s3, s7;
	s7 =	simm.s32 @!p0 $0x108  }
0x21: {  	s3 =	sadd.s32 s3, s9;
	s6 =	sadd.s32 @!p0 $0x88, s6;
	s7 =	simm.s32 @p2 $0x1082  }
0x22: {  	[simem:s7], [sflag:s8] =	dma.local @!p0 [hbm:s6], $0xF7A  }
0x23: {  	s9 =	sor.u32 $0xD0000000, s2;
	s6 =	simm.s32 $0x108;
	_ =	swait.ge @!p0 [sflag:s8], $0x0  }
0x24: {  	s3 =	sadd.s32 $0x88, s3;
	s6 =	simm.s32 @!p1 $0x1082;
	[sflag:s4] =	ssyncset.s32 $0xFFFFF086  }
0x25: {  	[simem:s6], [sflag:s4] =	dma.local [hbm:s3], $0xF7A  }
0x26: {  	[smem:$0x3F9A] =	sst s1;
	(tag) =	ssettag s2;
	_ =	strace s9  }
0x27: {  	s1 =	sld [smem:$0x3FAA]  }
0x28: {  	s2 =	sld [smem:$0x3FAB]  }
0x29: {  	s4 =	sld [smem:$0x3FAD]  }
0x2a: {  	p0 =	seq.s32 s5, $0x0;
	s5 =	sld [smem:$0x3FAE]  }
0x2b: {  	s6 =	sld [smem:$0x3FAF]  }
0x2c: {  	s7 =	sld [smem:$0x3FB0]  }
0x2d: {  	s3 =	simm.s32 $0x108;
	s8 =	sld [smem:$0x3FB1]  }
0x2e: {  	s3 =	simm.s32 @!p0 $0x1082;
	s9 =	sld [smem:$0x3FB2]  }
0x2f: {  	lr =	sadd.s32 s0, s3;
	s0 =	sld [smem:$0x3FA9]  }
0x30: {  	s3 =	sld [smem:$0x3FAC]  }
0x31: {  	[smem:$0x3FB5] =	sst s10  }
0x32: {  	s10 =	sld [smem:$0x3FB3];
	_ =	sdelay $0x3  }
0x33: {  	p0 =	seq.s32 s10, $0x1;
	s10 =	sld [smem:$0x3FB5];
	_ =	sdelay $0x3  }
0x34: {  	[smem:$0x3FB5] =	sst s10  }
0x35: {  	s10 =	sld [smem:$0x3FB4];
	_ =	sdelay $0x3  }
0x36: {  	p1 =	seq.s32 s10, $0x1;
	s10 =	sld [smem:$0x3FB5];
	_ =	sdelay $0x3  }
0x37: {  	[smem:$0x3FB5] =	sst s10  }
0x38: {  	s10 =	sld [smem:$0x3FB6]  }
0x39: {  	_ = 	snop;
	(pc) =	sbr.ind lr, $3  }
0x3a: {  	_ = 	snop  }
0x3b: {  	_ = 	snop  }
0x3c: {  	p2 =	seq.s32 s10, $0x1;
	s10 =	sld [smem:$0x3FB5]  }
0x3d: {  	_ =	shalt  }
0x3e: {  	_ =	shalt  }
0x3f: {  	_ =	shalt  }
0x40: {  	_ =	shalt  }
0x41: {  	_ =	shalt  }
0x42: {  	_ =	shalt  }
0x43: {  	_ =	shalt  }
0x44: {  	_ =	shalt  }
0x45: {  	_ =	shalt  }
0x46: {  	_ =	shalt  }
0x47: {  	_ =	shalt  }
0x48: {  	_ =	shalt  }
0x49: {  	_ =	shalt  }
0x4a: {  	_ =	shalt  }
0x4b: {  	_ =	shalt  }
0x4c: {  	_ =	shalt  }
0x4d: {  	_ =	shalt  }
0x4e: {  	_ =	shalt  }
0x4f: {  	_ =	shalt  }
0x50: {  	_ =	shalt  }
0x51: {  	_ =	shalt  }
0x52: {  	_ =	shalt  }
0x53: {  	_ =	shalt  }
0x54: {  	_ =	shalt  }
0x55: {  	_ =	shalt  }
0x56: {  	_ =	shalt  }
0x57: {  	_ =	shalt  }
0x58: {  	_ =	shalt  }
0x59: {  	_ =	shalt  }
0x5a: {  	_ =	shalt  }
0x5b: {  	_ =	shalt  }
0x5c: {  	_ =	shalt  }
0x5d: {  	_ =	shalt  }
0x5e: {  	_ =	shalt  }
0x5f: {  	_ =	shalt  }
0x60: {  	_ =	shalt  }
0x61: {  	_ =	shalt  }
0x62: {  	_ =	shalt  }
0x63: {  	_ =	shalt  }
0x64: {  	_ =	shalt  }
0x65: {  	_ =	shalt  }
0x66: {  	_ =	shalt  }
0x67: {  	_ =	shalt  }
0x68: {  	_ =	shalt  }
0x69: {  	_ =	shalt  }
0x6a: {  	_ =	shalt  }
0x6b: {  	_ =	shalt  }
0x6c: {  	_ =	shalt  }
0x6d: {  	_ =	shalt  }
0x6e: {  	_ =	shalt  }
0x6f: {  	_ =	shalt  }
0x70: {  	_ =	shalt  }
0x71: {  	_ =	shalt  }
0x72: {  	_ =	shalt  }
0x73: {  	_ =	shalt  }
0x74: {  	_ =	shalt  }
0x75: {  	_ =	shalt  }
0x76: {  	_ =	shalt  }
0x77: {  	_ =	shalt  }
0x78: {  	_ =	shalt  }
0x79: {  	_ =	shalt  }
0x7a: {  	_ =	shalt  }
0x7b: {  	_ =	shalt  }
0x7c: {  	_ =	shalt  }
0x7d: {  	_ =	shalt  }
0x7e: {  	_ =	shalt  }
0x7f: {  	_ =	shalt  }
0x80: {  	_ =	shalt  }
0x81: {  	_ =	shalt  }
0x82: {  	_ =	shalt  }
0x83: {  	_ =	shalt  }
0x84: {  	_ =	shalt  }
0x85: {  	_ =	shalt  }
0x86: {  	_ =	shalt  }
0x87: {  	_ =	shalt  }
.Lfunc_end0:
.L_simem_size_0:
called_computation.1_lowered:
.L_overlay_start_0:
0x88: {  	s2 =	sld [smem:$0x3FD9]  }
0x89: {  	s3 =	sld [smem:$0x3FFE];
	_ =	sdelay $0x1  }
0x8a: {  	s1 =	srdreg.scid  }
0x8b: {  	s0 =	sand.u32 $0x1, s1  }
0x8c: {  	s17 =	sshll.u32 s0, $0xA;
	s2 =	sadd.s32 s3, s2  }
0x8d: {  	s2 =	sadd.s32 s2, s17  }
0x8e: {  	[smem:$0x3FC1] =	sst s2  }
0x8f: {  	_ = 	snop  }
0x90: {  	s2 =	sld [smem:$0x3FD0];
	(tm) =	ssettm $0x1  }
0x91: {  	s18 =	sld [smem:$0x3FFB];
	_ =	sdelay $0x3  }
0x92: {  	_ =	strace s18  }
0x93: {  	s3 =	sld [smem:$0x3FFC];
	_ =	sdelay $0x3  }
0x94: {  	_ =	strace s3  }
0x95: {  	s3 =	sld [smem:$0x3FFD];
	_ =	sdelay $0x3  }
0x96: {  	_ =	strace s3  }
0x97: {  	_ =	strace $0x8FFFFFFF  }
0x98: {  	s19 =	sld [smem:$0x3FDB];
	_ =	sdelay $0x1  }
0x99: {  	s4 =	simm.s32 $_scs_section_size  }
0x9a: {  	s5 =	simm.s32 $_size__tile_overlayer_lowered;
	s6 =	simm.s32 $_tile_overlayer_lowered  }
0x9b: {  	s22 =	simm.s32 $0x1BFF;
	s21 =	sshll.u32 s6, $0x1;
	s3 =	sadd.s32 s4, s19  }
0x9c: {  	s7 =	simm.s32 $0x0;
	s20 =	sshll.u32 s5, $0x1;
	s5 =	sadd.s32 s21, s3  }
0x9d: {  	[timem:s7], [sflag:s22] =	dma.local [hbm:s5], s20  }
0x9e: {  	_ =	swait.ge [sflag:s22], s20  }
0x9f: {  	s4 =	ssub.s32 $0x0, s20;
	[sflag:s22] =	ssyncset.done $0x0  }
0xa0: {  	[sflag:s22] =	ssyncadd.s32 s4;
	_ =	sdelay $0x1  }
0xa1: {  	s23 =	simm.s32 $0x1B8B  }
0xa2: {  	_ =	swait.ge [sflag:s23], $0x1  }
0xa3: {  	[sflag:s23] =	ssyncset.done $0x0  }
0xa4: {  	s25 =	simm.s32 $0x1B8E;
	s24 =	sld [smem:$0x3FFE];
	[sflag:s23] =	ssyncadd.s32 $0xFFFFFFFF  }
0xa5: {  	s26 =	simm.s32 $execute0_lowered;
	[smem:$0x3FD2] =	sst s25  }
0xa6: {  	s5 =	sshll.u32 s26, $0x1;
	_ =	strace $0x80000049;
	[dreg:$0x1] =	wrdreg $0xFFFFFFFF  }
0xa7: {  	s28 =	simm.s32 $_size_execute0_lowered;
	s3 =	sadd.s32 s3, s5;
	[dreg:$0x0] =	wrdreg $0x0  }
0xa8: {  	s5 =	sshll.u32 s28, $0x1;
	[dreg:$0x2] =	wrdreg s3  }
0xa9: {  	[dreg:$0x3] =	wrdreg s5  }
0xaa: {  	[dreg:$0x4] =	wrdreg $0xC0  }
0xab: {  	_ =	task [dreg:s7], $0x5FFFF  }
0xac: {  	[dreg:$0x1] =	wrdreg $0xFFFFFFFF  }
0xad: {  	[dreg:$0x0] =	wrdreg $0x60  }
0xae: {  	[dreg:$0x2] =	wrdreg s2  }
0xaf: {  	[dreg:$0x3] =	wrdreg s24  }
0xb0: {  	[dreg:$0x4] =	wrdreg $0x83000  }
0xb1: {  	[dreg:$0x5] =	wrdreg $0x9  }
0xb2: {  	_ =	task.clear_ibuf [dreg:s7], $0x6FFFF;
	_ =	strace $0x90000049  }
0xb3: {  	s29 =	simm.s32 $0x9;
	_ =	strace $0x8000004B  }
0xb4: {  	_ =	swait.ge [sflag:s29], $0x1  }
0xb5: {  	[sflag:s29] =	ssyncadd.s32 $0xFFFFFFFF  }
0xb6: {  	_ =	strace $0x9000004B  }
0xb7: {  	_ =	sfence  }
0xb8: {  	s30 =	sld [smem:$0x0];
	_ =	sdelay $0x2  }
0xb9: {  	s31 =	sshll.u32 s1, $0xD;
	s1 =	sshrl.u32 s1, $0x2  }
0xba: {  	s3 =	sand.u32 $0x4000, s31;
	s1 =	sadd.s32 s1, s30  }
0xbb: {  	s0 =	sor.u32 s3, s0;
	s1 =	sshll.u32 s1, $0x11  }
0xbc: {  	s0 =	sor.u32 s1, s0  }
0xbd: {  	s0 =	sadd.s32 $0x8F2B, s0  }
0xbe: {  	[sflag:s0] =	ssyncadd.remote.s32 $0x1  }
0xbf: {  	_ =	sfence.sel $0xFFFF  }
0xc0: {  	[dreg:$0x0] =	wrdreg $0xFFFFFFFF;
	(pc) =	sbr.abs _section_cstart, $3  }
0xc1: {  	[dreg:$0x1] =	wrdreg $0xFFFFFFFF  }
0xc2: {  	_ =	task.clear_ibuf [dreg:s7], $0x2FFFF;
	_ =	strace $0x9FFFFFFF  }
0xc3: {  	(tm) =	ssettm $0x7FFFFFFF  }
tec
execute0_lowered:
.L_overlay_start_1:
0x0: {  	(tag) =	ssettag $0x1  }
0x1: {  	s1 =	rddreg [dreg:$0x0]  }
0x2: {  	s0 =	rddreg [dreg:$0x1]  }
0x3: {  	s2 =	rddreg [dreg:$0x2];
	s3 =	simm.s32 $0x0  }
0x4: {  	s6 =	stileid.u32;
	s8 =	srdreg.scid;
	s28 =	simm.s32 $0x5  }
0x5: {  	s29 =	simm.s32 $0x80;
	s30 =	simm.s32 $0x300;
	s31 =	simm.s32 $0x100  }
0x6: {  	[smem:$0x7FF] =	sst s3;
	s7 =	smul.u32 $0x13800, s6;
	s4 =	sadd.s32 $0x3000, s0  }
0x7: {  	s5 =	sadd.s32 $0xCE00, s0;
	s9 =	sand.u32 $0x1, s8;
	s11 =	smul.u32 $0x4E000, s6  }
0x8: {  	s14 =	sadd.s32 $0x3DE00, s0;
	s24 =	sshll.u32 s6, $0x6;
	s22 =	smul.u32 $0x2710, s6  }
0x9: {  	p0 =	sne.s32 s6, $0x0;
	_ =	strace $0x8000004A;
	s15 =	smul.u32 $0x138800, s9  }
0xa: {  	s10 =	sshll.u32 s9, $0x4;
	s12 =	ssub.s32 $0x2, s9;
	s9 =	smul.u32 $0x27100, s9  }
0xb: {  	s23 =	sshrl.u32 s7, $0x3;
	s10 =	sor.u32 s6, s10;
	s13 =	sshrl.u32 s12, $0x1  }
0xc: {  	s11 =	sshrl.u32 s11, $0x2;
	s6 =	simm.s32 $0x4;
	s8 =	sadd.s32 s23, s0  }
0xd: {  	s10 =	smul.u32 $0x2710, s10;
	s12 =	ssub.s32 s12, s13;
	s11 =	sadd.s32 s11, s2  }
0xe: {  	s0 =	sadd.s32 $0x3DC00, s0;
	s19 =	sadd.s32 s7, s15;
	s20 =	sshrl.u32 s15, $0x3  }
0xf: {  	s7 =	sadd.s32 s22, s9;
	s9 =	simm.s32 $0x1;
	[dreg:$0x4] =	wrdreg s11  }
0x10: {  	s15 =	simm.s32 $0x0;
	s8 =	sadd.s32 $0x16C00, s8;
	[dreg:$0x6] =	wrdreg s0  }
0x11: {  	s21 =	sadd.s32 s14, s20;
	s23 =	smax.u32 s12, $0x1;
	[dreg:$0x5] =	wrdreg s8  }
0x12: {  	s10 =	sshrl.u32 s10, $0x3;
	s8 =	sor.u32 $0x1C05, s24;
	[dreg:$0xf] =	wrdreg s23  }
0x13: {  	s23 =	sadd.s32 $0x100, s7;
	s25 =	sadd.s32 s4, s10;
	s26 =	sadd.s32 s5, s10  }
0x14: {  	s11 =	sadd.s32 $0x10, s10;
	s17 =	sadd.s32 $0x4E0, s10;
	[dreg:$0x7] =	wrdreg s25  }
0x15: {  	s24 =	sadd.s32 $0x4C0, s10;
	s10 =	sadd.s32 $0x4D0, s10;
	[dreg:$0x8] =	wrdreg s26  }
0x16: {  	s16 =	sadd.s32 s4, s11;
	s0 =	sadd.s32 s5, s11;
	s18 =	sadd.s32 s4, s17  }
0x17: {  	s20 =	sadd.s32 s5, s24;
	s25 =	sadd.s32 $0x180, s7;
	[dreg:$0x9] =	wrdreg s16  }
0x18: {  	s22 =	sadd.s32 s5, s10;
	s26 =	sadd.s32 $0x138000, s2;
	[dreg:$0xa] =	wrdreg s0  }
0x19: {  	s7 =	simm.s32 $0x4300;
	[dreg:$0xb] =	wrdreg s18;
	s0 =	sadd.s32 s5, s17  }
0x1a: {  	s11 =	simm.s32 $0x2;
	[dreg:$0xc] =	wrdreg s0;
	s0 =	sshrl.u32 s19, $0x3  }
0x1b: {  	[dreg:$0x10] =	wrdreg s26;
	s19 =	sadd.s32 s4, s24;
	s0 =	sadd.s32 s14, s0  }
0x1c: {  	[dreg:$0xd] =	wrdreg s0;
	s0 =	sadd.s32 $0x27000, s21;
	s21 =	sadd.s32 s4, s10  }
0x1d: {  	s10 =	simm.s32 $0x3;
	[dreg:$0xe] =	wrdreg s0;
	s0 =	sshrl.u32 s25, $0x3  }
0x1e: {  	s24 =	sadd.s32 s0, s5;
	s25 =	sadd.s32 s0, s4;
	s0 =	simm.s32 $0x180  }
.LBB2_1:
0x1f: {  	s12 =	rddreg [dreg:$0x4]  }
0x20: {  	s13 =	rddreg [dreg:$0x5];
	s16 =	sshrl.u32 s12, $0x3  }
0x21: {  	[spmem:s16], [sflag:s8] =	dma.local [hbm:s13], $0x2700  }
0x22: {  	_ =	swait.ge [sflag:s28], $0x2700  }
0x23: {  	[sflag:s28] =	ssyncset.done $0x0;
	s12 =	rddreg [dreg:$0x10]  }
0x24: {  	[sflag:s28] =	ssyncadd.s32 $0xFFFFD900;
	s17 =	sshrl.u32 @!p0 s12, $0x3;
	s12 =	rddreg [dreg:$0x6]  }
0x25: {  	[spmem:s17], [sflag:s8] =	dma.local @!p0 [hbm:s12], $0x100  }
0x26: {  	s12 =	simm.s32 @!p0 $0x5  }
0x27: {  	_ =	swait.ge @!p0 [sflag:s12], $0x100  }
0x28: {  	[sflag:s12] =	ssyncset.done @!p0 $0x0  }
0x29: {  	[sflag:s12] =	ssyncadd.s32 @!p0 $0xFFFFFF00  }
0x2a: {  	[bflag:$0x0] =	sbarrier.arrive $0xFFFF  }
0x2b: {  	s14 =	rddreg [dreg:$0x7]  }
0x2c: {  	[tilespmem:s3], [sflag:$0x5] =	stream.linear.gather [hbm4b:s14+s3], $0x80, $0x38;
	[tilespmem:$0x1BB80] =	vst v63  }
0x2d: {  	_ =	swait.ge [sflag:s28], $0x80  }
0x2e: {  	[sflag:s28] =	ssyncset.done $0x0  }
0x2f: {  	s18 =	rddreg [dreg:$0x8];
	[sflag:s28] =	ssyncadd.s32 $0xFFFFFF80  }
0x30: {  	[tilespmem:s29], [sflag:$0x5] =	stream.linear.gather [hbm4b:s18+s3], $0x80, $0x38;
	[tilespmem:$0x1BB80] =	vst v63  }
0x31: {  	_ =	swait.ge [sflag:s28], $0x80  }
0x32: {  	[sflag:s28] =	ssyncset.done $0x0  }
0x33: {  	[sflag:s28] =	ssyncadd.s32 $0xFFFFFF80  }
0x34: {  	[tilespmem:s30], [sflag:$0x1] =	stream.indirect.gather [hbm4b:s1+s29], $0x80, s3, s29, $0xb8;
	[tilespmem:$0x1BB80] =	vst v63  }
0x35: {  	s26 =	rddreg [dreg:$0x9]  }
0x36: {  	[tilespmem:s31], [sflag:$0x4] =	stream.linear.gather [hbm4b:s26+s3], $0x80, $0x38;
	[tilespmem:$0x1BB80] =	vst v63  }
0x37: {  	s13 =	rddreg [dreg:$0xa]  }
0x38: {  	[tilespmem:s0], [sflag:$0x4] =	stream.linear.gather [hbm4b:s13+s3], $0x80, $0x38;
	[tilespmem:$0x1BB80] =	vst v63  }
0x39: {  	_ =	swait.ge [sflag:s6], $0x80  }
0x3a: {  	[sflag:s6] =	ssyncset.done $0x0  }
0x3b: {  	[sflag:s6] =	ssyncadd.s32 $0xFFFFFF80  }
0x3c: {  	_ =	swait.ge [sflag:s6], $0x80  }
0x3d: {  	[sflag:s6] =	ssyncset.done $0x0  }
0x3e: {  	[sflag:s6] =	ssyncadd.s32 $0xFFFFFF80  }
0x3f: {  	[tilespmem:s7], [sflag:$0x2] =	stream.indirect.gather [hbm4b:s1+s29], $0x80, s31, s29, $0xb8;
	[tilespmem:$0x1BB80] =	vst v63  }
0x40: {  	_ =	swait.ge [sflag:s9], $0x4000  }
0x41: {  	[sflag:s9] =	ssyncset.done $0x0  }
0x42: {  	[sflag:s9] =	ssyncadd.s32 $0xFFFFC000  }
0x43: {  	[spmem:s2] =	stream.indirect.scatter.add.f32 [tilespmem:s30], [sflag:$0x5], $0x80, s29, s29, $0xb8;
	[tilespmem:$0x1BB80] =	vst v63  }
0x44: {  	_ =	swait.ge [sflag:s28], $0x4000  }
0x45: {  	s14 =	sshrl.u32 s23, $0x3;
	[sflag:s28] =	ssyncset.done $0x0  }
0x46: {  	s18 =	sadd.s32 s4, s14;
	[sflag:s28] =	ssyncadd.s32 $0xFFFFC000  }
0x47: {  	[tilespmem:s3], [sflag:$0x3] =	stream.linear.gather [hbm4b:s18+s3], $0x80, $0x38;
	[tilespmem:$0x1BB80] =	vst v63  }
0x48: {  	s12 =	sadd.s32 s5, s14  }
0x49: {  	[tilespmem:s29], [sflag:$0x3] =	stream.linear.gather [hbm4b:s12+s3], $0x80, $0x38;
	[tilespmem:$0x1BB80] =	vst v63  }
0x4a: {  	_ =	swait.ge [sflag:s10], $0x80  }
0x4b: {  	[sflag:s10] =	ssyncset.done $0x0  }
0x4c: {  	[sflag:s10] =	ssyncadd.s32 $0xFFFFFF80  }
0x4d: {  	_ =	swait.ge [sflag:s10], $0x80  }
0x4e: {  	[sflag:s10] =	ssyncset.done $0x0  }
0x4f: {  	[sflag:s10] =	ssyncadd.s32 $0xFFFFFF80  }
0x50: {  	[tilespmem:s30], [sflag:$0x1] =	stream.indirect.gather [hbm4b:s1+s29], $0x80, s3, s29, $0xb8;
	[tilespmem:$0x1BB80] =	vst v63  }
0x51: {  	_ =	swait.ge [sflag:s11], $0x4000  }
0x52: {  	[sflag:s11] =	ssyncset.done $0x0  }
0x53: {  	[sflag:s11] =	ssyncadd.s32 $0xFFFFC000  }
0x54: {  	[spmem:s2] =	stream.indirect.scatter.add.f32 [tilespmem:s7], [sflag:$0x5], $0x80, s0, s29, $0xb8;
	[tilespmem:$0x1BB80] =	vst v63  }
0x55: {  	_ =	swait.ge [sflag:s28], $0x4000  }
0x56: {  	[sflag:s28] =	ssyncset.done $0x0  }
0x57: {  	s26 =	sadd.s32 $0x0, s25;
	[sflag:s28] =	ssyncadd.s32 $0xFFFFC000  }
0x58: {  	[tilespmem:s31], [sflag:$0x4] =	stream.linear.gather [hbm4b:s26+s3], $0x80, $0x38;
	[tilespmem:$0x1BB80] =	vst v63  }
0x59: {  	s18 =	simm.s32 $0x20;
	s12 =	sadd.s32 $0x0, s24;
	s26 =	sadd.s32 $0x100, s23  }
.LBB2_2:
0x5a: {  	[tilespmem:s0], [sflag:$0x4] =	stream.linear.gather [hbm4b:s12+s3], $0x80, $0x38;
	[tilespmem:$0x1BB80] =	vst v63  }
0x5b: {  	s12 =	smov.u32 s18  }
0x5c: {  	p1 =	sne.s32 s18, $0x480;
	s18 =	sadd.s32 $0x20, s18;
	_ =	swait.ge [sflag:s6], $0x80  }
0x5d: {  	[sflag:s6] =	ssyncset.done $0x0  }
0x5e: {  	[sflag:s6] =	ssyncadd.s32 $0xFFFFFF80  }
0x5f: {  	_ =	swait.ge [sflag:s6], $0x80  }
0x60: {  	[sflag:s6] =	ssyncset.done $0x0  }
0x61: {  	[sflag:s6] =	ssyncadd.s32 $0xFFFFFF80  }
0x62: {  	[tilespmem:s7], [sflag:$0x2] =	stream.indirect.gather [hbm4b:s1+s29], $0x80, s31, s29, $0xb8;
	[tilespmem:$0x1BB80] =	vst v63  }
0x63: {  	_ =	swait.ge [sflag:s9], $0x4000  }
0x64: {  	[sflag:s9] =	ssyncset.done $0x0  }
0x65: {  	[sflag:s9] =	ssyncadd.s32 $0xFFFFC000  }
0x66: {  	[spmem:s2] =	stream.indirect.scatter.add.f32 [tilespmem:s30], [sflag:$0x5], $0x80, s29, s29, $0xb8;
	[tilespmem:$0x1BB80] =	vst v63  }
0x67: {  	_ =	swait.ge [sflag:s28], $0x4000  }
0x68: {  	s13 =	sshrl.u32 s26, $0x3;
	[sflag:s28] =	ssyncset.done $0x0  }
0x69: {  	s14 =	sadd.s32 s4, s13;
	[sflag:s28] =	ssyncadd.s32 $0xFFFFC000  }
0x6a: {  	[tilespmem:s3], [sflag:$0x3] =	stream.linear.gather [hbm4b:s14+s3], $0x80, $0x38;
	[tilespmem:$0x1BB80] =	vst v63  }
0x6b: {  	s13 =	sadd.s32 s5, s13  }
0x6c: {  	[tilespmem:s29], [sflag:$0x3] =	stream.linear.gather [hbm4b:s13+s3], $0x80, $0x38;
	[tilespmem:$0x1BB80] =	vst v63  }
0x6d: {  	_ =	swait.ge [sflag:s10], $0x80  }
0x6e: {  	[sflag:s10] =	ssyncset.done $0x0  }
0x6f: {  	[sflag:s10] =	ssyncadd.s32 $0xFFFFFF80  }
0x70: {  	_ =	swait.ge [sflag:s10], $0x80  }
0x71: {  	[sflag:s10] =	ssyncset.done $0x0  }
0x72: {  	[sflag:s10] =	ssyncadd.s32 $0xFFFFFF80  }
0x73: {  	[tilespmem:s30], [sflag:$0x1] =	stream.indirect.gather [hbm4b:s1+s29], $0x80, s3, s29, $0xb8;
	[tilespmem:$0x1BB80] =	vst v63  }
0x74: {  	_ =	swait.ge [sflag:s11], $0x4000  }
0x75: {  	[sflag:s11] =	ssyncset.done $0x0  }
0x76: {  	[sflag:s11] =	ssyncadd.s32 $0xFFFFC000  }
0x77: {  	[spmem:s2] =	stream.indirect.scatter.add.f32 [tilespmem:s7], [sflag:$0x5], $0x80, s0, s29, $0xb8;
	[tilespmem:$0x1BB80] =	vst v63  }
.Ltmp0:
0x78: {  	_ =	swait.ge [sflag:s28], $0x4000;
	(pc) =	sbr.rel @p1 .LBB2_2-.Ltmp0, $4  }
0x79: {  	[sflag:s28] =	ssyncset.done $0x0  }
0x7a: {  	s13 =	sadd.s32 s12, s25;
	[sflag:s28] =	ssyncadd.s32 $0xFFFFC000  }
0x7b: {  	[tilespmem:s31], [sflag:$0x4] =	stream.linear.gather [hbm4b:s13+s3], $0x80, $0x38;
	[tilespmem:$0x1BB80] =	vst v63  }
0x7c: {  	s26 =	sadd.s32 $0x100, s26;
	s12 =	sadd.s32 s12, s24  }
0x7d: {  	[tilespmem:s0], [sflag:$0x4] =	stream.linear.gather [hbm4b:s12+s3], $0x80, $0x38;
	[tilespmem:$0x1BB80] =	vst v63  }
0x7e: {  	_ =	swait.ge [sflag:s6], $0x80  }
0x7f: {  	[sflag:s6] =	ssyncset.done $0x0  }
0x80: {  	[sflag:s6] =	ssyncadd.s32 $0xFFFFFF80  }
0x81: {  	_ =	swait.ge [sflag:s6], $0x80  }
0x82: {  	[sflag:s6] =	ssyncset.done $0x0  }
0x83: {  	[sflag:s6] =	ssyncadd.s32 $0xFFFFFF80  }
0x84: {  	[tilespmem:s7], [sflag:$0x2] =	stream.indirect.gather [hbm4b:s1+s29], $0x80, s31, s29, $0xb8;
	[tilespmem:$0x1BB80] =	vst v63  }
0x85: {  	_ =	swait.ge [sflag:s9], $0x4000  }
0x86: {  	[sflag:s9] =	ssyncset.done $0x0  }
0x87: {  	[sflag:s9] =	ssyncadd.s32 $0xFFFFC000  }
0x88: {  	[spmem:s2] =	stream.indirect.scatter.add.f32 [tilespmem:s30], [sflag:$0x5], $0x80, s29, s29, $0xb8;
	[tilespmem:$0x1BB80] =	vst v63  }
0x89: {  	_ =	swait.ge [sflag:s28], $0x4000  }
0x8a: {  	[sflag:s28] =	ssyncset.done $0x0  }
0x8b: {  	[sflag:s28] =	ssyncadd.s32 $0xFFFFC000  }
0x8c: {  	[tilespmem:s3], [sflag:$0x3] =	stream.linear.gather [hbm4b:s19+s3], $0x80, $0x38;
	[tilespmem:$0x1BB80] =	vst v63  }
0x8d: {  	_ = 	snop  }
0x8e: {  	[tilespmem:s29], [sflag:$0x3] =	stream.linear.gather [hbm4b:s20+s3], $0x80, $0x38;
	[tilespmem:$0x1BB80] =	vst v63  }
0x8f: {  	_ =	swait.ge [sflag:s10], $0x80  }
0x90: {  	[sflag:s10] =	ssyncset.done $0x0  }
0x91: {  	[sflag:s10] =	ssyncadd.s32 $0xFFFFFF80  }
0x92: {  	_ =	swait.ge [sflag:s10], $0x80  }
0x93: {  	[sflag:s10] =	ssyncset.done $0x0  }
0x94: {  	[sflag:s10] =	ssyncadd.s32 $0xFFFFFF80  }
0x95: {  	[tilespmem:s30], [sflag:$0x1] =	stream.indirect.gather [hbm4b:s1+s29], $0x80, s3, s29, $0xb8;
	[tilespmem:$0x1BB80] =	vst v63  }
0x96: {  	_ =	swait.ge [sflag:s11], $0x4000  }
0x97: {  	[sflag:s11] =	ssyncset.done $0x0  }
0x98: {  	[sflag:s11] =	ssyncadd.s32 $0xFFFFC000  }
0x99: {  	[spmem:s2] =	stream.indirect.scatter.add.f32 [tilespmem:s7], [sflag:$0x5], $0x80, s0, s29, $0xb8;
	[tilespmem:$0x1BB80] =	vst v63  }
0x9a: {  	_ =	swait.ge [sflag:s28], $0x4000  }
0x9b: {  	[sflag:s28] =	ssyncset.done $0x0  }
0x9c: {  	[sflag:s28] =	ssyncadd.s32 $0xFFFFC000  }
0x9d: {  	[tilespmem:s31], [sflag:$0x4] =	stream.linear.gather [hbm4b:s21+s3], $0x80, $0x38;
	[tilespmem:$0x1BB80] =	vst v63  }
0x9e: {  	_ = 	snop  }
0x9f: {  	[tilespmem:s0], [sflag:$0x4] =	stream.linear.gather [hbm4b:s22+s3], $0x80, $0x38;
	[tilespmem:$0x1BB80] =	vst v63  }
0xa0: {  	_ =	swait.ge [sflag:s6], $0x80  }
0xa1: {  	[sflag:s6] =	ssyncset.done $0x0  }
0xa2: {  	[sflag:s6] =	ssyncadd.s32 $0xFFFFFF80  }
0xa3: {  	_ =	swait.ge [sflag:s6], $0x80  }
0xa4: {  	[sflag:s6] =	ssyncset.done $0x0  }
0xa5: {  	[sflag:s6] =	ssyncadd.s32 $0xFFFFFF80  }
0xa6: {  	[tilespmem:s7], [sflag:$0x2] =	stream.indirect.gather [hbm4b:s1+s29], $0x80, s31, s29, $0xb8;
	[tilespmem:$0x1BB80] =	vst v63  }
0xa7: {  	_ =	swait.ge [sflag:s9], $0x4000  }
0xa8: {  	[sflag:s9] =	ssyncset.done $0x0  }
0xa9: {  	[sflag:s9] =	ssyncadd.s32 $0xFFFFC000  }
0xaa: {  	[spmem:s2] =	stream.indirect.scatter.add.f32 [tilespmem:s30], [sflag:$0x5], $0x80, s29, s29, $0xb8;
	[tilespmem:$0x1BB80] =	vst v63  }
0xab: {  	_ =	swait.ge [sflag:s28], $0x4000  }
0xac: {  	[sflag:s28] =	ssyncset.done $0x0  }
0xad: {  	[sflag:s28] =	ssyncadd.s32 $0xFFFFC000  }
0xae: {  	[tilespmem:s3], [sflag:$0x3] =	stream.linear.gather [hbm4b:s19+s3], $0x80, $0x38;
	[tilespmem:$0x1BB80] =	vst v63  }
0xaf: {  	_ = 	snop  }
0xb0: {  	[tilespmem:s29], [sflag:$0x3] =	stream.linear.gather [hbm4b:s20+s3], $0x80, $0x38;
	[tilespmem:$0x1BB80] =	vst v63  }
0xb1: {  	_ =	swait.ge [sflag:s10], $0x80  }
0xb2: {  	[sflag:s10] =	ssyncset.done $0x0  }
0xb3: {  	[sflag:s10] =	ssyncadd.s32 $0xFFFFFF80  }
0xb4: {  	_ =	swait.ge [sflag:s10], $0x80  }
0xb5: {  	[sflag:s10] =	ssyncset.done $0x0  }
0xb6: {  	[sflag:s10] =	ssyncadd.s32 $0xFFFFFF80  }
0xb7: {  	_ =	swait.ge [sflag:s11], $0x4000  }
0xb8: {  	[sflag:s11] =	ssyncset.done $0x0  }
0xb9: {  	[sflag:s11] =	ssyncadd.s32 $0xFFFFC000  }
0xba: {  	[spmem:s2] =	stream.indirect.scatter.add.f32 [tilespmem:s7], [sflag:$0x5], $0x80, s0, s29, $0xb8;
	[tilespmem:$0x1BB80] =	vst v63  }
0xbb: {  	_ =	swait.ge [sflag:s28], $0x4000  }
0xbc: {  	[sflag:s28] =	ssyncset.done $0x0  }
0xbd: {  	[sflag:s28] =	ssyncadd.s32 $0xFFFFC000  }
0xbe: {  	[tilespmem:s31], [sflag:$0x4] =	stream.linear.gather [hbm4b:s21+s3], $0x80, $0x38;
	[tilespmem:$0x1BB80] =	vst v63  }
0xbf: {  	_ = 	snop  }
0xc0: {  	[tilespmem:s0], [sflag:$0x4] =	stream.linear.gather [hbm4b:s22+s3], $0x80, $0x38;
	[tilespmem:$0x1BB80] =	vst v63  }
0xc1: {  	_ =	swait.ge [sflag:s6], $0x80  }
0xc2: {  	[sflag:s6] =	ssyncset.done $0x0  }
0xc3: {  	[sflag:s6] =	ssyncadd.s32 $0xFFFFFF80  }
0xc4: {  	_ =	swait.ge [sflag:s6], $0x80  }
0xc5: {  	[sflag:s6] =	ssyncset.done $0x0  }
0xc6: {  	s13 =	simm.s32 $0x200;
	s14 =	rddreg [dreg:$0xb];
	[sflag:s6] =	ssyncadd.s32 $0xFFFFFF80  }
0xc7: {  	[tilespmem:s13], [sflag:$0x5] =	stream.linear.gather [hbm4b:s14+s3], $0x10, $0x38;
	[tilespmem:$0x1BB80] =	vst v63  }
0xc8: {  	_ =	swait.ge [sflag:s28], $0x10  }
0xc9: {  	[sflag:s28] =	ssyncset.done $0x0  }
0xca: {  	s14 =	simm.s32 $0x280;
	s18 =	rddreg [dreg:$0xc];
	[sflag:s28] =	ssyncadd.s32 $0xFFFFFFF0  }
0xcb: {  	[tilespmem:s14], [sflag:$0x5] =	stream.linear.gather [hbm4b:s18+s3], $0x10, $0x38;
	[tilespmem:$0x1BB80] =	vst v63  }
0xcc: {  	_ =	swait.ge [sflag:s28], $0x10  }
0xcd: {  	[sflag:s28] =	ssyncset.done $0x0  }
0xce: {  	s26 =	simm.s32 $0x10;
	[sflag:s28] =	ssyncadd.s32 $0xFFFFFFF0  }
0xcf: {  	[tilespmem:s30], [sflag:$0x1] =	stream.indirect.gather [hbm4b:s1+s26], $0x80, s13, s26, $0xb8;
	[tilespmem:$0x1BB80] =	vst v63  }
0xd0: {  	_ =	swait.ge [sflag:s9], $0x800  }
0xd1: {  	[sflag:s9] =	ssyncset.done $0x0  }
0xd2: {  	[sflag:s9] =	ssyncadd.s32 $0xFFFFF800  }
0xd3: {  	[spmem:s2] =	stream.indirect.scatter.add.f32 [tilespmem:s30], [sflag:$0x5], $0x80, s14, s26, $0xb8;
	[tilespmem:$0x1BB80] =	vst v63  }
0xd4: {  	_ =	swait.ge [sflag:s28], $0x800  }
0xd5: {  	[sflag:s28] =	ssyncset.done $0x0  }
0xd6: {  	[sflag:s28] =	ssyncadd.s32 $0xFFFFF800  }
0xd7: {  	[bflag:$0x0] =	sbarrier.arrive $0xFFFF  }
0xd8: {  	s18 =	rddreg [dreg:$0xd]  }
0xd9: {  	[hbm:s18], [sflag:s8] =	dma.local [spmem:s16], $0x2700  }
0xda: {  	_ =	swait.ge [sflag:s28], $0x2700  }
0xdb: {  	[sflag:s28] =	ssyncset.done $0x0  }
0xdc: {  	s12 =	rddreg [dreg:$0xe];
	[sflag:s28] =	ssyncadd.s32 $0xFFFFD900  }
0xdd: {  	[hbm:s12], [sflag:s8] =	dma.local @!p0 [spmem:s17], $0x100  }
0xde: {  	s12 =	simm.s32 @!p0 $0x5  }
0xdf: {  	_ =	swait.ge @!p0 [sflag:s12], $0x100  }
0xe0: {  	s15 =	sadd.s32 $0x1, s15;
	s26 =	rddreg [dreg:$0xf]  }
0xe1: {  	p1 =	sne.s32 s15, s26  }
.Ltmp1:
0xe2: {  	_ = 	snop;
	(pc) =	sbr.rel @p1 .LBB2_1-.Ltmp1, $3  }
0xe3: {  	_ =	sdelay $0x1  }
0xe4: {  	[sflag:s12] =	ssyncset.done @!p0 $0x0  }
0xe5: {  	[sflag:s12] =	ssyncadd.s32 @!p0 $0xFFFFFF00  }
0xe6: {  	_ =	sfence.sel $0x180000  }
0xe7: {  	[bflag:$0x0] =	sbarrier.arrive $0xFFFF  }
0xe8: {  	_ =	strace $0x9000004A  }
0xe9: {  	[bflag:$0x2] =	sbarrier.arrive $0xFFFF  }
0xea: {  	s0 =	rddreg [dreg:$0x3]  }
0xeb: {  	s0 =	sadd.s32 @!p0 $0x100000, s0  }
0xec: {  	[sflag:s0] =	ssyncadd.tile.s32 @!p0 $0x1;
	_ =	shalt  }
.Lfunc_end2:
_tile_overlayer_lowered:
.L_overlay_start_2:
0xed: {  	(tag) =	ssettag $0x2  }
0xee: {  	s0 =	rddreg [dreg:$0x0];
	s2 =	stileid.u32  }
0xef: {  	s1 =	rddreg [dreg:$0x1];
	p0 =	sne.s32 s2, $0x0  }
0xf0: {  	s3 =	rddreg [dreg:$0x2];
	[bflag:$0x3] =	sbarrier.arrive $0xFFFF;
	s2 =	simm.s32 @!p0 $0x1C05  }
0xf1: {  	[timem:s3], [sflag:s2] =	dma.local @!p0 [hbm:s0], s1  }
0xf2: {  	s0 =	simm.s32 @!p0 $0x5  }
0xf3: {  	_ =	swait.ge @!p0 [sflag:s0], s1  }
0xf4: {  	s1 =	ssub.s32 @!p0 $0x0, s1;
	[sflag:s0] =	ssyncset.done @!p0 $0x0  }
0xf5: {  	[sflag:s0] =	ssyncadd.s32 @!p0 s1  }
0xf6: {  	[bflag:$0x3] =	sbarrier.arrive $0xFFFF  }
0xf7: {  	_ =	shalt  }

// kernel: kernel.16.cloned.1.call-start
scs
__scs_entry_jumppad:
0x0: {  	(pc) =	sbr.rel $0x88, $3  }
0x1: {  	(tag) =	ssettag $0x0;
	lr =	simm.s32 $0x1  }
0x2: {  	[smem:$0x3F9A] =	sst lr;
	_ =	strace $0xD0000000  }
0x3: {  	_ = 	snop  }
0x4: {  	_ = 	snop  }
0x5: {  	_ = 	snop  }
0x6: {  	_ = 	snop  }
0x7: {  	_ = 	snop  }
__scs_overlays_trampoline_lowered:
0x8: {  	[smem:$0x3FA9] =	sst s0  }
0x9: {  	[smem:$0x3FAA] =	sst s1  }
0xa: {  	[smem:$0x3FAB] =	sst s2  }
0xb: {  	[smem:$0x3FAC] =	sst s3  }
0xc: {  	[smem:$0x3FAD] =	sst s4  }
0xd: {  	[smem:$0x3FAE] =	sst s5  }
0xe: {  	[smem:$0x3FAF] =	sst s6  }
0xf: {  	[smem:$0x3FB0] =	sst s7  }
0x10: {  	[smem:$0x3FB1] =	sst s8  }
0x11: {  	[smem:$0x3FB2] =	sst s9;
	s0 =	simm.s32 @!p0 $0x0  }
0x12: {  	s1 =	sld [smem:$0x3F98];
	s0 =	simm.s32 @p0 $0x1  }
0x13: {  	[smem:$0x3FB3] =	sst s0;
	s0 =	simm.s32 @!p1 $0x0  }
0x14: {  	s2 =	sld [smem:$0x3F97];
	s0 =	simm.s32 @p1 $0x1  }
0x15: {  	[smem:$0x3FB4] =	sst s0;
	s0 =	simm.s32 @!p2 $0x0  }
0x16: {  	s3 =	sld [smem:$0x3FDB];
	s0 =	simm.s32 @p2 $0x1  }
0x17: {  	s4 =	simm.s32 $0x1BF5;
	[smem:$0x3FB6] =	sst s0  }
0x18: {  	s0 =	sld [smem:$0x3F99];
	_ =	swait.ge [sflag:s4], $0x0  }
0x19: {  	s7 =	sld [smem:$0x3F9A]  }
0x1a: {  	s8 =	sadd.s32 $0xFFFFE003, lr  }
0x1b: {  	s9 =	sadd.s32 $0xFFFFFEF7, lr;
	s5 =	simm.s32 $0xFFFFFFFF;
	p2 =	slt.u32 s8, $0xFFFFF086  }
0x1c: {  	p1 =	slt.u32 s9, $0xF7A;
	s5 =	simm.s32 @!p2 $0x0  }
0x1d: {  	s5 =	simm.s32 @p1 $0x1;
	p0 =	seq.s32 s7, s2  }
0x1e: {  	s7 =	smul.u32 @!p0 $0xF7A, s2;
	p2 =	seq.s32 @!p0 s5, $0x0  }
0x1f: {  	s9 =	smul.u32 $0xF7A, s1;
	s8 =	simm.s32 @!p0 $0x1BF5;
	p2 =	por !p2, p0  }
0x20: {  	[sflag:s8] =	ssyncset.s32 @!p0 $0xFFFFF086;
	s6 =	sadd.s32 @!p0 s3, s7;
	s7 =	simm.s32 @!p0 $0x108  }
0x21: {  	s3 =	sadd.s32 s3, s9;
	s6 =	sadd.s32 @!p0 $0x88, s6;
	s7 =	simm.s32 @p2 $0x1082  }
0x22: {  	[simem:s7], [sflag:s8] =	dma.local @!p0 [hbm:s6], $0xF7A  }
0x23: {  	s9 =	sor.u32 $0xD0000000, s2;
	s6 =	simm.s32 $0x108;
	_ =	swait.ge @!p0 [sflag:s8], $0x0  }
0x24: {  	s3 =	sadd.s32 $0x88, s3;
	s6 =	simm.s32 @!p1 $0x1082;
	[sflag:s4] =	ssyncset.s32 $0xFFFFF086  }
0x25: {  	[simem:s6], [sflag:s4] =	dma.local [hbm:s3], $0xF7A  }
0x26: {  	[smem:$0x3F9A] =	sst s1;
	(tag) =	ssettag s2;
	_ =	strace s9  }
0x27: {  	s1 =	sld [smem:$0x3FAA]  }
0x28: {  	s2 =	sld [smem:$0x3FAB]  }
0x29: {  	s4 =	sld [smem:$0x3FAD]  }
0x2a: {  	p0 =	seq.s32 s5, $0x0;
	s5 =	sld [smem:$0x3FAE]  }
0x2b: {  	s6 =	sld [smem:$0x3FAF]  }
0x2c: {  	s7 =	sld [smem:$0x3FB0]  }
0x2d: {  	s3 =	simm.s32 $0x108;
	s8 =	sld [smem:$0x3FB1]  }
0x2e: {  	s3 =	simm.s32 @!p0 $0x1082;
	s9 =	sld [smem:$0x3FB2]  }
0x2f: {  	lr =	sadd.s32 s0, s3;
	s0 =	sld [smem:$0x3FA9]  }
0x30: {  	s3 =	sld [smem:$0x3FAC]  }
0x31: {  	[smem:$0x3FB5] =	sst s10  }
0x32: {  	s10 =	sld [smem:$0x3FB3];
	_ =	sdelay $0x3  }
0x33: {  	p0 =	seq.s32 s10, $0x1;
	s10 =	sld [smem:$0x3FB5];
	_ =	sdelay $0x3  }
0x34: {  	[smem:$0x3FB5] =	sst s10  }
0x35: {  	s10 =	sld [smem:$0x3FB4];
	_ =	sdelay $0x3  }
0x36: {  	p1 =	seq.s32 s10, $0x1;
	s10 =	sld [smem:$0x3FB5];
	_ =	sdelay $0x3  }
0x37: {  	[smem:$0x3FB5] =	sst s10  }
0x38: {  	s10 =	sld [smem:$0x3FB6]  }
0x39: {  	_ = 	snop;
	(pc) =	sbr.ind lr, $3  }
0x3a: {  	_ = 	snop  }
0x3b: {  	_ = 	snop  }
0x3c: {  	p2 =	seq.s32 s10, $0x1;
	s10 =	sld [smem:$0x3FB5]  }
0x3d: {  	_ =	shalt  }
0x3e: {  	_ =	shalt  }
0x3f: {  	_ =	shalt  }
0x40: {  	_ =	shalt  }
0x41: {  	_ =	shalt  }
0x42: {  	_ =	shalt  }
0x43: {  	_ =	shalt  }
0x44: {  	_ =	shalt  }
0x45: {  	_ =	shalt  }
0x46: {  	_ =	shalt  }
0x47: {  	_ =	shalt  }
0x48: {  	_ =	shalt  }
0x49: {  	_ =	shalt  }
0x4a: {  	_ =	shalt  }
0x4b: {  	_ =	shalt  }
0x4c: {  	_ =	shalt  }
0x4d: {  	_ =	shalt  }
0x4e: {  	_ =	shalt  }
0x4f: {  	_ =	shalt  }
0x50: {  	_ =	shalt  }
0x51: {  	_ =	shalt  }
0x52: {  	_ =	shalt  }
0x53: {  	_ =	shalt  }
0x54: {  	_ =	shalt  }
0x55: {  	_ =	shalt  }
0x56: {  	_ =	shalt  }
0x57: {  	_ =	shalt  }
0x58: {  	_ =	shalt  }
0x59: {  	_ =	shalt  }
0x5a: {  	_ =	shalt  }
0x5b: {  	_ =	shalt  }
0x5c: {  	_ =	shalt  }
0x5d: {  	_ =	shalt  }
0x5e: {  	_ =	shalt  }
0x5f: {  	_ =	shalt  }
0x60: {  	_ =	shalt  }
0x61: {  	_ =	shalt  }
0x62: {  	_ =	shalt  }
0x63: {  	_ =	shalt  }
0x64: {  	_ =	shalt  }
0x65: {  	_ =	shalt  }
0x66: {  	_ =	shalt  }
0x67: {  	_ =	shalt  }
0x68: {  	_ =	shalt  }
0x69: {  	_ =	shalt  }
0x6a: {  	_ =	shalt  }
0x6b: {  	_ =	shalt  }
0x6c: {  	_ =	shalt  }
0x6d: {  	_ =	shalt  }
0x6e: {  	_ =	shalt  }
0x6f: {  	_ =	shalt  }
0x70: {  	_ =	shalt  }
0x71: {  	_ =	shalt  }
0x72: {  	_ =	shalt  }
0x73: {  	_ =	shalt  }
0x74: {  	_ =	shalt  }
0x75: {  	_ =	shalt  }
0x76: {  	_ =	shalt  }
0x77: {  	_ =	shalt  }
0x78: {  	_ =	shalt  }
0x79: {  	_ =	shalt  }
0x7a: {  	_ =	shalt  }
0x7b: {  	_ =	shalt  }
0x7c: {  	_ =	shalt  }
0x7d: {  	_ =	shalt  }
0x7e: {  	_ =	shalt  }
0x7f: {  	_ =	shalt  }
0x80: {  	_ =	shalt  }
0x81: {  	_ =	shalt  }
0x82: {  	_ =	shalt  }
0x83: {  	_ =	shalt  }
0x84: {  	_ =	shalt  }
0x85: {  	_ =	shalt  }
0x86: {  	_ =	shalt  }
0x87: {  	_ =	shalt  }
.Lfunc_end0:
.L_simem_size_0:
called_computation.2_lowered:
.L_overlay_start_0:
0x88: {  	s2 =	sld [smem:$0x3FD9]  }
0x89: {  	s3 =	sld [smem:$0x3FFE];
	_ =	sdelay $0x1  }
0x8a: {  	s1 =	srdreg.scid  }
0x8b: {  	s0 =	sand.u32 $0x1, s1  }
0x8c: {  	s17 =	sshll.u32 s0, $0xA;
	s2 =	sadd.s32 s3, s2  }
0x8d: {  	s2 =	sadd.s32 s2, s17  }
0x8e: {  	[smem:$0x3FC1] =	sst s2  }
0x8f: {  	_ = 	snop  }
0x90: {  	s2 =	sld [smem:$0x3FD0];
	(tm) =	ssettm $0x1  }
0x91: {  	s18 =	sld [smem:$0x3FFB];
	_ =	sdelay $0x3  }
0x92: {  	_ =	strace s18  }
0x93: {  	s3 =	sld [smem:$0x3FFC];
	_ =	sdelay $0x3  }
0x94: {  	_ =	strace s3  }
0x95: {  	s3 =	sld [smem:$0x3FFD];
	_ =	sdelay $0x3  }
0x96: {  	_ =	strace s3  }
0x97: {  	_ =	strace $0x8FFFFFFF  }
0x98: {  	s19 =	sld [smem:$0x3FDB];
	_ =	sdelay $0x1  }
0x99: {  	s4 =	simm.s32 $_scs_section_size  }
0x9a: {  	s5 =	simm.s32 $_size__tile_overlayer_lowered;
	s6 =	simm.s32 $_tile_overlayer_lowered  }
0x9b: {  	s22 =	simm.s32 $0x1BFF;
	s21 =	sshll.u32 s6, $0x1;
	s3 =	sadd.s32 s4, s19  }
0x9c: {  	s7 =	simm.s32 $0x0;
	s20 =	sshll.u32 s5, $0x1;
	s5 =	sadd.s32 s21, s3  }
0x9d: {  	[timem:s7], [sflag:s22] =	dma.local [hbm:s5], s20  }
0x9e: {  	_ =	swait.ge [sflag:s22], s20  }
0x9f: {  	s4 =	ssub.s32 $0x0, s20;
	[sflag:s22] =	ssyncset.done $0x0  }
0xa0: {  	[sflag:s22] =	ssyncadd.s32 s4;
	_ =	sdelay $0x1  }
0xa1: {  	s23 =	simm.s32 $0x1B8B  }
0xa2: {  	_ =	swait.ge [sflag:s23], $0x1  }
0xa3: {  	[sflag:s23] =	ssyncset.done $0x0  }
0xa4: {  	s25 =	simm.s32 $0x1B8E;
	s24 =	sld [smem:$0x3FFE];
	[sflag:s23] =	ssyncadd.s32 $0xFFFFFFFF  }
0xa5: {  	s26 =	simm.s32 $execute0_lowered;
	[smem:$0x3FD2] =	sst s25  }
0xa6: {  	s5 =	sshll.u32 s26, $0x1;
	_ =	strace $0x8000004C;
	[dreg:$0x1] =	wrdreg $0xFFFFFFFF  }
0xa7: {  	s28 =	simm.s32 $_size_execute0_lowered;
	s3 =	sadd.s32 s3, s5;
	[dreg:$0x0] =	wrdreg $0x0  }
0xa8: {  	s5 =	sshll.u32 s28, $0x1;
	[dreg:$0x2] =	wrdreg s3  }
0xa9: {  	[dreg:$0x3] =	wrdreg s5  }
0xaa: {  	[dreg:$0x4] =	wrdreg $0xC0  }
0xab: {  	_ =	task [dreg:s7], $0x5FFFF  }
0xac: {  	[dreg:$0x1] =	wrdreg $0xFFFFFFFF  }
0xad: {  	[dreg:$0x0] =	wrdreg $0x60  }
0xae: {  	[dreg:$0x2] =	wrdreg s2  }
0xaf: {  	[dreg:$0x3] =	wrdreg s24  }
0xb0: {  	[dreg:$0x4] =	wrdreg $0x83000  }
0xb1: {  	[dreg:$0x5] =	wrdreg $0x9  }
0xb2: {  	_ =	task.clear_ibuf [dreg:s7], $0x6FFFF;
	_ =	strace $0x9000004C  }
0xb3: {  	s29 =	simm.s32 $0x9;
	_ =	strace $0x8000004E  }
0xb4: {  	_ =	swait.ge [sflag:s29], $0x1  }
0xb5: {  	[sflag:s29] =	ssyncadd.s32 $0xFFFFFFFF  }
0xb6: {  	_ =	strace $0x9000004E  }
0xb7: {  	_ =	sfence  }
0xb8: {  	s30 =	sld [smem:$0x0];
	_ =	sdelay $0x2  }
0xb9: {  	s31 =	sshll.u32 s1, $0xD;
	s1 =	sshrl.u32 s1, $0x2  }
0xba: {  	s3 =	sand.u32 $0x4000, s31;
	s1 =	sadd.s32 s1, s30  }
0xbb: {  	s0 =	sor.u32 s3, s0;
	s1 =	sshll.u32 s1, $0x11  }
0xbc: {  	s0 =	sor.u32 s1, s0  }
0xbd: {  	s0 =	sadd.s32 $0x8F2B, s0  }
0xbe: {  	[sflag:s0] =	ssyncadd.remote.s32 $0x1  }
0xbf: {  	_ =	sfence.sel $0xFFFF  }
0xc0: {  	[dreg:$0x0] =	wrdreg $0xFFFFFFFF;
	(pc) =	sbr.abs _section_cstart, $3  }
0xc1: {  	[dreg:$0x1] =	wrdreg $0xFFFFFFFF  }
0xc2: {  	_ =	task.clear_ibuf [dreg:s7], $0x2FFFF;
	_ =	strace $0x9FFFFFFF  }
0xc3: {  	(tm) =	ssettm $0x7FFFFFFF  }
tec
execute0_lowered:
.L_overlay_start_1:
0x0: {  	(tag) =	ssettag $0x1  }
0x1: {  	s1 =	rddreg [dreg:$0x0]  }
0x2: {  	s0 =	rddreg [dreg:$0x1]  }
0x3: {  	s2 =	rddreg [dreg:$0x2];
	s3 =	simm.s32 $0x0  }
0x4: {  	s6 =	stileid.u32;
	s8 =	srdreg.scid;
	s28 =	simm.s32 $0x5  }
0x5: {  	s29 =	simm.s32 $0x80;
	s30 =	simm.s32 $0x300;
	s31 =	simm.s32 $0x100  }
0x6: {  	[smem:$0x7FF] =	sst s3;
	s7 =	smul.u32 $0x13800, s6;
	s4 =	sadd.s32 $0x3000, s0  }
0x7: {  	s5 =	sadd.s32 $0xCE00, s0;
	s9 =	sand.u32 $0x1, s8;
	s11 =	smul.u32 $0x4E000, s6  }
0x8: {  	s14 =	sadd.s32 $0x3DE00, s0;
	s24 =	sshll.u32 s6, $0x6;
	s22 =	smul.u32 $0x2710, s6  }
0x9: {  	p0 =	sne.s32 s6, $0x0;
	_ =	strace $0x8000004D;
	s15 =	smul.u32 $0x138800, s9  }
0xa: {  	s10 =	sshll.u32 s9, $0x4;
	s12 =	ssub.s32 $0x2, s9;
	s9 =	smul.u32 $0x27100, s9  }
0xb: {  	s23 =	sshrl.u32 s7, $0x3;
	s10 =	sor.u32 s6, s10;
	s13 =	sshrl.u32 s12, $0x1  }
0xc: {  	s11 =	sshrl.u32 s11, $0x2;
	s6 =	simm.s32 $0x4;
	s8 =	sadd.s32 s23, s0  }
0xd: {  	s10 =	smul.u32 $0x2710, s10;
	s12 =	ssub.s32 s12, s13;
	s11 =	sadd.s32 s11, s2  }
0xe: {  	s0 =	sadd.s32 $0x3DC00, s0;
	s19 =	sadd.s32 s7, s15;
	s20 =	sshrl.u32 s15, $0x3  }
0xf: {  	s7 =	sadd.s32 s22, s9;
	s9 =	simm.s32 $0x1;
	[dreg:$0x4] =	wrdreg s11  }
0x10: {  	s15 =	simm.s32 $0x0;
	s8 =	sadd.s32 $0x16C00, s8;
	[dreg:$0x6] =	wrdreg s0  }
0x11: {  	s21 =	sadd.s32 s14, s20;
	s23 =	smax.u32 s12, $0x1;
	[dreg:$0x5] =	wrdreg s8  }
0x12: {  	s10 =	sshrl.u32 s10, $0x3;
	s8 =	sor.u32 $0x1C05, s24;
	[dreg:$0xf] =	wrdreg s23  }
0x13: {  	s23 =	sadd.s32 $0x100, s7;
	s25 =	sadd.s32 s4, s10;
	s26 =	sadd.s32 s5, s10  }
0x14: {  	s11 =	sadd.s32 $0x10, s10;
	s17 =	sadd.s32 $0x4E0, s10;
	[dreg:$0x7] =	wrdreg s25  }
0x15: {  	s24 =	sadd.s32 $0x4C0, s10;
	s10 =	sadd.s32 $0x4D0, s10;
	[dreg:$0x8] =	wrdreg s26  }
0x16: {  	s16 =	sadd.s32 s4, s11;
	s0 =	sadd.s32 s5, s11;
	s18 =	sadd.s32 s4, s17  }
0x17: {  	s20 =	sadd.s32 s5, s24;
	s25 =	sadd.s32 $0x180, s7;
	[dreg:$0x9] =	wrdreg s16  }
0x18: {  	s22 =	sadd.s32 s5, s10;
	s26 =	sadd.s32 $0x138000, s2;
	[dreg:$0xa] =	wrdreg s0  }
0x19: {  	s7 =	simm.s32 $0x4300;
	[dreg:$0xb] =	wrdreg s18;
	s0 =	sadd.s32 s5, s17  }
0x1a: {  	s11 =	simm.s32 $0x2;
	[dreg:$0xc] =	wrdreg s0;
	s0 =	sshrl.u32 s19, $0x3  }
0x1b: {  	[dreg:$0x10] =	wrdreg s26;
	s19 =	sadd.s32 s4, s24;
	s0 =	sadd.s32 s14, s0  }
0x1c: {  	[dreg:$0xd] =	wrdreg s0;
	s0 =	sadd.s32 $0x27000, s21;
	s21 =	sadd.s32 s4, s10  }
0x1d: {  	s10 =	simm.s32 $0x3;
	[dreg:$0xe] =	wrdreg s0;
	s0 =	sshrl.u32 s25, $0x3  }
0x1e: {  	s24 =	sadd.s32 s0, s5;
	s25 =	sadd.s32 s0, s4;
	s0 =	simm.s32 $0x180  }
.LBB2_1:
0x1f: {  	s12 =	rddreg [dreg:$0x4]  }
0x20: {  	s13 =	rddreg [dreg:$0x5];
	s16 =	sshrl.u32 s12, $0x3  }
0x21: {  	[spmem:s16], [sflag:s8] =	dma.local [hbm:s13], $0x2700  }
0x22: {  	_ =	swait.ge [sflag:s28], $0x2700  }
0x23: {  	[sflag:s28] =	ssyncset.done $0x0;
	s12 =	rddreg [dreg:$0x10]  }
0x24: {  	[sflag:s28] =	ssyncadd.s32 $0xFFFFD900;
	s17 =	sshrl.u32 @!p0 s12, $0x3;
	s12 =	rddreg [dreg:$0x6]  }
0x25: {  	[spmem:s17], [sflag:s8] =	dma.local @!p0 [hbm:s12], $0x100  }
0x26: {  	s12 =	simm.s32 @!p0 $0x5  }
0x27: {  	_ =	swait.ge @!p0 [sflag:s12], $0x100  }
0x28: {  	[sflag:s12] =	ssyncset.done @!p0 $0x0  }
0x29: {  	[sflag:s12] =	ssyncadd.s32 @!p0 $0xFFFFFF00  }
0x2a: {  	[bflag:$0x0] =	sbarrier.arrive $0xFFFF  }
0x2b: {  	s14 =	rddreg [dreg:$0x7]  }
0x2c: {  	[tilespmem:s3], [sflag:$0x5] =	stream.linear.gather [hbm4b:s14+s3], $0x80, $0x38;
	[tilespmem:$0x1BB80] =	vst v63  }
0x2d: {  	_ =	swait.ge [sflag:s28], $0x80  }
0x2e: {  	[sflag:s28] =	ssyncset.done $0x0  }
0x2f: {  	s18 =	rddreg [dreg:$0x8];
	[sflag:s28] =	ssyncadd.s32 $0xFFFFFF80  }
0x30: {  	[tilespmem:s29], [sflag:$0x5] =	stream.linear.gather [hbm4b:s18+s3], $0x80, $0x38;
	[tilespmem:$0x1BB80] =	vst v63  }
0x31: {  	_ =	swait.ge [sflag:s28], $0x80  }
0x32: {  	[sflag:s28] =	ssyncset.done $0x0  }
0x33: {  	[sflag:s28] =	ssyncadd.s32 $0xFFFFFF80  }
0x34: {  	[tilespmem:s30], [sflag:$0x1] =	stream.indirect.gather [hbm4b:s1+s29], $0x80, s3, s29, $0xb8;
	[tilespmem:$0x1BB80] =	vst v63  }
0x35: {  	s26 =	rddreg [dreg:$0x9]  }
0x36: {  	[tilespmem:s31], [sflag:$0x4] =	stream.linear.gather [hbm4b:s26+s3], $0x80, $0x38;
	[tilespmem:$0x1BB80] =	vst v63  }
0x37: {  	s13 =	rddreg [dreg:$0xa]  }
0x38: {  	[tilespmem:s0], [sflag:$0x4] =	stream.linear.gather [hbm4b:s13+s3], $0x80, $0x38;
	[tilespmem:$0x1BB80] =	vst v63  }
0x39: {  	_ =	swait.ge [sflag:s6], $0x80  }
0x3a: {  	[sflag:s6] =	ssyncset.done $0x0  }
0x3b: {  	[sflag:s6] =	ssyncadd.s32 $0xFFFFFF80  }
0x3c: {  	_ =	swait.ge [sflag:s6], $0x80  }
0x3d: {  	[sflag:s6] =	ssyncset.done $0x0  }
0x3e: {  	[sflag:s6] =	ssyncadd.s32 $0xFFFFFF80  }
0x3f: {  	[tilespmem:s7], [sflag:$0x2] =	stream.indirect.gather [hbm4b:s1+s29], $0x80, s31, s29, $0xb8;
	[tilespmem:$0x1BB80] =	vst v63  }
0x40: {  	_ =	swait.ge [sflag:s9], $0x4000  }
0x41: {  	[sflag:s9] =	ssyncset.done $0x0  }
0x42: {  	[sflag:s9] =	ssyncadd.s32 $0xFFFFC000  }
0x43: {  	[spmem:s2] =	stream.indirect.scatter.add.f32 [tilespmem:s30], [sflag:$0x5], $0x80, s29, s29, $0xb8;
	[tilespmem:$0x1BB80] =	vst v63  }
0x44: {  	_ =	swait.ge [sflag:s28], $0x4000  }
0x45: {  	s14 =	sshrl.u32 s23, $0x3;
	[sflag:s28] =	ssyncset.done $0x0  }
0x46: {  	s18 =	sadd.s32 s4, s14;
	[sflag:s28] =	ssyncadd.s32 $0xFFFFC000  }
0x47: {  	[tilespmem:s3], [sflag:$0x3] =	stream.linear.gather [hbm4b:s18+s3], $0x80, $0x38;
	[tilespmem:$0x1BB80] =	vst v63  }
0x48: {  	s12 =	sadd.s32 s5, s14  }
0x49: {  	[tilespmem:s29], [sflag:$0x3] =	stream.linear.gather [hbm4b:s12+s3], $0x80, $0x38;
	[tilespmem:$0x1BB80] =	vst v63  }
0x4a: {  	_ =	swait.ge [sflag:s10], $0x80  }
0x4b: {  	[sflag:s10] =	ssyncset.done $0x0  }
0x4c: {  	[sflag:s10] =	ssyncadd.s32 $0xFFFFFF80  }
0x4d: {  	_ =	swait.ge [sflag:s10], $0x80  }
0x4e: {  	[sflag:s10] =	ssyncset.done $0x0  }
0x4f: {  	[sflag:s10] =	ssyncadd.s32 $0xFFFFFF80  }
0x50: {  	[tilespmem:s30], [sflag:$0x1] =	stream.indirect.gather [hbm4b:s1+s29], $0x80, s3, s29, $0xb8;
	[tilespmem:$0x1BB80] =	vst v63  }
0x51: {  	_ =	swait.ge [sflag:s11], $0x4000  }
0x52: {  	[sflag:s11] =	ssyncset.done $0x0  }
0x53: {  	[sflag:s11] =	ssyncadd.s32 $0xFFFFC000  }
0x54: {  	[spmem:s2] =	stream.indirect.scatter.add.f32 [tilespmem:s7], [sflag:$0x5], $0x80, s0, s29, $0xb8;
	[tilespmem:$0x1BB80] =	vst v63  }
0x55: {  	_ =	swait.ge [sflag:s28], $0x4000  }
0x56: {  	[sflag:s28] =	ssyncset.done $0x0  }
0x57: {  	s26 =	sadd.s32 $0x0, s25;
	[sflag:s28] =	ssyncadd.s32 $0xFFFFC000  }
0x58: {  	[tilespmem:s31], [sflag:$0x4] =	stream.linear.gather [hbm4b:s26+s3], $0x80, $0x38;
	[tilespmem:$0x1BB80] =	vst v63  }
0x59: {  	s18 =	simm.s32 $0x20;
	s12 =	sadd.s32 $0x0, s24;
	s26 =	sadd.s32 $0x100, s23  }
.LBB2_2:
0x5a: {  	[tilespmem:s0], [sflag:$0x4] =	stream.linear.gather [hbm4b:s12+s3], $0x80, $0x38;
	[tilespmem:$0x1BB80] =	vst v63  }
0x5b: {  	s12 =	smov.u32 s18  }
0x5c: {  	p1 =	sne.s32 s18, $0x480;
	s18 =	sadd.s32 $0x20, s18;
	_ =	swait.ge [sflag:s6], $0x80  }
0x5d: {  	[sflag:s6] =	ssyncset.done $0x0  }
0x5e: {  	[sflag:s6] =	ssyncadd.s32 $0xFFFFFF80  }
0x5f: {  	_ =	swait.ge [sflag:s6], $0x80  }
0x60: {  	[sflag:s6] =	ssyncset.done $0x0  }
0x61: {  	[sflag:s6] =	ssyncadd.s32 $0xFFFFFF80  }
0x62: {  	[tilespmem:s7], [sflag:$0x2] =	stream.indirect.gather [hbm4b:s1+s29], $0x80, s31, s29, $0xb8;
	[tilespmem:$0x1BB80] =	vst v63  }
0x63: {  	_ =	swait.ge [sflag:s9], $0x4000  }
0x64: {  	[sflag:s9] =	ssyncset.done $0x0  }
0x65: {  	[sflag:s9] =	ssyncadd.s32 $0xFFFFC000  }
0x66: {  	[spmem:s2] =	stream.indirect.scatter.add.f32 [tilespmem:s30], [sflag:$0x5], $0x80, s29, s29, $0xb8;
	[tilespmem:$0x1BB80] =	vst v63  }
0x67: {  	_ =	swait.ge [sflag:s28], $0x4000  }
0x68: {  	s13 =	sshrl.u32 s26, $0x3;
	[sflag:s28] =	ssyncset.done $0x0  }
0x69: {  	s14 =	sadd.s32 s4, s13;
	[sflag:s28] =	ssyncadd.s32 $0xFFFFC000  }
0x6a: {  	[tilespmem:s3], [sflag:$0x3] =	stream.linear.gather [hbm4b:s14+s3], $0x80, $0x38;
	[tilespmem:$0x1BB80] =	vst v63  }
0x6b: {  	s13 =	sadd.s32 s5, s13  }
0x6c: {  	[tilespmem:s29], [sflag:$0x3] =	stream.linear.gather [hbm4b:s13+s3], $0x80, $0x38;
	[tilespmem:$0x1BB80] =	vst v63  }
0x6d: {  	_ =	swait.ge [sflag:s10], $0x80  }
0x6e: {  	[sflag:s10] =	ssyncset.done $0x0  }
0x6f: {  	[sflag:s10] =	ssyncadd.s32 $0xFFFFFF80  }
0x70: {  	_ =	swait.ge [sflag:s10], $0x80  }
0x71: {  	[sflag:s10] =	ssyncset.done $0x0  }
0x72: {  	[sflag:s10] =	ssyncadd.s32 $0xFFFFFF80  }
0x73: {  	[tilespmem:s30], [sflag:$0x1] =	stream.indirect.gather [hbm4b:s1+s29], $0x80, s3, s29, $0xb8;
	[tilespmem:$0x1BB80] =	vst v63  }
0x74: {  	_ =	swait.ge [sflag:s11], $0x4000  }
0x75: {  	[sflag:s11] =	ssyncset.done $0x0  }
0x76: {  	[sflag:s11] =	ssyncadd.s32 $0xFFFFC000  }
0x77: {  	[spmem:s2] =	stream.indirect.scatter.add.f32 [tilespmem:s7], [sflag:$0x5], $0x80, s0, s29, $0xb8;
	[tilespmem:$0x1BB80] =	vst v63  }
.Ltmp0:
0x78: {  	_ =	swait.ge [sflag:s28], $0x4000;
	(pc) =	sbr.rel @p1 .LBB2_2-.Ltmp0, $4  }
0x79: {  	[sflag:s28] =	ssyncset.done $0x0  }
0x7a: {  	s13 =	sadd.s32 s12, s25;
	[sflag:s28] =	ssyncadd.s32 $0xFFFFC000  }
0x7b: {  	[tilespmem:s31], [sflag:$0x4] =	stream.linear.gather [hbm4b:s13+s3], $0x80, $0x38;
	[tilespmem:$0x1BB80] =	vst v63  }
0x7c: {  	s26 =	sadd.s32 $0x100, s26;
	s12 =	sadd.s32 s12, s24  }
0x7d: {  	[tilespmem:s0], [sflag:$0x4] =	stream.linear.gather [hbm4b:s12+s3], $0x80, $0x38;
	[tilespmem:$0x1BB80] =	vst v63  }
0x7e: {  	_ =	swait.ge [sflag:s6], $0x80  }
0x7f: {  	[sflag:s6] =	ssyncset.done $0x0  }
0x80: {  	[sflag:s6] =	ssyncadd.s32 $0xFFFFFF80  }
0x81: {  	_ =	swait.ge [sflag:s6], $0x80  }
0x82: {  	[sflag:s6] =	ssyncset.done $0x0  }
0x83: {  	[sflag:s6] =	ssyncadd.s32 $0xFFFFFF80  }
0x84: {  	[tilespmem:s7], [sflag:$0x2] =	stream.indirect.gather [hbm4b:s1+s29], $0x80, s31, s29, $0xb8;
	[tilespmem:$0x1BB80] =	vst v63  }
0x85: {  	_ =	swait.ge [sflag:s9], $0x4000  }
0x86: {  	[sflag:s9] =	ssyncset.done $0x0  }
0x87: {  	[sflag:s9] =	ssyncadd.s32 $0xFFFFC000  }
0x88: {  	[spmem:s2] =	stream.indirect.scatter.add.f32 [tilespmem:s30], [sflag:$0x5], $0x80, s29, s29, $0xb8;
	[tilespmem:$0x1BB80] =	vst v63  }
0x89: {  	_ =	swait.ge [sflag:s28], $0x4000  }
0x8a: {  	[sflag:s28] =	ssyncset.done $0x0  }
0x8b: {  	[sflag:s28] =	ssyncadd.s32 $0xFFFFC000  }
0x8c: {  	[tilespmem:s3], [sflag:$0x3] =	stream.linear.gather [hbm4b:s19+s3], $0x80, $0x38;
	[tilespmem:$0x1BB80] =	vst v63  }
0x8d: {  	_ = 	snop  }
0x8e: {  	[tilespmem:s29], [sflag:$0x3] =	stream.linear.gather [hbm4b:s20+s3], $0x80, $0x38;
	[tilespmem:$0x1BB80] =	vst v63  }
0x8f: {  	_ =	swait.ge [sflag:s10], $0x80  }
0x90: {  	[sflag:s10] =	ssyncset.done $0x0  }
0x91: {  	[sflag:s10] =	ssyncadd.s32 $0xFFFFFF80  }
0x92: {  	_ =	swait.ge [sflag:s10], $0x80  }
0x93: {  	[sflag:s10] =	ssyncset.done $0x0  }
0x94: {  	[sflag:s10] =	ssyncadd.s32 $0xFFFFFF80  }
0x95: {  	[tilespmem:s30], [sflag:$0x1] =	stream.indirect.gather [hbm4b:s1+s29], $0x80, s3, s29, $0xb8;
	[tilespmem:$0x1BB80] =	vst v63  }
0x96: {  	_ =	swait.ge [sflag:s11], $0x4000  }
0x97: {  	[sflag:s11] =	ssyncset.done $0x0  }
0x98: {  	[sflag:s11] =	ssyncadd.s32 $0xFFFFC000  }
0x99: {  	[spmem:s2] =	stream.indirect.scatter.add.f32 [tilespmem:s7], [sflag:$0x5], $0x80, s0, s29, $0xb8;
	[tilespmem:$0x1BB80] =	vst v63  }
0x9a: {  	_ =	swait.ge [sflag:s28], $0x4000  }
0x9b: {  	[sflag:s28] =	ssyncset.done $0x0  }
0x9c: {  	[sflag:s28] =	ssyncadd.s32 $0xFFFFC000  }
0x9d: {  	[tilespmem:s31], [sflag:$0x4] =	stream.linear.gather [hbm4b:s21+s3], $0x80, $0x38;
	[tilespmem:$0x1BB80] =	vst v63  }
0x9e: {  	_ = 	snop  }
0x9f: {  	[tilespmem:s0], [sflag:$0x4] =	stream.linear.gather [hbm4b:s22+s3], $0x80, $0x38;
	[tilespmem:$0x1BB80] =	vst v63  }
0xa0: {  	_ =	swait.ge [sflag:s6], $0x80  }
0xa1: {  	[sflag:s6] =	ssyncset.done $0x0  }
0xa2: {  	[sflag:s6] =	ssyncadd.s32 $0xFFFFFF80  }
0xa3: {  	_ =	swait.ge [sflag:s6], $0x80  }
0xa4: {  	[sflag:s6] =	ssyncset.done $0x0  }
0xa5: {  	[sflag:s6] =	ssyncadd.s32 $0xFFFFFF80  }
0xa6: {  	[tilespmem:s7], [sflag:$0x2] =	stream.indirect.gather [hbm4b:s1+s29], $0x80, s31, s29, $0xb8;
	[tilespmem:$0x1BB80] =	vst v63  }
0xa7: {  	_ =	swait.ge [sflag:s9], $0x4000  }
0xa8: {  	[sflag:s9] =	ssyncset.done $0x0  }
0xa9: {  	[sflag:s9] =	ssyncadd.s32 $0xFFFFC000  }
0xaa: {  	[spmem:s2] =	stream.indirect.scatter.add.f32 [tilespmem:s30], [sflag:$0x5], $0x80, s29, s29, $0xb8;
	[tilespmem:$0x1BB80] =	vst v63  }
0xab: {  	_ =	swait.ge [sflag:s28], $0x4000  }
0xac: {  	[sflag:s28] =	ssyncset.done $0x0  }
0xad: {  	[sflag:s28] =	ssyncadd.s32 $0xFFFFC000  }
0xae: {  	[tilespmem:s3], [sflag:$0x3] =	stream.linear.gather [hbm4b:s19+s3], $0x80, $0x38;
	[tilespmem:$0x1BB80] =	vst v63  }
0xaf: {  	_ = 	snop  }
0xb0: {  	[tilespmem:s29], [sflag:$0x3] =	stream.linear.gather [hbm4b:s20+s3], $0x80, $0x38;
	[tilespmem:$0x1BB80] =	vst v63  }
0xb1: {  	_ =	swait.ge [sflag:s10], $0x80  }
0xb2: {  	[sflag:s10] =	ssyncset.done $0x0  }
0xb3: {  	[sflag:s10] =	ssyncadd.s32 $0xFFFFFF80  }
0xb4: {  	_ =	swait.ge [sflag:s10], $0x80  }
0xb5: {  	[sflag:s10] =	ssyncset.done $0x0  }
0xb6: {  	[sflag:s10] =	ssyncadd.s32 $0xFFFFFF80  }
0xb7: {  	_ =	swait.ge [sflag:s11], $0x4000  }
0xb8: {  	[sflag:s11] =	ssyncset.done $0x0  }
0xb9: {  	[sflag:s11] =	ssyncadd.s32 $0xFFFFC000  }
0xba: {  	[spmem:s2] =	stream.indirect.scatter.add.f32 [tilespmem:s7], [sflag:$0x5], $0x80, s0, s29, $0xb8;
	[tilespmem:$0x1BB80] =	vst v63  }
0xbb: {  	_ =	swait.ge [sflag:s28], $0x4000  }
0xbc: {  	[sflag:s28] =	ssyncset.done $0x0  }
0xbd: {  	[sflag:s28] =	ssyncadd.s32 $0xFFFFC000  }
0xbe: {  	[tilespmem:s31], [sflag:$0x4] =	stream.linear.gather [hbm4b:s21+s3], $0x80, $0x38;
	[tilespmem:$0x1BB80] =	vst v63  }
0xbf: {  	_ = 	snop  }
0xc0: {  	[tilespmem:s0], [sflag:$0x4] =	stream.linear.gather [hbm4b:s22+s3], $0x80, $0x38;
	[tilespmem:$0x1BB80] =	vst v63  }
0xc1: {  	_ =	swait.ge [sflag:s6], $0x80  }
0xc2: {  	[sflag:s6] =	ssyncset.done $0x0  }
0xc3: {  	[sflag:s6] =	ssyncadd.s32 $0xFFFFFF80  }
0xc4: {  	_ =	swait.ge [sflag:s6], $0x80  }
0xc5: {  	[sflag:s6] =	ssyncset.done $0x0  }
0xc6: {  	s13 =	simm.s32 $0x200;
	s14 =	rddreg [dreg:$0xb];
	[sflag:s6] =	ssyncadd.s32 $0xFFFFFF80  }
0xc7: {  	[tilespmem:s13], [sflag:$0x5] =	stream.linear.gather [hbm4b:s14+s3], $0x10, $0x38;
	[tilespmem:$0x1BB80] =	vst v63  }
0xc8: {  	_ =	swait.ge [sflag:s28], $0x10  }
0xc9: {  	[sflag:s28] =	ssyncset.done $0x0  }
0xca: {  	s14 =	simm.s32 $0x280;
	s18 =	rddreg [dreg:$0xc];
	[sflag:s28] =	ssyncadd.s32 $0xFFFFFFF0  }
0xcb: {  	[tilespmem:s14], [sflag:$0x5] =	stream.linear.gather [hbm4b:s18+s3], $0x10, $0x38;
	[tilespmem:$0x1BB80] =	vst v63  }
0xcc: {  	_ =	swait.ge [sflag:s28], $0x10  }
0xcd: {  	[sflag:s28] =	ssyncset.done $0x0  }
0xce: {  	s26 =	simm.s32 $0x10;
	[sflag:s28] =	ssyncadd.s32 $0xFFFFFFF0  }
0xcf: {  	[tilespmem:s30], [sflag:$0x1] =	stream.indirect.gather [hbm4b:s1+s26], $0x80, s13, s26, $0xb8;
	[tilespmem:$0x1BB80] =	vst v63  }
0xd0: {  	_ =	swait.ge [sflag:s9], $0x800  }
0xd1: {  	[sflag:s9] =	ssyncset.done $0x0  }
0xd2: {  	[sflag:s9] =	ssyncadd.s32 $0xFFFFF800  }
0xd3: {  	[spmem:s2] =	stream.indirect.scatter.add.f32 [tilespmem:s30], [sflag:$0x5], $0x80, s14, s26, $0xb8;
	[tilespmem:$0x1BB80] =	vst v63  }
0xd4: {  	_ =	swait.ge [sflag:s28], $0x800  }
0xd5: {  	[sflag:s28] =	ssyncset.done $0x0  }
0xd6: {  	[sflag:s28] =	ssyncadd.s32 $0xFFFFF800  }
0xd7: {  	[bflag:$0x0] =	sbarrier.arrive $0xFFFF  }
0xd8: {  	s18 =	rddreg [dreg:$0xd]  }
0xd9: {  	[hbm:s18], [sflag:s8] =	dma.local [spmem:s16], $0x2700  }
0xda: {  	_ =	swait.ge [sflag:s28], $0x2700  }
0xdb: {  	[sflag:s28] =	ssyncset.done $0x0  }
0xdc: {  	s12 =	rddreg [dreg:$0xe];
	[sflag:s28] =	ssyncadd.s32 $0xFFFFD900  }
0xdd: {  	[hbm:s12], [sflag:s8] =	dma.local @!p0 [spmem:s17], $0x100  }
0xde: {  	s12 =	simm.s32 @!p0 $0x5  }
0xdf: {  	_ =	swait.ge @!p0 [sflag:s12], $0x100  }
0xe0: {  	s15 =	sadd.s32 $0x1, s15;
	s26 =	rddreg [dreg:$0xf]  }
0xe1: {  	p1 =	sne.s32 s15, s26  }
.Ltmp1:
0xe2: {  	_ = 	snop;
	(pc) =	sbr.rel @p1 .LBB2_1-.Ltmp1, $3  }
0xe3: {  	_ =	sdelay $0x1  }
0xe4: {  	[sflag:s12] =	ssyncset.done @!p0 $0x0  }
0xe5: {  	[sflag:s12] =	ssyncadd.s32 @!p0 $0xFFFFFF00  }
0xe6: {  	_ =	sfence.sel $0x180000  }
0xe7: {  	[bflag:$0x0] =	sbarrier.arrive $0xFFFF  }
0xe8: {  	_ =	strace $0x9000004D  }
0xe9: {  	[bflag:$0x2] =	sbarrier.arrive $0xFFFF  }
0xea: {  	s0 =	rddreg [dreg:$0x3]  }
0xeb: {  	s0 =	sadd.s32 @!p0 $0x100000, s0  }
0xec: {  	[sflag:s0] =	ssyncadd.tile.s32 @!p0 $0x1;
	_ =	shalt  }
.Lfunc_end2:
_tile_overlayer_lowered:
.L_overlay_start_2:
0xed: {  	(tag) =	ssettag $0x2  }
0xee: {  	s0 =	rddreg [dreg:$0x0];
	s2 =	stileid.u32  }
0xef: {  	s1 =	rddreg [dreg:$0x1];
	p0 =	sne.s32 s2, $0x0  }
0xf0: {  	s3 =	rddreg [dreg:$0x2];
	[bflag:$0x3] =	sbarrier.arrive $0xFFFF;
	s2 =	simm.s32 @!p0 $0x1C05  }
0xf1: {  	[timem:s3], [sflag:s2] =	dma.local @!p0 [hbm:s0], s1  }
0xf2: {  	s0 =	simm.s32 @!p0 $0x5  }
0xf3: {  	_ =	swait.ge @!p0 [sflag:s0], s1  }
0xf4: {  	s1 =	ssub.s32 @!p0 $0x0, s1;
	[sflag:s0] =	ssyncset.done @!p0 $0x0  }
0xf5: {  	[sflag:s0] =	ssyncadd.s32 @!p0 s1  }
0xf6: {  	[bflag:$0x3] =	sbarrier.arrive $0xFFFF  }
0xf7: {  	_ =	shalt  }

// kernel: kernel.19.cloned.1.call-start
scs
__scs_entry_jumppad:
0x0: {  	(pc) =	sbr.rel $0x88, $3  }
0x1: {  	(tag) =	ssettag $0x0;
	lr =	simm.s32 $0x1  }
0x2: {  	[smem:$0x3F9A] =	sst lr;
	_ =	strace $0xD0000000  }
0x3: {  	_ = 	snop  }
0x4: {  	_ = 	snop  }
0x5: {  	_ = 	snop  }
0x6: {  	_ = 	snop  }
0x7: {  	_ = 	snop  }
__scs_overlays_trampoline_lowered:
0x8: {  	[smem:$0x3FA9] =	sst s0  }
0x9: {  	[smem:$0x3FAA] =	sst s1  }
0xa: {  	[smem:$0x3FAB] =	sst s2  }
0xb: {  	[smem:$0x3FAC] =	sst s3  }
0xc: {  	[smem:$0x3FAD] =	sst s4  }
0xd: {  	[smem:$0x3FAE] =	sst s5  }
0xe: {  	[smem:$0x3FAF] =	sst s6  }
0xf: {  	[smem:$0x3FB0] =	sst s7  }
0x10: {  	[smem:$0x3FB1] =	sst s8  }
0x11: {  	[smem:$0x3FB2] =	sst s9;
	s0 =	simm.s32 @!p0 $0x0  }
0x12: {  	s1 =	sld [smem:$0x3F98];
	s0 =	simm.s32 @p0 $0x1  }
0x13: {  	[smem:$0x3FB3] =	sst s0;
	s0 =	simm.s32 @!p1 $0x0  }
0x14: {  	s2 =	sld [smem:$0x3F97];
	s0 =	simm.s32 @p1 $0x1  }
0x15: {  	[smem:$0x3FB4] =	sst s0;
	s0 =	simm.s32 @!p2 $0x0  }
0x16: {  	s3 =	sld [smem:$0x3FDB];
	s0 =	simm.s32 @p2 $0x1  }
0x17: {  	s4 =	simm.s32 $0x1BF5;
	[smem:$0x3FB6] =	sst s0  }
0x18: {  	s0 =	sld [smem:$0x3F99];
	_ =	swait.ge [sflag:s4], $0x0  }
0x19: {  	s7 =	sld [smem:$0x3F9A]  }
0x1a: {  	s8 =	sadd.s32 $0xFFFFE003, lr  }
0x1b: {  	s9 =	sadd.s32 $0xFFFFFEF7, lr;
	s5 =	simm.s32 $0xFFFFFFFF;
	p2 =	slt.u32 s8, $0xFFFFF086  }
0x1c: {  	p1 =	slt.u32 s9, $0xF7A;
	s5 =	simm.s32 @!p2 $0x0  }
0x1d: {  	s5 =	simm.s32 @p1 $0x1;
	p0 =	seq.s32 s7, s2  }
0x1e: {  	s7 =	smul.u32 @!p0 $0xF7A, s2;
	p2 =	seq.s32 @!p0 s5, $0x0  }
0x1f: {  	s9 =	smul.u32 $0xF7A, s1;
	s8 =	simm.s32 @!p0 $0x1BF5;
	p2 =	por !p2, p0  }
0x20: {  	[sflag:s8] =	ssyncset.s32 @!p0 $0xFFFFF086;
	s6 =	sadd.s32 @!p0 s3, s7;
	s7 =	simm.s32 @!p0 $0x108  }
0x21: {  	s3 =	sadd.s32 s3, s9;
	s6 =	sadd.s32 @!p0 $0x88, s6;
	s7 =	simm.s32 @p2 $0x1082  }
0x22: {  	[simem:s7], [sflag:s8] =	dma.local @!p0 [hbm:s6], $0xF7A  }
0x23: {  	s9 =	sor.u32 $0xD0000000, s2;
	s6 =	simm.s32 $0x108;
	_ =	swait.ge @!p0 [sflag:s8], $0x0  }
0x24: {  	s3 =	sadd.s32 $0x88, s3;
	s6 =	simm.s32 @!p1 $0x1082;
	[sflag:s4] =	ssyncset.s32 $0xFFFFF086  }
0x25: {  	[simem:s6], [sflag:s4] =	dma.local [hbm:s3], $0xF7A  }
0x26: {  	[smem:$0x3F9A] =	sst s1;
	(tag) =	ssettag s2;
	_ =	strace s9  }
0x27: {  	s1 =	sld [smem:$0x3FAA]  }
0x28: {  	s2 =	sld [smem:$0x3FAB]  }
0x29: {  	s4 =	sld [smem:$0x3FAD]  }
0x2a: {  	p0 =	seq.s32 s5, $0x0;
	s5 =	sld [smem:$0x3FAE]  }
0x2b: {  	s6 =	sld [smem:$0x3FAF]  }
0x2c: {  	s7 =	sld [smem:$0x3FB0]  }
0x2d: {  	s3 =	simm.s32 $0x108;
	s8 =	sld [smem:$0x3FB1]  }
0x2e: {  	s3 =	simm.s32 @!p0 $0x1082;
	s9 =	sld [smem:$0x3FB2]  }
0x2f: {  	lr =	sadd.s32 s0, s3;
	s0 =	sld [smem:$0x3FA9]  }
0x30: {  	s3 =	sld [smem:$0x3FAC]  }
0x31: {  	[smem:$0x3FB5] =	sst s10  }
0x32: {  	s10 =	sld [smem:$0x3FB3];
	_ =	sdelay $0x3  }
0x33: {  	p0 =	seq.s32 s10, $0x1;
	s10 =	sld [smem:$0x3FB5];
	_ =	sdelay $0x3  }
0x34: {  	[smem:$0x3FB5] =	sst s10  }
0x35: {  	s10 =	sld [smem:$0x3FB4];
	_ =	sdelay $0x3  }
0x36: {  	p1 =	seq.s32 s10, $0x1;
	s10 =	sld [smem:$0x3FB5];
	_ =	sdelay $0x3  }
0x37: {  	[smem:$0x3FB5] =	sst s10  }
0x38: {  	s10 =	sld [smem:$0x3FB6]  }
0x39: {  	_ = 	snop;
	(pc) =	sbr.ind lr, $3  }
0x3a: {  	_ = 	snop  }
0x3b: {  	_ = 	snop  }
0x3c: {  	p2 =	seq.s32 s10, $0x1;
	s10 =	sld [smem:$0x3FB5]  }
0x3d: {  	_ =	shalt  }
0x3e: {  	_ =	shalt  }
0x3f: {  	_ =	shalt  }
0x40: {  	_ =	shalt  }
0x41: {  	_ =	shalt  }
0x42: {  	_ =	shalt  }
0x43: {  	_ =	shalt  }
0x44: {  	_ =	shalt  }
0x45: {  	_ =	shalt  }
0x46: {  	_ =	shalt  }
0x47: {  	_ =	shalt  }
0x48: {  	_ =	shalt  }
0x49: {  	_ =	shalt  }
0x4a: {  	_ =	shalt  }
0x4b: {  	_ =	shalt  }
0x4c: {  	_ =	shalt  }
0x4d: {  	_ =	shalt  }
0x4e: {  	_ =	shalt  }
0x4f: {  	_ =	shalt  }
0x50: {  	_ =	shalt  }
0x51: {  	_ =	shalt  }
0x52: {  	_ =	shalt  }
0x53: {  	_ =	shalt  }
0x54: {  	_ =	shalt  }
0x55: {  	_ =	shalt  }
0x56: {  	_ =	shalt  }
0x57: {  	_ =	shalt  }
0x58: {  	_ =	shalt  }
0x59: {  	_ =	shalt  }
0x5a: {  	_ =	shalt  }
0x5b: {  	_ =	shalt  }
0x5c: {  	_ =	shalt  }
0x5d: {  	_ =	shalt  }
0x5e: {  	_ =	shalt  }
0x5f: {  	_ =	shalt  }
0x60: {  	_ =	shalt  }
0x61: {  	_ =	shalt  }
0x62: {  	_ =	shalt  }
0x63: {  	_ =	shalt  }
0x64: {  	_ =	shalt  }
0x65: {  	_ =	shalt  }
0x66: {  	_ =	shalt  }
0x67: {  	_ =	shalt  }
0x68: {  	_ =	shalt  }
0x69: {  	_ =	shalt  }
0x6a: {  	_ =	shalt  }
0x6b: {  	_ =	shalt  }
0x6c: {  	_ =	shalt  }
0x6d: {  	_ =	shalt  }
0x6e: {  	_ =	shalt  }
0x6f: {  	_ =	shalt  }
0x70: {  	_ =	shalt  }
0x71: {  	_ =	shalt  }
0x72: {  	_ =	shalt  }
0x73: {  	_ =	shalt  }
0x74: {  	_ =	shalt  }
0x75: {  	_ =	shalt  }
0x76: {  	_ =	shalt  }
0x77: {  	_ =	shalt  }
0x78: {  	_ =	shalt  }
0x79: {  	_ =	shalt  }
0x7a: {  	_ =	shalt  }
0x7b: {  	_ =	shalt  }
0x7c: {  	_ =	shalt  }
0x7d: {  	_ =	shalt  }
0x7e: {  	_ =	shalt  }
0x7f: {  	_ =	shalt  }
0x80: {  	_ =	shalt  }
0x81: {  	_ =	shalt  }
0x82: {  	_ =	shalt  }
0x83: {  	_ =	shalt  }
0x84: {  	_ =	shalt  }
0x85: {  	_ =	shalt  }
0x86: {  	_ =	shalt  }
0x87: {  	_ =	shalt  }
.Lfunc_end0:
.L_simem_size_0:
called_computation.3_lowered:
.L_overlay_start_0:
0x88: {  	s2 =	sld [smem:$0x3FD9]  }
0x89: {  	s3 =	sld [smem:$0x3FFE];
	_ =	sdelay $0x1  }
0x8a: {  	s1 =	srdreg.scid  }
0x8b: {  	s0 =	sand.u32 $0x1, s1  }
0x8c: {  	s17 =	sshll.u32 s0, $0xA;
	s2 =	sadd.s32 s3, s2  }
0x8d: {  	s2 =	sadd.s32 s2, s17  }
0x8e: {  	[smem:$0x3FC1] =	sst s2  }
0x8f: {  	_ = 	snop  }
0x90: {  	s2 =	sld [smem:$0x3FD0];
	(tm) =	ssettm $0x1  }
0x91: {  	s18 =	sld [smem:$0x3FFB];
	_ =	sdelay $0x3  }
0x92: {  	_ =	strace s18  }
0x93: {  	s3 =	sld [smem:$0x3FFC];
	_ =	sdelay $0x3  }
0x94: {  	_ =	strace s3  }
0x95: {  	s3 =	sld [smem:$0x3FFD];
	_ =	sdelay $0x3  }
0x96: {  	_ =	strace s3  }
0x97: {  	_ =	strace $0x8FFFFFFF  }
0x98: {  	s19 =	sld [smem:$0x3FDB];
	_ =	sdelay $0x1  }
0x99: {  	s4 =	simm.s32 $_scs_section_size  }
0x9a: {  	s5 =	simm.s32 $_size__tile_overlayer_lowered;
	s6 =	simm.s32 $_tile_overlayer_lowered  }
0x9b: {  	s22 =	simm.s32 $0x1BFF;
	s21 =	sshll.u32 s6, $0x1;
	s3 =	sadd.s32 s4, s19  }
0x9c: {  	s7 =	simm.s32 $0x0;
	s20 =	sshll.u32 s5, $0x1;
	s5 =	sadd.s32 s21, s3  }
0x9d: {  	[timem:s7], [sflag:s22] =	dma.local [hbm:s5], s20  }
0x9e: {  	_ =	swait.ge [sflag:s22], s20  }
0x9f: {  	s4 =	ssub.s32 $0x0, s20;
	[sflag:s22] =	ssyncset.done $0x0  }
0xa0: {  	[sflag:s22] =	ssyncadd.s32 s4;
	_ =	sdelay $0x1  }
0xa1: {  	s23 =	simm.s32 $0x1B8B  }
0xa2: {  	_ =	swait.ge [sflag:s23], $0x1  }
0xa3: {  	[sflag:s23] =	ssyncset.done $0x0  }
0xa4: {  	s25 =	simm.s32 $0x1B8E;
	s24 =	sld [smem:$0x3FFE];
	[sflag:s23] =	ssyncadd.s32 $0xFFFFFFFF  }
0xa5: {  	s26 =	simm.s32 $execute0_lowered;
	[smem:$0x3FD2] =	sst s25  }
0xa6: {  	s5 =	sshll.u32 s26, $0x1;
	_ =	strace $0x8000004F;
	[dreg:$0x1] =	wrdreg $0xFFFFFFFF  }
0xa7: {  	s28 =	simm.s32 $_size_execute0_lowered;
	s3 =	sadd.s32 s3, s5;
	[dreg:$0x0] =	wrdreg $0x0  }
0xa8: {  	s5 =	sshll.u32 s28, $0x1;
	[dreg:$0x2] =	wrdreg s3  }
0xa9: {  	[dreg:$0x3] =	wrdreg s5  }
0xaa: {  	[dreg:$0x4] =	wrdreg $0xC0  }
0xab: {  	_ =	task [dreg:s7], $0x5FFFF  }
0xac: {  	[dreg:$0x1] =	wrdreg $0xFFFFFFFF  }
0xad: {  	[dreg:$0x0] =	wrdreg $0x60  }
0xae: {  	[dreg:$0x2] =	wrdreg s2  }
0xaf: {  	[dreg:$0x3] =	wrdreg s24  }
0xb0: {  	[dreg:$0x4] =	wrdreg $0x9  }
0xb1: {  	_ =	task.clear_ibuf [dreg:s7], $0x5FFFF;
	_ =	strace $0x9000004F  }
0xb2: {  	s29 =	simm.s32 $0x9;
	_ =	strace $0x80000051  }
0xb3: {  	_ =	swait.ge [sflag:s29], $0x1  }
0xb4: {  	[sflag:s29] =	ssyncadd.s32 $0xFFFFFFFF  }
0xb5: {  	_ =	strace $0x90000051  }
0xb6: {  	_ =	sfence  }
0xb7: {  	s30 =	sld [smem:$0x0];
	_ =	sdelay $0x2  }
0xb8: {  	s31 =	sshll.u32 s1, $0xD;
	s1 =	sshrl.u32 s1, $0x2  }
0xb9: {  	s3 =	sand.u32 $0x4000, s31;
	s1 =	sadd.s32 s1, s30  }
0xba: {  	s0 =	sor.u32 s3, s0;
	s1 =	sshll.u32 s1, $0x11  }
0xbb: {  	s0 =	sor.u32 s1, s0  }
0xbc: {  	s0 =	sadd.s32 $0x8F2B, s0  }
0xbd: {  	[sflag:s0] =	ssyncadd.remote.s32 $0x1  }
0xbe: {  	_ =	sfence.sel $0xFFFF  }
0xbf: {  	[dreg:$0x0] =	wrdreg $0xFFFFFFFF;
	(pc) =	sbr.abs _section_cstart, $3  }
0xc0: {  	[dreg:$0x1] =	wrdreg $0xFFFFFFFF  }
0xc1: {  	_ =	task.clear_ibuf [dreg:s7], $0x2FFFF;
	_ =	strace $0x9FFFFFFF  }
0xc2: {  	(tm) =	ssettm $0x7FFFFFFF  }
0xc3: {  	_ =	shalt  }
tec
execute0_lowered:
.L_overlay_start_1:
0x0: {  	(tag) =	ssettag $0x1  }
0x1: {  	s1 =	rddreg [dreg:$0x0]  }
0x2: {  	s9 =	rddreg [dreg:$0x1]  }
0x3: {  	s0 =	rddreg [dreg:$0x2]  }
0x4: {  	s2 =	simm.s32 $0x0;
	s3 =	srdreg.scid;
	s8 =	simm.s32 $0x300  }
0x5: {  	s19 =	simm.s32 $0x4;
	s20 =	simm.s32 $0x4180;
	s21 =	simm.s32 $0x1  }
0x6: {  	s22 =	simm.s32 $0x3;
	s24 =	simm.s32 $0x0;
	[smem:$0x7FF] =	sst s2  }
0x7: {  	s7 =	sadd.s32 $0x8C000, s9;
	s13 =	sand.u32 $0x1, s3;
	s3 =	stileid.u32  }
0x8: {  	s14 =	sadd.s32 $0x8F200, s9;
	_ =	strace $0x80000050;
	s4 =	ssub.s32 $0x2, s13  }
0x9: {  	s5 =	sshll.u32 s13, $0x4;
	s13 =	sshll.u32 s13, $0xF;
	s18 =	sshll.u32 s3, $0xB  }
0xa: {  	s6 =	sshrl.u32 s4, $0x1;
	s23 =	sor.u32 s3, s5;
	s17 =	sadd.s32 s13, s14  }
0xb: {  	p0 =	slt.u32 s23, $0xD;
	s5 =	sshll.u32 s23, $0x4;
	s11 =	ssub.s32 s4, s6  }
0xc: {  	s6 =	simm.s32 $0x18;
	s12 =	sshll.u32 s23, $0xB;
	s4 =	sadd.s32 s7, s5  }
0xd: {  	s8 =	simm.s32 @!p0 $0x2E0;
	s6 =	simm.s32 @!p0 $0x17;
	s15 =	sadd.s32 s12, s14  }
0xe: {  	s11 =	smax.u32 s11, $0x1;
	p0 =	sgt.u32 s23, $0xC;
	s5 =	sadd.s32 $0x200, s4  }
0xf: {  	s10 =	sor.u32 s23, s8;
	s12 =	sadd.s32 $0x160000, s15;
	s16 =	sshll.u32 s6, $0x9  }
0x10: {  	p1 =	sne.s32 @p0 s23, $0x1F;
	s23 =	simm.s32 $0x2;
	s8 =	sshll.u32 s10, $0x4  }
0x11: {  	s10 =	sshll.u32 s10, $0xB;
	s13 =	sadd.s32 s16, s4;
	s16 =	simm.s32 $0x5  }
0x12: {  	p1 =	por p1, !p0;
	s7 =	sadd.s32 s7, s8;
	s8 =	sadd.s32 $0x8F0D0, s9  }
0x13: {  	s9 =	sadd.s32 $0x215A00, s9;
	s10 =	sadd.s32 s14, s10;
	s14 =	sadd.s32 $0x170000, s15  }
0x14: {  	s15 =	sadd.s32 s18, s17;
	s17 =	simm.s32 $0x80;
	s18 =	simm.s32 $0x180  }
.LBB2_1:
0x15: {  	[tilespmem:s2], [sflag:$0x5] =	stream.linear.gather [hbm4b:s4+s2], $0x80, $0x38;
	[tilespmem:$0x8180] =	vst v63  }
0x16: {  	_ =	swait.ge [sflag:s16], $0x80  }
0x17: {  	[sflag:s16] =	ssyncset.done $0x0  }
0x18: {  	[sflag:s16] =	ssyncadd.s32 $0xFFFFFF80  }
0x19: {  	[tilespmem:s18], [sflag:$0x1] =	stream.indirect.gather [hbm4b:s1+s17], $0x80, s2, s17, $0xb8;
	[tilespmem:$0x8180] =	vst v63  }
0x1a: {  	_ = 	snop  }
0x1b: {  	[tilespmem:s17], [sflag:$0x4] =	stream.linear.gather [hbm4b:s5+s2], $0x80, $0x38;
	[tilespmem:$0x8180] =	vst v63  }
0x1c: {  	_ =	swait.ge [sflag:s19], $0x80  }
0x1d: {  	[sflag:s19] =	ssyncset.done $0x0  }
0x1e: {  	[sflag:s19] =	ssyncadd.s32 $0xFFFFFF80  }
0x1f: {  	[tilespmem:s20], [sflag:$0x2] =	stream.indirect.gather [hbm4b:s1+s17], $0x80, s17, s17, $0xb8;
	[tilespmem:$0x8180] =	vst v63  }
0x20: {  	_ =	swait.ge [sflag:s21], $0x4000  }
0x21: {  	[sflag:s21] =	ssyncset.done $0x0  }
0x22: {  	s25 =	simm.s32 $0x2;
	[sflag:s21] =	ssyncadd.s32 $0xFFFFC000  }
0x23: {  	[hbm4b:s15+s2] =	stream.linear.scatter [tilespmem:s18], [sflag:$0x5], $0x4000, $0x38;
	[tilespmem:$0x8180] =	vst v63  }
0x24: {  	s25 =	smin.u32 s25, s6;
	_ =	swait.ge [sflag:s16], $0x4000  }
0x25: {  	s25 =	sshll.u32 s25, $0x9;
	[sflag:s16] =	ssyncset.done $0x0  }
0x26: {  	s25 =	sadd.s32 s25, s4;
	[sflag:s16] =	ssyncadd.s32 $0xFFFFC000  }
0x27: {  	[tilespmem:s2], [sflag:$0x3] =	stream.linear.gather [hbm4b:s25+s2], $0x80, $0x38;
	[tilespmem:$0x8180] =	vst v63  }
0x28: {  	_ =	swait.ge [sflag:s22], $0x80  }
0x29: {  	[sflag:s22] =	ssyncset.done $0x0  }
0x2a: {  	[sflag:s22] =	ssyncadd.s32 $0xFFFFFF80  }
0x2b: {  	[tilespmem:s18], [sflag:$0x1] =	stream.indirect.gather [hbm4b:s1+s17], $0x80, s2, s17, $0xb8;
	[tilespmem:$0x8180] =	vst v63  }
0x2c: {  	_ =	swait.ge [sflag:s23], $0x4000  }
0x2d: {  	[sflag:s23] =	ssyncset.done $0x0  }
0x2e: {  	s31 =	sadd.s32 $0x10000, s15;
	s26 =	smin.u32 s22, s6;
	[sflag:s23] =	ssyncadd.s32 $0xFFFFC000  }
0x2f: {  	[hbm4b:s31+s2] =	stream.linear.scatter [tilespmem:s20], [sflag:$0x5], $0x4000, $0x38;
	[tilespmem:$0x8180] =	vst v63  }
0x30: {  	s26 =	sshll.u32 s26, $0x9;
	_ =	swait.ge [sflag:s16], $0x4000  }
0x31: {  	s28 =	sadd.s32 s26, s4;
	[sflag:s16] =	ssyncset.done $0x0  }
0x32: {  	s26 =	sadd.s32 $0x20000, s15;
	s25 =	simm.s32 $0x5;
	[sflag:s16] =	ssyncadd.s32 $0xFFFFC000  }
.LBB2_2:
0x33: {  	[tilespmem:s17], [sflag:$0x4] =	stream.linear.gather [hbm4b:s28+s2], $0x80, $0x38;
	[tilespmem:$0x8180] =	vst v63  }
0x34: {  	s28 =	smov.u32 s25  }
0x35: {  	p2 =	sne.s32 s25, $0x17;
	s25 =	sadd.s32 $0x2, s25;
	_ =	swait.ge [sflag:s19], $0x80  }
0x36: {  	[sflag:s19] =	ssyncset.done $0x0  }
0x37: {  	[sflag:s19] =	ssyncadd.s32 $0xFFFFFF80  }
0x38: {  	[tilespmem:s20], [sflag:$0x2] =	stream.indirect.gather [hbm4b:s1+s17], $0x80, s17, s17, $0xb8;
	[tilespmem:$0x8180] =	vst v63  }
0x39: {  	_ =	swait.ge [sflag:s21], $0x4000  }
0x3a: {  	[sflag:s21] =	ssyncset.done $0x0  }
0x3b: {  	s29 =	sadd.s32 $0xFFFFFFFF, s28;
	[sflag:s21] =	ssyncadd.s32 $0xFFFFC000  }
0x3c: {  	[hbm4b:s26+s2] =	stream.linear.scatter [tilespmem:s18], [sflag:$0x5], $0x4000, $0x38;
	[tilespmem:$0x8180] =	vst v63  }
0x3d: {  	s29 =	smin.u32 s29, s6;
	_ =	swait.ge [sflag:s16], $0x4000  }
0x3e: {  	s29 =	sshll.u32 s29, $0x9;
	[sflag:s16] =	ssyncset.done $0x0  }
0x3f: {  	s29 =	sadd.s32 s29, s4;
	[sflag:s16] =	ssyncadd.s32 $0xFFFFC000  }
0x40: {  	[tilespmem:s2], [sflag:$0x3] =	stream.linear.gather [hbm4b:s29+s2], $0x80, $0x38;
	[tilespmem:$0x8180] =	vst v63  }
0x41: {  	_ =	swait.ge [sflag:s22], $0x80  }
0x42: {  	[sflag:s22] =	ssyncset.done $0x0  }
0x43: {  	[sflag:s22] =	ssyncadd.s32 $0xFFFFFF80  }
0x44: {  	[tilespmem:s18], [sflag:$0x1] =	stream.indirect.gather [hbm4b:s1+s17], $0x80, s2, s17, $0xb8;
	[tilespmem:$0x8180] =	vst v63  }
0x45: {  	_ =	swait.ge [sflag:s23], $0x4000  }
0x46: {  	[sflag:s23] =	ssyncset.done $0x0  }
.Ltmp0:
0x47: {  	s29 =	sadd.s32 $0x10000, s26;
	[sflag:s23] =	ssyncadd.s32 $0xFFFFC000;
	(pc) =	sbr.rel @p2 .LBB2_2-.Ltmp0, $4  }
0x48: {  	[hbm4b:s29+s2] =	stream.linear.scatter [tilespmem:s20], [sflag:$0x5], $0x4000, $0x38;
	[tilespmem:$0x8180] =	vst v63  }
0x49: {  	s28 =	smin.u32 s28, s6;
	_ =	swait.ge [sflag:s16], $0x4000  }
0x4a: {  	s28 =	sshll.u32 s28, $0x9;
	[sflag:s16] =	ssyncset.done $0x0  }
0x4b: {  	s28 =	sadd.s32 s28, s4;
	s26 =	sadd.s32 $0x20000, s26;
	[sflag:s16] =	ssyncadd.s32 $0xFFFFC000  }
0x4c: {  	[tilespmem:s17], [sflag:$0x4] =	stream.linear.gather [hbm4b:s28+s2], $0x80, $0x38;
	[tilespmem:$0x8180] =	vst v63  }
0x4d: {  	_ =	swait.ge [sflag:s19], $0x80  }
0x4e: {  	[sflag:s19] =	ssyncset.done $0x0  }
0x4f: {  	[sflag:s19] =	ssyncadd.s32 $0xFFFFFF80  }
0x50: {  	[tilespmem:s20], [sflag:$0x2] =	stream.indirect.gather [hbm4b:s1+s17], $0x80, s17, s17, $0xb8;
	[tilespmem:$0x8180] =	vst v63  }
0x51: {  	_ =	swait.ge [sflag:s21], $0x4000  }
0x52: {  	[sflag:s21] =	ssyncset.done $0x0  }
0x53: {  	[sflag:s21] =	ssyncadd.s32 $0xFFFFC000  }
0x54: {  	[hbm4b:s12+s2] =	stream.linear.scatter [tilespmem:s18], [sflag:$0x5], $0x4000, $0x38;
	[tilespmem:$0x8180] =	vst v63  }
0x55: {  	_ =	swait.ge [sflag:s16], $0x4000  }
0x56: {  	[sflag:s16] =	ssyncset.done $0x0  }
0x57: {  	[sflag:s16] =	ssyncadd.s32 $0xFFFFC000  }
0x58: {  	[tilespmem:s2], [sflag:$0x3] =	stream.linear.gather [hbm4b:s13+s2], $0x80, $0x38;
	[tilespmem:$0x8180] =	vst v63  }
0x59: {  	_ =	swait.ge [sflag:s22], $0x80  }
0x5a: {  	[sflag:s22] =	ssyncset.done $0x0  }
0x5b: {  	[sflag:s22] =	ssyncadd.s32 $0xFFFFFF80  }
0x5c: {  	_ =	swait.ge [sflag:s23], $0x4000  }
0x5d: {  	[sflag:s23] =	ssyncset.done $0x0  }
0x5e: {  	[sflag:s23] =	ssyncadd.s32 $0xFFFFC000  }
0x5f: {  	[hbm4b:s14+s2] =	stream.linear.scatter [tilespmem:s20], [sflag:$0x5], $0x4000, $0x38;
	[tilespmem:$0x8180] =	vst v63  }
0x60: {  	_ =	swait.ge [sflag:s16], $0x4000  }
0x61: {  	[sflag:s16] =	ssyncset.done $0x0  }
0x62: {  	[sflag:s16] =	ssyncadd.s32 $0xFFFFC000  }
0x63: {  	[tilespmem:s17], [sflag:$0x4] =	stream.linear.gather [hbm4b:s13+s2], $0x80, $0x38;
	[tilespmem:$0x8180] =	vst v63  }
0x64: {  	_ =	swait.ge [sflag:s19], $0x80  }
0x65: {  	s25 =	simm.s32 @!p1 $0x0;
	[sflag:s19] =	ssyncset.done $0x0  }
0x66: {  	s26 =	simm.s32 @!p1 $0x100;
	s28 =	simm.s32 @!p1 $0x5;
	[sflag:s19] =	ssyncadd.s32 $0xFFFFFF80  }
0x67: {  	[tilespmem:s26], [sflag:$0x5] =	stream.linear.gather @!p1 [hbm4b:s8+s25], $0x20, $0x38;
	[tilespmem:$0x8180] =	vst v63  }
0x68: {  	_ =	swait.ge @!p1 [sflag:s28], $0x20  }
0x69: {  	[sflag:s28] =	ssyncset.done @!p1 $0x0  }
0x6a: {  	s29 =	simm.s32 @!p1 $0x20;
	s30 =	simm.s32 @!p1 $0x180;
	[sflag:s28] =	ssyncadd.s32 @!p1 $0xFFFFFFE0  }
0x6b: {  	[tilespmem:s30], [sflag:$0x1] =	stream.indirect.gather @!p1 [hbm4b:s1+s29], $0x80, s26, s29, $0xb8;
	[tilespmem:$0x8180] =	vst v63  }
0x6c: {  	s26 =	simm.s32 @!p1 $0x1  }
0x6d: {  	_ =	swait.ge @!p1 [sflag:s26], $0x1000  }
0x6e: {  	[sflag:s26] =	ssyncset.done @!p1 $0x0  }
0x6f: {  	[sflag:s26] =	ssyncadd.s32 @!p1 $0xFFFFF000  }
0x70: {  	[hbm4b:s9+s25] =	stream.linear.scatter @!p1 [tilespmem:s30], [sflag:$0x5], $0x1000, $0x38;
	[tilespmem:$0x8180] =	vst v63  }
0x71: {  	_ =	swait.ge @!p1 [sflag:s28], $0x1000  }
0x72: {  	[sflag:s28] =	ssyncset.done @!p1 $0x0  }
0x73: {  	s26 =	simm.s32 @!p0 $0x5;
	s25 =	simm.s32 @!p0 $0x0;
	[sflag:s28] =	ssyncadd.s32 @!p1 $0xFFFFF000  }
0x74: {  	[tilespmem:s25], [sflag:$0x5] =	stream.linear.gather @!p0 [hbm4b:s7+s25], $0x80, $0x38;
	[tilespmem:$0x8180] =	vst v63  }
0x75: {  	_ =	swait.ge @!p0 [sflag:s26], $0x80  }
0x76: {  	[sflag:s26] =	ssyncset.done @!p0 $0x0  }
0x77: {  	s29 =	simm.s32 @!p0 $0x180;
	s28 =	simm.s32 @!p0 $0x80;
	[sflag:s26] =	ssyncadd.s32 @!p0 $0xFFFFFF80  }
0x78: {  	[tilespmem:s29], [sflag:$0x1] =	stream.indirect.gather @!p0 [hbm4b:s1+s28], $0x80, s25, s28, $0xb8;
	[tilespmem:$0x8180] =	vst v63  }
0x79: {  	s28 =	simm.s32 @!p0 $0x1  }
0x7a: {  	s24 =	sadd.s32 $0x1, s24;
	_ =	swait.ge @!p0 [sflag:s28], $0x4000  }
0x7b: {  	p2 =	sne.s32 s24, s11;
	[sflag:s28] =	ssyncset.done @!p0 $0x0  }
.Ltmp1:
0x7c: {  	[sflag:s28] =	ssyncadd.s32 @!p0 $0xFFFFC000;
	(pc) =	sbr.rel @p2 .LBB2_1-.Ltmp1, $4  }
0x7d: {  	[hbm4b:s10+s25] =	stream.linear.scatter @!p0 [tilespmem:s29], [sflag:$0x5], $0x4000, $0x38;
	[tilespmem:$0x8180] =	vst v63  }
0x7e: {  	_ =	swait.ge @!p0 [sflag:s26], $0x4000  }
0x7f: {  	[sflag:s26] =	ssyncset.done @!p0 $0x0  }
0x80: {  	[sflag:s26] =	ssyncadd.s32 @!p0 $0xFFFFC000  }
0x81: {  	_ =	sfence.sel $0x180000  }
0x82: {  	[bflag:$0x0] =	sbarrier.arrive $0xFFFF  }
0x83: {  	p0 =	sne.s32 s3, $0x0;
	_ =	strace $0x90000050  }
0x84: {  	s0 =	sadd.s32 @!p0 $0x100000, s0;
	[bflag:$0x2] =	sbarrier.arrive $0xFFFF  }
0x85: {  	[sflag:s0] =	ssyncadd.tile.s32 @!p0 $0x1;
	_ =	shalt  }
.Lfunc_end2:
_tile_overlayer_lowered:
.L_overlay_start_2:
0x86: {  	(tag) =	ssettag $0x2  }
0x87: {  	s0 =	rddreg [dreg:$0x0];
	s2 =	stileid.u32  }
0x88: {  	s1 =	rddreg [dreg:$0x1];
	p0 =	sne.s32 s2, $0x0  }
0x89: {  	s3 =	rddreg [dreg:$0x2];
	[bflag:$0x3] =	sbarrier.arrive $0xFFFF;
	s2 =	simm.s32 @!p0 $0x1C05  }
0x8a: {  	[timem:s3], [sflag:s2] =	dma.local @!p0 [hbm:s0], s1  }
0x8b: {  	s0 =	simm.s32 @!p0 $0x5  }
0x8c: {  	_ =	swait.ge @!p0 [sflag:s0], s1  }
0x8d: {  	s1 =	ssub.s32 @!p0 $0x0, s1;
	[sflag:s0] =	ssyncset.done @!p0 $0x0  }
0x8e: {  	[sflag:s0] =	ssyncadd.s32 @!p0 s1  }
0x8f: {  	[bflag:$0x3] =	sbarrier.arrive $0xFFFF  }
0x90: {  	_ =	shalt  }

</sc_bundles>
